<compile_context>
chip_gen: v7x
topology: tpu7x:2x2x1
jax: 0.10.2.dev20260603
libtpu: 0.0.44.dev20260713+nightly
codegen_flags: <defaults>
</compile_context>

<pallas_src>
import functools

import jax
import jax.numpy as jnp
from jax import lax
from jax.experimental import pallas as pl
from jax.experimental.pallas import tpu as pltpu
from jax.experimental.pallas import tpu_sc as plsc

N = 10000
E = 320000
D1 = 128
EMB = 64
NUM_R = 5000

NC = 2
NS = 16
CHUNK = 125
NROW = E // CHUNK
ROWS_PER_SUB = NROW // NS
ROWS_PER_WORKER = NROW // (NC * NS)
SEG = 624
SEG_LAST = N - (NS - 1) * SEG

@functools.cache
def _mesh():
  return plsc.VectorSubcoreMesh(core_axis_name="c", subcore_axis_name="s",
                                num_cores=NC, num_subcores=NS)


NBUF = 5


def _spmm_phase(table_hbm, edges_hbm, zeros_hbm, out_hbm,
                src_v, dst_v, rows, acc, semg, sems,
                sid, nrows, row_base):
  @pl.when(sid < NS - 1)
  def _():
    pltpu.sync_copy(zeros_hbm.at[pl.ds(sid * SEG, SEG)],
                    acc.at[pl.ds(sid * SEG, SEG)])

  @pl.when(sid == NS - 1)
  def _():
    pltpu.sync_copy(zeros_hbm.at[pl.ds((NS - 1) * SEG, SEG_LAST)],
                    acc.at[pl.ds((NS - 1) * SEG, SEG_LAST)])

  pltpu.sync_copy(edges_hbm.at[0, pl.ds(row_base, nrows)],
                  src_v.at[pl.ds(0, nrows)])
  pltpu.sync_copy(edges_hbm.at[1, pl.ds(row_base, nrows)],
                  dst_v.at[pl.ds(0, nrows)])
  plsc.subcore_barrier()

  for b in range(NBUF - 1):
    pltpu.async_copy(table_hbm.at[src_v.at[b]], rows[b], semg[b])

  def body(k, carry):
    for b in range(NBUF):
      j = NBUF * k + b
      pltpu.make_async_copy(table_hbm.at[src_v.at[j]], rows[b],
                            semg[b]).wait()
      pltpu.async_copy(rows[b], acc.at[dst_v.at[j]], sems[b], add=True)

      bp = (b + NBUF - 1) % NBUF

      @pl.when(j >= 1)
      def _():
        pltpu.make_async_copy(rows[bp], acc.at[dst_v.at[j - 1]],
                              sems[bp]).wait()

      bn = bp

      @pl.when(j + NBUF - 1 < nrows)
      def _():
        pltpu.async_copy(table_hbm.at[src_v.at[j + NBUF - 1]], rows[bn],
                         semg[bn])
    return carry

  lax.fori_loop(0, nrows // NBUF, body, 0)
  pltpu.make_async_copy(rows[NBUF - 1], acc.at[dst_v.at[nrows - 1]],
                        sems[NBUF - 1]).wait()
  plsc.subcore_barrier()

  @pl.when(sid < NS - 1)
  def _():
    pltpu.sync_copy(acc.at[pl.ds(sid * SEG, SEG)],
                    out_hbm.at[pl.ds(sid * SEG, SEG)])

  @pl.when(sid == NS - 1)
  def _():
    pltpu.sync_copy(acc.at[pl.ds((NS - 1) * SEG, SEG_LAST)],
                    out_hbm.at[pl.ds((NS - 1) * SEG, SEG_LAST)])


def _sc_dual_kernel(h1_hbm, x_hbm, eg_hbm, eh_hbm, zeros_hbm,
                    s1_hbm, sh_hbm, src_v, dst_v, *bufs):
  cid = lax.axis_index("c")
  sid = lax.axis_index("s")
  base = sid * ROWS_PER_SUB
  rows = bufs[:NBUF]
  acc = bufs[NBUF]
  semg = bufs[NBUF + 1:NBUF + 1 + NBUF]
  sems = bufs[NBUF + 1 + NBUF:]

  @pl.when(cid == 0)
  def _():
    _spmm_phase(h1_hbm, eg_hbm, zeros_hbm, s1_hbm,
                src_v, dst_v, rows, acc, semg, sems,
                sid, ROWS_PER_SUB, base)

  @pl.when(cid == 1)
  def _():
    _spmm_phase(x_hbm, eh_hbm, zeros_hbm, sh_hbm,
                src_v, dst_v, rows, acc, semg, sems,
                sid, ROWS_PER_SUB, base)


def _sc_single_kernel(h2_hbm, eg_hbm, zeros_hbm, s2a_hbm, s2b_hbm,
                      src_v, dst_v, *bufs):
  cid = lax.axis_index("c")
  sid = lax.axis_index("s")
  wid = sid * NC + cid
  base = wid * ROWS_PER_WORKER
  rows = bufs[:NBUF]
  acc = bufs[NBUF]
  semg = bufs[NBUF + 1:NBUF + 1 + NBUF]
  sems = bufs[NBUF + 1 + NBUF:]

  @pl.when(cid == 0)
  def _():
    _spmm_phase(h2_hbm, eg_hbm, zeros_hbm, s2a_hbm,
                src_v, dst_v, rows, acc, semg, sems,
                sid, ROWS_PER_WORKER, base)

  @pl.when(cid == 1)
  def _():
    _spmm_phase(h2_hbm, eg_hbm, zeros_hbm, s2b_hbm,
                src_v, dst_v, rows, acc, semg, sems,
                sid, ROWS_PER_WORKER, base)


@functools.cache
def _sc_dual():
  return pl.kernel(
      _sc_dual_kernel,
      out_type=(jax.ShapeDtypeStruct((N, EMB), jnp.float32),
                jax.ShapeDtypeStruct((N, EMB), jnp.float32)),
      mesh=_mesh(),
      compiler_params=pltpu.CompilerParams(use_tc_tiling_on_sc=False),
      scratch_types=(
          [pltpu.VMEM((ROWS_PER_SUB, CHUNK), jnp.int32)] * 2
          + [pltpu.VMEM((CHUNK, EMB), jnp.float32)] * NBUF
          + [pltpu.VMEM_SHARED((N, EMB), jnp.float32)]
          + [pltpu.SemaphoreType.DMA] * (2 * NBUF)
      ),
  )


@functools.cache
def _sc_single():
  return pl.kernel(
      _sc_single_kernel,
      out_type=(jax.ShapeDtypeStruct((N, EMB), jnp.float32),
                jax.ShapeDtypeStruct((N, EMB), jnp.float32)),
      mesh=_mesh(),
      compiler_params=pltpu.CompilerParams(use_tc_tiling_on_sc=False),
      scratch_types=(
          [pltpu.VMEM((ROWS_PER_SUB, CHUNK), jnp.int32)] * 2
          + [pltpu.VMEM((CHUNK, EMB), jnp.float32)] * NBUF
          + [pltpu.VMEM_SHARED((N, EMB), jnp.float32)]
          + [pltpu.SemaphoreType.DMA] * (2 * NBUF)
      ),
  )


def _elu(t):
  return jnp.where(t > 0, t, jnp.exp(t) - 1.0)


def _dot1x(a, b):
  return jnp.dot(a.astype(jnp.bfloat16), b.astype(jnp.bfloat16),
                 preferred_element_type=jnp.float32)


def _tc_a_body(x_ref, w1g_ref, w2_ref, xh_ref, w1h_ref, whg_ref,
               h1_ref, mg_ref, mh_ref):
  h1 = _elu(_dot1x(x_ref[...], w1g_ref[...]))
  h1_ref[...] = h1
  mg_ref[...] = _dot1x(h1, w2_ref[...])
  x = jnp.maximum(_dot1x(xh_ref[...], w1h_ref[...]), 0.0)
  mh_ref[...] = _dot1x(x, whg_ref[...])


_RB = 2000

_tc_a = pl.pallas_call(
    _tc_a_body,
    grid=(N // _RB,),
    in_specs=[
        pl.BlockSpec((_RB, D1), lambda i: (i, 0)),
        pl.BlockSpec((D1, EMB), lambda i: (0, 0)),
        pl.BlockSpec((EMB, EMB), lambda i: (0, 0)),
        pl.BlockSpec((_RB, D1), lambda i: (i, 0)),
        pl.BlockSpec((D1, EMB), lambda i: (0, 0)),
        pl.BlockSpec((EMB, EMB), lambda i: (0, 0)),
    ],
    out_specs=tuple(pl.BlockSpec((_RB, EMB), lambda i: (i, 0))
                    for _ in range(3)),
    out_shape=tuple(jax.ShapeDtypeStruct((N, EMB), jnp.float32)
                    for _ in range(3)),
)


def _tc_b_body(s1_ref, w3_ref, sh_ref, h2_ref, eh_ref, m3_ref):
  h2 = _elu(s1_ref[...])
  h2_ref[...] = h2
  m3_ref[...] = _dot1x(h2, w3_ref[...])
  eh_ref[...] = jnp.maximum(sh_ref[...], 0.0)


_tc_b = pl.pallas_call(
    _tc_b_body,
    grid=(N // _RB,),
    in_specs=[
        pl.BlockSpec((_RB, EMB), lambda i: (i, 0)),
        pl.BlockSpec((EMB, EMB), lambda i: (0, 0)),
        pl.BlockSpec((_RB, EMB), lambda i: (i, 0)),
    ],
    out_specs=tuple(pl.BlockSpec((_RB, EMB), lambda i: (i, 0))
                    for _ in range(3)),
    out_shape=tuple(jax.ShapeDtypeStruct((N, EMB), jnp.float32)
                    for _ in range(3)),
)


def _tc_cd_body(s2a_ref, s2b_ref, h1_ref, h2_ref, eh_ref,
                att_ref, alpha_ref, wdec_ref, out_ref, rw_s, dm_s):
  i = pl.program_id(0)

  @pl.when(i == 0)
  def _():
    h3 = _elu(s2a_ref[...] + s2b_ref[...])
    e0 = jnp.exp(alpha_ref[0])
    e1 = jnp.exp(alpha_ref[1])
    a0 = e0 / (e0 + e1)
    a1 = e1 / (e0 + e1)
    fused = (a0 * (att_ref[0] * h1_ref[...] + att_ref[1] * h2_ref[...]
                   + att_ref[2] * h3)
             + a1 * eh_ref[...])
    rw_s[...] = _dot1x(fused[:NUM_R], wdec_ref[...])
    dm_s[...] = fused[NUM_R:]

  t = lax.dot_general(rw_s[pl.ds(i * _BM, _BM), :].astype(jnp.bfloat16),
                      dm_s[...].astype(jnp.bfloat16),
                      dimension_numbers=(((1,), (1,)), ((), ())),
                      preferred_element_type=jnp.float32)
  out_ref[...] = 1.0 / (1.0 + jnp.exp(-t))


_BM = 200

_tc_cd = pl.pallas_call(
    _tc_cd_body,
    grid=(NUM_R // _BM,),
    in_specs=[pl.BlockSpec((N, EMB), lambda i: (0, 0)) for _ in range(2)] + [
        pl.BlockSpec((N, EMB), lambda i: (0, 0)) for _ in range(3)
    ] + [
        pl.BlockSpec(memory_space=pltpu.SMEM),
        pl.BlockSpec(memory_space=pltpu.SMEM),
        pl.BlockSpec((EMB, EMB), lambda i: (0, 0)),
    ],
    out_specs=pl.BlockSpec((_BM, NUM_R), lambda i: (i, 0)),
    out_shape=jax.ShapeDtypeStruct((NUM_R, NUM_R), jnp.float32),
    scratch_shapes=[
        pltpu.VMEM((NUM_R, EMB), jnp.float32),
        pltpu.VMEM((NUM_R, EMB), jnp.float32),
    ],
)


def kernel(inputs_data, inputs_hyper, edge_index, hyper_edge_index,
           W1_gcn, W2_gcn, W3_gcn, att, W1_hyp, W_hgcn, alpha, W_dec):
  eg = edge_index.reshape(2, NROW, CHUNK)
  eh = hyper_edge_index.reshape(2, NROW, CHUNK)
  zeros = jnp.zeros((N, EMB), jnp.float32)

  h1, mg, mh = _tc_a(inputs_data, W1_gcn, W2_gcn, inputs_hyper, W1_hyp,
                     W_hgcn)
  s1, sh = _sc_dual()(mg, mh, eg, eh, zeros)
  h2, emb_hyper, m3 = _tc_b(s1, W3_gcn, sh)
  s2a, s2b = _sc_single()(m3, eg, zeros)
  return _tc_cd(s2a, s2b, h1, h2, emb_hyper, att, alpha, W_dec)

# --- scband reference (transcript-rebuilt; emitter-appended) ---
"""Pipeline reference for scband-fusion-model-83528523973327 (READ-ONLY COPY).

The authoritative reference and input builder live on the scoring server;
editing this copy changes nothing except your own understanding.
"""

import jax, jax.numpy as jnp
import numpy as np

N = 10000
E = 320000
D1 = 128
D2 = 128
EMB = 64
NUM_R = 5000


def setup_inputs(seed: int = 0) -> dict:
    key = jax.random.key(seed)
    ks = jax.random.split(key, 14)
    s = 0.05
    inp = {}
    inp['inputs_data'] = jax.random.normal(ks[0], (N, D1), jnp.float32)
    inp['inputs_hyper'] = jax.random.normal(ks[1], (N, D2), jnp.float32)
    inp['edge_index'] = jax.random.randint(ks[2], (2, E), 0, N, dtype=jnp.int32)
    inp['hyper_edge_index'] = jax.random.randint(ks[3], (2, E), 0, N, dtype=jnp.int32)
    # GCN branch params
    inp['W1_gcn'] = jax.random.normal(ks[4], (D1, EMB), jnp.float32) * s
    inp['W2_gcn'] = jax.random.normal(ks[5], (EMB, EMB), jnp.float32) * s
    inp['W3_gcn'] = jax.random.normal(ks[6], (EMB, EMB), jnp.float32) * s
    inp['att'] = jnp.array([0.5, 0.33, 0.05], jnp.float32)
    # Hyper branch params
    inp['W1_hyp'] = jax.random.normal(ks[7], (D2, EMB), jnp.float32) * s
    inp['W_hgcn'] = jax.random.normal(ks[8], (EMB, EMB), jnp.float32) * s
    # Fusion + decoder params
    inp['alpha'] = jnp.array([0.5, 0.5], jnp.float32)
    inp['W_dec'] = jax.random.normal(ks[9], (EMB, EMB), jnp.float32) * s
    return inp


def _spmm(edge_index, h):
    # sparse adj @ h via gather (src) + scatter-add (dst)
    src = edge_index[0]
    dst = edge_index[1]
    msg = jnp.take(h, src, axis=0)
    return jax.ops.segment_sum(msg, dst, num_segments=N)


def reference(inputs_data, inputs_hyper, edge_index, hyper_edge_index,
              W1_gcn, W2_gcn, W3_gcn, att, W1_hyp, W_hgcn, alpha, W_dec):
    # ---- GCN branch (GCNModel) ----
    # gc1: GraphConvolutionSparse (dense feature transform; no adj passed in ctor)
    hidden1 = jax.nn.elu(inputs_data @ W1_gcn)
    # gc2, gc3: GraphConvolution with sparse adj
    hidden2 = jax.nn.elu(_spmm(edge_index, hidden1 @ W2_gcn))
    hidden3 = jax.nn.elu(_spmm(edge_index, hidden2 @ W3_gcn))
    # faithful: raw att coefficients (softmax computed but unused in original)
    emb_gcn = att[0] * hidden1 + att[1] * hidden2 + att[2] * hidden3
    # ---- Hyper branch ----
    x = jax.nn.relu(inputs_hyper @ W1_hyp)
    emb_hyper = jax.nn.relu(_spmm(hyper_edge_index, x @ W_hgcn))
    # ---- Fusion ----
    a = jax.nn.softmax(alpha)
    emb_fused = a[0] * emb_gcn + a[1] * emb_hyper
    # ---- BilinearDecoder ----
    R = emb_fused[:NUM_R]
    D = emb_fused[NUM_R:]
    out = jax.nn.sigmoid((R @ W_dec) @ D.T)
    return out

if __name__ == "__main__":
    import jax
    _d = setup_inputs()
    print(jax.jit(kernel)(*tuple(_d.values())))

</pallas_src>

<mosaic_0001>
#map = affine_map<(d0, d1) -> (0, 0)>
#map1 = affine_map<(d0, d1) -> (0, 0, 0)>
module attributes {stable_mosaic.version = 14 : i64} {
  func.func @_sc_dual_kernel(%arg0: i32, %arg1: i32, %arg2: memref<10000x64xf32, #tpu.memory_space<hbm>>, %arg3: memref<10000x64xf32, #tpu.memory_space<hbm>>, %arg4: memref<2x2560x125xi32, #tpu.memory_space<hbm>>, %arg5: memref<2x2560x125xi32, #tpu.memory_space<hbm>>, %arg6: memref<10000x64xf32, #tpu.memory_space<hbm>>, %arg7: memref<10000x64xf32, #tpu.memory_space<hbm>>, %arg8: memref<10000x64xf32, #tpu.memory_space<hbm>>, %arg9: memref<160x125xi32, #tpu.memory_space<vmem>>, %arg10: memref<160x125xi32, #tpu.memory_space<vmem>>, %arg11: memref<125x64xf32, #tpu.memory_space<vmem>>, %arg12: memref<125x64xf32, #tpu.memory_space<vmem>>, %arg13: memref<125x64xf32, #tpu.memory_space<vmem>>, %arg14: memref<125x64xf32, #tpu.memory_space<vmem>>, %arg15: memref<125x64xf32, #tpu.memory_space<vmem>>, %arg16: memref<10000x64xf32, #tpu.memory_space<vmem_shared>>, %arg17: memref<!tpu.dma_semaphore, #tpu.memory_space<semaphore_mem>>, %arg18: memref<!tpu.dma_semaphore, #tpu.memory_space<semaphore_mem>>, %arg19: memref<!tpu.dma_semaphore, #tpu.memory_space<semaphore_mem>>, %arg20: memref<!tpu.dma_semaphore, #tpu.memory_space<semaphore_mem>>, %arg21: memref<!tpu.dma_semaphore, #tpu.memory_space<semaphore_mem>>, %arg22: memref<!tpu.dma_semaphore, #tpu.memory_space<semaphore_mem>>, %arg23: memref<!tpu.dma_semaphore, #tpu.memory_space<semaphore_mem>>, %arg24: memref<!tpu.dma_semaphore, #tpu.memory_space<semaphore_mem>>, %arg25: memref<!tpu.dma_semaphore, #tpu.memory_space<semaphore_mem>>, %arg26: memref<!tpu.dma_semaphore, #tpu.memory_space<semaphore_mem>>) attributes {dimension_semantics = [#tpu.dimension_semantics<core_parallel>, #tpu.dimension_semantics<subcore_parallel>], iteration_bounds = array<i64: 2, 16>, scalar_prefetch = 0 : i64, scratch_operands = 18 : i64, tpu.core_type = #tpu.core_type<sc_vector_subcore>, window_params = [{transform_indices = #map}, {transform_indices = #map}, {transform_indices = #map1}, {transform_indices = #map1}, {transform_indices = #map}, {transform_indices = #map}, {transform_indices = #map}]} {
    %mul3A = arith.constant 160 : i32
    %mul3A_0 = arith.muli %arg1, %mul3A : i32
    %eq3A = arith.constant 0 : i32
    %eq3A_1 = arith.cmpi eq, %arg0, %eq3A : i32
    %convert_element_type3A = arith.extui %eq3A_1 : i1 to i32
    %cond3A = arith.constant 0 : i32
    %cond3A_2 = arith.cmpi ne, %convert_element_type3A, %cond3A : i32
    scf.if %cond3A_2 {
      %lt3A = arith.constant 15 : i32
      %lt3A_8 = arith.cmpi slt, %arg1, %lt3A : i32
      %convert_element_type3A_9 = arith.extui %lt3A_8 : i1 to i32
      %cond3A_10 = arith.constant 0 : i32
      %cond3A_11 = arith.cmpi ne, %convert_element_type3A_9, %cond3A_10 : i32
      scf.if %cond3A_11 {
        %mul3A_67 = arith.constant 624 : i32
        %mul3A_68 = arith.muli %arg1, %mul3A_67 : i32
        %mul3A_69 = arith.constant 624 : i32
        %mul3A_70 = arith.muli %arg1, %mul3A_69 : i32
        "tpu.region"() ({
          %run_scoped3A_71 = tpu.sem_alloc : memref<!tpu.dma_semaphore, #tpu.memory_space<semaphore_mem>>
          %dma_start3A_72 = arith.constant 0 : i32
          %dma_start3A_73 = tpu.memref_slice %arg16[%mul3A_70, %dma_start3A_72] : memref<10000x64xf32, #tpu.memory_space<vmem_shared>> -> memref<624x64xf32, #tpu.memory_space<vmem_shared>>
          %dma_start3A_74 = arith.constant 0 : i32
          %dma_start3A_75 = tpu.memref_slice %arg6[%mul3A_68, %dma_start3A_74] : memref<10000x64xf32, #tpu.memory_space<hbm>> -> memref<624x64xf32, #tpu.memory_space<hbm>>
          tpu.enqueue_dma source(%dma_start3A_75 : memref<624x64xf32, #tpu.memory_space<hbm>>) target(%dma_start3A_73 : memref<624x64xf32, #tpu.memory_space<vmem_shared>>) target_semaphore(%run_scoped3A_71 : memref<!tpu.dma_semaphore, #tpu.memory_space<semaphore_mem>>)
          %dma_wait3A_76 = arith.constant 0 : i32
          %dma_wait3A_77 = tpu.memref_slice %arg16[%mul3A_70, %dma_wait3A_76] : memref<10000x64xf32, #tpu.memory_space<vmem_shared>> -> memref<624x64xf32, #tpu.memory_space<vmem_shared>>
          %dma_wait3A_78 = arith.constant 0 : i32
          %dma_wait3A_79 = tpu.memref_slice %arg6[%mul3A_68, %dma_wait3A_78] : memref<10000x64xf32, #tpu.memory_space<hbm>> -> memref<624x64xf32, #tpu.memory_space<hbm>>
          tpu.wait_dma2 semaphore(%run_scoped3A_71 : memref<!tpu.dma_semaphore, #tpu.memory_space<semaphore_mem>>) src(%dma_wait3A_79 : memref<624x64xf32, #tpu.memory_space<hbm>>) dst(%dma_wait3A_77 : memref<624x64xf32, #tpu.memory_space<vmem_shared>>)
          tpu.yield
        }) : () -> ()
      } else {
      }
      %eq3A_12 = arith.constant 15 : i32
      %eq3A_13 = arith.cmpi eq, %arg1, %eq3A_12 : i32
      %convert_element_type3A_14 = arith.extui %eq3A_13 : i1 to i32
      %cond3A_15 = arith.constant 0 : i32
      %cond3A_16 = arith.cmpi ne, %convert_element_type3A_14, %cond3A_15 : i32
      scf.if %cond3A_16 {
        "tpu.region"() ({
          %run_scoped3A_67 = tpu.sem_alloc : memref<!tpu.dma_semaphore, #tpu.memory_space<semaphore_mem>>
          %dma_start3A_68 = arith.constant 9360 : i32
          %dma_start3A_69 = arith.constant 0 : i32
          %dma_start3A_70 = tpu.memref_slice %arg16[%dma_start3A_68, %dma_start3A_69] : memref<10000x64xf32, #tpu.memory_space<vmem_shared>> -> memref<640x64xf32, #tpu.memory_space<vmem_shared>>
          %dma_start3A_71 = arith.constant 9360 : i32
          %dma_start3A_72 = arith.constant 0 : i32
          %dma_start3A_73 = tpu.memref_slice %arg6[%dma_start3A_71, %dma_start3A_72] : memref<10000x64xf32, #tpu.memory_space<hbm>> -> memref<640x64xf32, #tpu.memory_space<hbm>>
          tpu.enqueue_dma source(%dma_start3A_73 : memref<640x64xf32, #tpu.memory_space<hbm>>) target(%dma_start3A_70 : memref<640x64xf32, #tpu.memory_space<vmem_shared>>) target_semaphore(%run_scoped3A_67 : memref<!tpu.dma_semaphore, #tpu.memory_space<semaphore_mem>>)
          %dma_wait3A_74 = arith.constant 9360 : i32
          %dma_wait3A_75 = arith.constant 0 : i32
          %dma_wait3A_76 = tpu.memref_slice %arg16[%dma_wait3A_74, %dma_wait3A_75] : memref<10000x64xf32, #tpu.memory_space<vmem_shared>> -> memref<640x64xf32, #tpu.memory_space<vmem_shared>>
          %dma_wait3A_77 = arith.constant 9360 : i32
          %dma_wait3A_78 = arith.constant 0 : i32
          %dma_wait3A_79 = tpu.memref_slice %arg6[%dma_wait3A_77, %dma_wait3A_78] : memref<10000x64xf32, #tpu.memory_space<hbm>> -> memref<640x64xf32, #tpu.memory_space<hbm>>
          tpu.wait_dma2 semaphore(%run_scoped3A_67 : memref<!tpu.dma_semaphore, #tpu.memory_space<semaphore_mem>>) src(%dma_wait3A_79 : memref<640x64xf32, #tpu.memory_space<hbm>>) dst(%dma_wait3A_76 : memref<640x64xf32, #tpu.memory_space<vmem_shared>>)
          tpu.yield
        }) : () -> ()
      } else {
      }
      %run_scoped3A = arith.constant 0 : i32
      "tpu.region"() ({
        %run_scoped3A_67 = tpu.sem_alloc : memref<!tpu.dma_semaphore, #tpu.memory_space<semaphore_mem>>
        %dma_start3A_68 = arith.constant 0 : i32
        %dma_start3A_69 = arith.constant 0 : i32
        %dma_start3A_70 = tpu.memref_slice %arg9[%dma_start3A_68, %dma_start3A_69] : memref<160x125xi32, #tpu.memory_space<vmem>> -> memref<160x125xi32, #tpu.memory_space<vmem>>
        %dma_start3A_71 = arith.constant 0 : i32
        %dma_start3A_72 = tpu.memref_slice %arg4[%run_scoped3A, %mul3A_0, %dma_start3A_71] : memref<2x2560x125xi32, #tpu.memory_space<hbm>> -> memref<1x160x125xi32, #tpu.memory_space<hbm>>
        %dma_start3A_73 = tpu.memref_squeeze %dma_start3A_72 : memref<1x160x125xi32, #tpu.memory_space<hbm>> -> memref<160x125xi32, #tpu.memory_space<hbm>>
        %dma_start3A_74 = arith.constant 0 : i32
        %dma_start3A_75 = arith.constant 0 : i32
        %dma_start3A_76 = tpu.memref_slice %arg9[%dma_start3A_74, %dma_start3A_75] : memref<160x125xi32, #tpu.memory_space<vmem>> -> memref<160x125xi32, #tpu.memory_space<vmem>>
        %dma_start3A_77 = arith.constant 0 : i32
        %dma_start3A_78 = tpu.memref_slice %arg4[%run_scoped3A, %mul3A_0, %dma_start3A_77] : memref<2x2560x125xi32, #tpu.memory_space<hbm>> -> memref<1x160x125xi32, #tpu.memory_space<hbm>>
        %dma_start3A_79 = tpu.memref_squeeze %dma_start3A_78 : memref<1x160x125xi32, #tpu.memory_space<hbm>> -> memref<160x125xi32, #tpu.memory_space<hbm>>
        tpu.enqueue_dma source(%dma_start3A_79 : memref<160x125xi32, #tpu.memory_space<hbm>>) target(%dma_start3A_76 : memref<160x125xi32, #tpu.memory_space<vmem>>) target_semaphore(%run_scoped3A_67 : memref<!tpu.dma_semaphore, #tpu.memory_space<semaphore_mem>>)
        %dma_wait3A_80 = arith.constant 0 : i32
        %dma_wait3A_81 = arith.constant 0 : i32
        %dma_wait3A_82 = tpu.memref_slice %arg9[%dma_wait3A_80, %dma_wait3A_81] : memref<160x125xi32, #tpu.memory_space<vmem>> -> memref<160x125xi32, #tpu.memory_space<vmem>>
        %dma_wait3A_83 = arith.constant 0 : i32
        %dma_wait3A_84 = tpu.memref_slice %arg4[%run_scoped3A, %mul3A_0, %dma_wait3A_83] : memref<2x2560x125xi32, #tpu.memory_space<hbm>> -> memref<1x160x125xi32, #tpu.memory_space<hbm>>
        %dma_wait3A_85 = tpu.memref_squeeze %dma_wait3A_84 : memref<1x160x125xi32, #tpu.memory_space<hbm>> -> memref<160x125xi32, #tpu.memory_space<hbm>>
        %dma_wait3A_86 = arith.constant 0 : i32
        %dma_wait3A_87 = arith.constant 0 : i32
        %dma_wait3A_88 = tpu.memref_slice %arg9[%dma_wait3A_86, %dma_wait3A_87] : memref<160x125xi32, #tpu.memory_space<vmem>> -> memref<160x125xi32, #tpu.memory_space<vmem>>
        %dma_wait3A_89 = arith.constant 0 : i32
        %dma_wait3A_90 = tpu.memref_slice %arg4[%run_scoped3A, %mul3A_0, %dma_wait3A_89] : memref<2x2560x125xi32, #tpu.memory_space<hbm>> -> memref<1x160x125xi32, #tpu.memory_space<hbm>>
        %dma_wait3A_91 = tpu.memref_squeeze %dma_wait3A_90 : memref<1x160x125xi32, #tpu.memory_space<hbm>> -> memref<160x125xi32, #tpu.memory_space<hbm>>
        tpu.wait_dma2 semaphore(%run_scoped3A_67 : memref<!tpu.dma_semaphore, #tpu.memory_space<semaphore_mem>>) src(%dma_wait3A_91 : memref<160x125xi32, #tpu.memory_space<hbm>>) dst(%dma_wait3A_88 : memref<160x125xi32, #tpu.memory_space<vmem>>)
        tpu.yield
      }) : () -> ()
      %run_scoped3A_17 = arith.constant 1 : i32
      "tpu.region"() ({
        %run_scoped3A_67 = tpu.sem_alloc : memref<!tpu.dma_semaphore, #tpu.memory_space<semaphore_mem>>
        %dma_start3A_68 = arith.constant 0 : i32
        %dma_start3A_69 = arith.constant 0 : i32
        %dma_start3A_70 = tpu.memref_slice %arg10[%dma_start3A_68, %dma_start3A_69] : memref<160x125xi32, #tpu.memory_space<vmem>> -> memref<160x125xi32, #tpu.memory_space<vmem>>
        %dma_start3A_71 = arith.constant 0 : i32
        %dma_start3A_72 = tpu.memref_slice %arg4[%run_scoped3A_17, %mul3A_0, %dma_start3A_71] : memref<2x2560x125xi32, #tpu.memory_space<hbm>> -> memref<1x160x125xi32, #tpu.memory_space<hbm>>
        %dma_start3A_73 = tpu.memref_squeeze %dma_start3A_72 : memref<1x160x125xi32, #tpu.memory_space<hbm>> -> memref<160x125xi32, #tpu.memory_space<hbm>>
        %dma_start3A_74 = arith.constant 0 : i32
        %dma_start3A_75 = arith.constant 0 : i32
        %dma_start3A_76 = tpu.memref_slice %arg10[%dma_start3A_74, %dma_start3A_75] : memref<160x125xi32, #tpu.memory_space<vmem>> -> memref<160x125xi32, #tpu.memory_space<vmem>>
        %dma_start3A_77 = arith.constant 0 : i32
        %dma_start3A_78 = tpu.memref_slice %arg4[%run_scoped3A_17, %mul3A_0, %dma_start3A_77] : memref<2x2560x125xi32, #tpu.memory_space<hbm>> -> memref<1x160x125xi32, #tpu.memory_space<hbm>>
        %dma_start3A_79 = tpu.memref_squeeze %dma_start3A_78 : memref<1x160x125xi32, #tpu.memory_space<hbm>> -> memref<160x125xi32, #tpu.memory_space<hbm>>
        tpu.enqueue_dma source(%dma_start3A_79 : memref<160x125xi32, #tpu.memory_space<hbm>>) target(%dma_start3A_76 : memref<160x125xi32, #tpu.memory_space<vmem>>) target_semaphore(%run_scoped3A_67 : memref<!tpu.dma_semaphore, #tpu.memory_space<semaphore_mem>>)
        %dma_wait3A_80 = arith.constant 0 : i32
        %dma_wait3A_81 = arith.constant 0 : i32
        %dma_wait3A_82 = tpu.memref_slice %arg10[%dma_wait3A_80, %dma_wait3A_81] : memref<160x125xi32, #tpu.memory_space<vmem>> -> memref<160x125xi32, #tpu.memory_space<vmem>>
        %dma_wait3A_83 = arith.constant 0 : i32
        %dma_wait3A_84 = tpu.memref_slice %arg4[%run_scoped3A_17, %mul3A_0, %dma_wait3A_83] : memref<2x2560x125xi32, #tpu.memory_space<hbm>> -> memref<1x160x125xi32, #tpu.memory_space<hbm>>
        %dma_wait3A_85 = tpu.memref_squeeze %dma_wait3A_84 : memref<1x160x125xi32, #tpu.memory_space<hbm>> -> memref<160x125xi32, #tpu.memory_space<hbm>>
        %dma_wait3A_86 = arith.constant 0 : i32
        %dma_wait3A_87 = arith.constant 0 : i32
        %dma_wait3A_88 = tpu.memref_slice %arg10[%dma_wait3A_86, %dma_wait3A_87] : memref<160x125xi32, #tpu.memory_space<vmem>> -> memref<160x125xi32, #tpu.memory_space<vmem>>
        %dma_wait3A_89 = arith.constant 0 : i32
        %dma_wait3A_90 = tpu.memref_slice %arg4[%run_scoped3A_17, %mul3A_0, %dma_wait3A_89] : memref<2x2560x125xi32, #tpu.memory_space<hbm>> -> memref<1x160x125xi32, #tpu.memory_space<hbm>>
        %dma_wait3A_91 = tpu.memref_squeeze %dma_wait3A_90 : memref<1x160x125xi32, #tpu.memory_space<hbm>> -> memref<160x125xi32, #tpu.memory_space<hbm>>
        tpu.wait_dma2 semaphore(%run_scoped3A_67 : memref<!tpu.dma_semaphore, #tpu.memory_space<semaphore_mem>>) src(%dma_wait3A_91 : memref<160x125xi32, #tpu.memory_space<hbm>>) dst(%dma_wait3A_88 : memref<160x125xi32, #tpu.memory_space<vmem>>)
        tpu.yield
      }) : () -> ()
      %barrier3A = arith.constant 0 : index
      tpu.barrier barrier_id(%barrier3A)
      %dma_start3A = arith.constant 0 : i32
      %dma_start3A_18 = arith.constant 0 : i32
      %dma_start3A_19 = tpu.memref_slice %arg9[%dma_start3A, %dma_start3A_18] : memref<160x125xi32, #tpu.memory_space<vmem>> -> memref<1x125xi32, #tpu.memory_space<vmem>>
      %dma_start3A_20 = tpu.memref_squeeze %dma_start3A_19 : memref<1x125xi32, #tpu.memory_space<vmem>> -> memref<125xi32, #tpu.memory_space<vmem>>
      %dma_start3A_21 = arith.constant 0 : i32
      %dma_start3A_22 = arith.constant 0 : i32
      %dma_start3A_23 = tpu.memref_slice %arg2[%dma_start3A_21, %dma_start3A_22] : memref<10000x64xf32, #tpu.memory_space<hbm>> -> memref<10000x64xf32, #tpu.memory_space<hbm>>
      tpu.enqueue_indirect_dma source(%dma_start3A_23 : memref<10000x64xf32, #tpu.memory_space<hbm>>) target(%arg11 : memref<125x64xf32, #tpu.memory_space<vmem>>) offsets(%dma_start3A_20 : memref<125xi32, #tpu.memory_space<vmem>>) semaphore(%arg17 : memref<!tpu.dma_semaphore, #tpu.memory_space<semaphore_mem>>)
      %dma_start3A_24 = arith.constant 1 : i32
      %dma_start3A_25 = arith.constant 0 : i32
      %dma_start3A_26 = tpu.memref_slice %arg9[%dma_start3A_24, %dma_start3A_25] : memref<160x125xi32, #tpu.memory_space<vmem>> -> memref<1x125xi32, #tpu.memory_space<vmem>>
      %dma_start3A_27 = tpu.memref_squeeze %dma_start3A_26 : memref<1x125xi32, #tpu.memory_space<vmem>> -> memref<125xi32, #tpu.memory_space<vmem>>
      %dma_start3A_28 = arith.constant 0 : i32
      %dma_start3A_29 = arith.constant 0 : i32
      %dma_start3A_30 = tpu.memref_slice %arg2[%dma_start3A_28, %dma_start3A_29] : memref<10000x64xf32, #tpu.memory_space<hbm>> -> memref<10000x64xf32, #tpu.memory_space<hbm>>
      tpu.enqueue_indirect_dma source(%dma_start3A_30 : memref<10000x64xf32, #tpu.memory_space<hbm>>) target(%arg12 : memref<125x64xf32, #tpu.memory_space<vmem>>) offsets(%dma_start3A_27 : memref<125xi32, #tpu.memory_space<vmem>>) semaphore(%arg18 : memref<!tpu.dma_semaphore, #tpu.memory_space<semaphore_mem>>)
      %dma_start3A_31 = arith.constant 2 : i32
      %dma_start3A_32 = arith.constant 0 : i32
      %dma_start3A_33 = tpu.memref_slice %arg9[%dma_start3A_31, %dma_start3A_32] : memref<160x125xi32, #tpu.memory_space<vmem>> -> memref<1x125xi32, #tpu.memory_space<vmem>>
      %dma_start3A_34 = tpu.memref_squeeze %dma_start3A_33 : memref<1x125xi32, #tpu.memory_space<vmem>> -> memref<125xi32, #tpu.memory_space<vmem>>
      %dma_start3A_35 = arith.constant 0 : i32
      %dma_start3A_36 = arith.constant 0 : i32
      %dma_start3A_37 = tpu.memref_slice %arg2[%dma_start3A_35, %dma_start3A_36] : memref<10000x64xf32, #tpu.memory_space<hbm>> -> memref<10000x64xf32, #tpu.memory_space<hbm>>
      tpu.enqueue_indirect_dma source(%dma_start3A_37 : memref<10000x64xf32, #tpu.memory_space<hbm>>) target(%arg13 : memref<125x64xf32, #tpu.memory_space<vmem>>) offsets(%dma_start3A_34 : memref<125xi32, #tpu.memory_space<vmem>>) semaphore(%arg19 : memref<!tpu.dma_semaphore, #tpu.memory_space<semaphore_mem>>)
      %dma_start3A_38 = arith.constant 3 : i32
      %dma_start3A_39 = arith.constant 0 : i32
      %dma_start3A_40 = tpu.memref_slice %arg9[%dma_start3A_38, %dma_start3A_39] : memref<160x125xi32, #tpu.memory_space<vmem>> -> memref<1x125xi32, #tpu.memory_space<vmem>>
      %dma_start3A_41 = tpu.memref_squeeze %dma_start3A_40 : memref<1x125xi32, #tpu.memory_space<vmem>> -> memref<125xi32, #tpu.memory_space<vmem>>
      %dma_start3A_42 = arith.constant 0 : i32
      %dma_start3A_43 = arith.constant 0 : i32
      %dma_start3A_44 = tpu.memref_slice %arg2[%dma_start3A_42, %dma_start3A_43] : memref<10000x64xf32, #tpu.memory_space<hbm>> -> memref<10000x64xf32, #tpu.memory_space<hbm>>
      tpu.enqueue_indirect_dma source(%dma_start3A_44 : memref<10000x64xf32, #tpu.memory_space<hbm>>) target(%arg14 : memref<125x64xf32, #tpu.memory_space<vmem>>) offsets(%dma_start3A_41 : memref<125xi32, #tpu.memory_space<vmem>>) semaphore(%arg20 : memref<!tpu.dma_semaphore, #tpu.memory_space<semaphore_mem>>)
      %scan3A = arith.constant 0 : i32
      %scan3A_45 = arith.constant 0 : i32
      %scan3A_46 = arith.constant 32 : i32
      %scan3A_47 = arith.addi %scan3A_45, %scan3A_46 : i32
      %scan3A_48 = arith.constant 1 : i32
      scf.for %scan3A_67 = %scan3A_45 to %scan3A_47 step %scan3A_48  : i32 {
        %mul3A_68 = arith.constant 5 : i32
        %mul3A_69 = arith.muli %mul3A_68, %scan3A_67 : i32
        %add3A = arith.constant 0 : i32
        %add3A_70 = arith.addi %mul3A_69, %add3A : i32
        %dma_wait3A_71 = arith.constant 0 : i32
        %dma_wait3A_72 = tpu.memref_slice %arg9[%add3A_70, %dma_wait3A_71] : memref<160x125xi32, #tpu.memory_space<vmem>> -> memref<1x125xi32, #tpu.memory_space<vmem>>
        %dma_wait3A_73 = tpu.memref_squeeze %dma_wait3A_72 : memref<1x125xi32, #tpu.memory_space<vmem>> -> memref<125xi32, #tpu.memory_space<vmem>>
        %dma_wait3A_74 = arith.constant 0 : i32
        %dma_wait3A_75 = arith.constant 0 : i32
        %dma_wait3A_76 = tpu.memref_slice %arg2[%dma_wait3A_74, %dma_wait3A_75] : memref<10000x64xf32, #tpu.memory_space<hbm>> -> memref<10000x64xf32, #tpu.memory_space<hbm>>
        tpu.wait_indirect_dma semaphore(%arg17 : memref<!tpu.dma_semaphore, #tpu.memory_space<semaphore_mem>>) src(%dma_wait3A_76 : memref<10000x64xf32, #tpu.memory_space<hbm>>) dst(%arg11 : memref<125x64xf32, #tpu.memory_space<vmem>>)
        %dma_start3A_77 = arith.constant 0 : i32
        %dma_start3A_78 = tpu.memref_slice %arg10[%add3A_70, %dma_start3A_77] : memref<160x125xi32, #tpu.memory_space<vmem>> -> memref<1x125xi32, #tpu.memory_space<vmem>>
        %dma_start3A_79 = tpu.memref_squeeze %dma_start3A_78 : memref<1x125xi32, #tpu.memory_space<vmem>> -> memref<125xi32, #tpu.memory_space<vmem>>
        %dma_start3A_80 = arith.constant 0 : i32
        %dma_start3A_81 = arith.constant 0 : i32
        %dma_start3A_82 = tpu.memref_slice %arg16[%dma_start3A_80, %dma_start3A_81] : memref<10000x64xf32, #tpu.memory_space<vmem_shared>> -> memref<10000x64xf32, #tpu.memory_space<vmem_shared>>
        tpu.enqueue_indirect_dma source(%arg11 : memref<125x64xf32, #tpu.memory_space<vmem>>) target(%dma_start3A_82 : memref<10000x64xf32, #tpu.memory_space<vmem_shared>>) offsets(%dma_start3A_79 : memref<125xi32, #tpu.memory_space<vmem>>) semaphore(%arg22 : memref<!tpu.dma_semaphore, #tpu.memory_space<semaphore_mem>>) {add = true}
        %ge3A = arith.constant 1 : i32
        %ge3A_83 = arith.cmpi sge, %add3A_70, %ge3A : i32
        %convert_element_type3A_84 = arith.extui %ge3A_83 : i1 to i32
        %cond3A_85 = arith.constant 0 : i32
        %cond3A_86 = arith.cmpi ne, %convert_element_type3A_84, %cond3A_85 : i32
        scf.if %cond3A_86 {
          %sub3A_215 = arith.constant 1 : i32
          %sub3A_216 = arith.subi %add3A_70, %sub3A_215 : i32
          %dma_wait3A_217 = arith.constant 0 : i32
          %dma_wait3A_218 = tpu.memref_slice %arg10[%sub3A_216, %dma_wait3A_217] : memref<160x125xi32, #tpu.memory_space<vmem>> -> memref<1x125xi32, #tpu.memory_space<vmem>>
          %dma_wait3A_219 = tpu.memref_squeeze %dma_wait3A_218 : memref<1x125xi32, #tpu.memory_space<vmem>> -> memref<125xi32, #tpu.memory_space<vmem>>
          %dma_wait3A_220 = arith.constant 0 : i32
          %dma_wait3A_221 = arith.constant 0 : i32
          %dma_wait3A_222 = tpu.memref_slice %arg16[%dma_wait3A_220, %dma_wait3A_221] : memref<10000x64xf32, #tpu.memory_space<vmem_shared>> -> memref<10000x64xf32, #tpu.memory_space<vmem_shared>>
          tpu.wait_indirect_dma semaphore(%arg26 : memref<!tpu.dma_semaphore, #tpu.memory_space<semaphore_mem>>) src(%arg15 : memref<125x64xf32, #tpu.memory_space<vmem>>) dst(%dma_wait3A_222 : memref<10000x64xf32, #tpu.memory_space<vmem_shared>>)
        } else {
        }
        %add3A_87 = arith.constant 5 : i32
        %add3A_88 = arith.addi %add3A_70, %add3A_87 : i32
        %sub3A = arith.constant 1 : i32
        %sub3A_89 = arith.subi %add3A_88, %sub3A : i32
        %lt3A_90 = arith.constant 160 : i32
        %lt3A_91 = arith.cmpi slt, %sub3A_89, %lt3A_90 : i32
        %convert_element_type3A_92 = arith.extui %lt3A_91 : i1 to i32
        %cond3A_93 = arith.constant 0 : i32
        %cond3A_94 = arith.cmpi ne, %convert_element_type3A_92, %cond3A_93 : i32
        scf.if %cond3A_94 {
          %add3A_215 = arith.constant 5 : i32
          %add3A_216 = arith.addi %add3A_70, %add3A_215 : i32
          %sub3A_217 = arith.constant 1 : i32
          %sub3A_218 = arith.subi %add3A_216, %sub3A_217 : i32
          %dma_start3A_219 = arith.constant 0 : i32
          %dma_start3A_220 = tpu.memref_slice %arg9[%sub3A_218, %dma_start3A_219] : memref<160x125xi32, #tpu.memory_space<vmem>> -> memref<1x125xi32, #tpu.memory_space<vmem>>
          %dma_start3A_221 = tpu.memref_squeeze %dma_start3A_220 : memref<1x125xi32, #tpu.memory_space<vmem>> -> memref<125xi32, #tpu.memory_space<vmem>>
          %dma_start3A_222 = arith.constant 0 : i32
          %dma_start3A_223 = arith.constant 0 : i32
          %dma_start3A_224 = tpu.memref_slice %arg2[%dma_start3A_222, %dma_start3A_223] : memref<10000x64xf32, #tpu.memory_space<hbm>> -> memref<10000x64xf32, #tpu.memory_space<hbm>>
          tpu.enqueue_indirect_dma source(%dma_start3A_224 : memref<10000x64xf32, #tpu.memory_space<hbm>>) target(%arg15 : memref<125x64xf32, #tpu.memory_space<vmem>>) offsets(%dma_start3A_221 : memref<125xi32, #tpu.memory_space<vmem>>) semaphore(%arg21 : memref<!tpu.dma_semaphore, #tpu.memory_space<semaphore_mem>>)
        } else {
        }
        %mul3A_95 = arith.constant 5 : i32
        %mul3A_96 = arith.muli %mul3A_95, %scan3A_67 : i32
        %add3A_97 = arith.constant 1 : i32
        %add3A_98 = arith.addi %mul3A_96, %add3A_97 : i32
        %dma_wait3A_99 = arith.constant 0 : i32
        %dma_wait3A_100 = tpu.memref_slice %arg9[%add3A_98, %dma_wait3A_99] : memref<160x125xi32, #tpu.memory_space<vmem>> -> memref<1x125xi32, #tpu.memory_space<vmem>>
        %dma_wait3A_101 = tpu.memref_squeeze %dma_wait3A_100 : memref<1x125xi32, #tpu.memory_space<vmem>> -> memref<125xi32, #tpu.memory_space<vmem>>
        %dma_wait3A_102 = arith.constant 0 : i32
        %dma_wait3A_103 = arith.constant 0 : i32
        %dma_wait3A_104 = tpu.memref_slice %arg2[%dma_wait3A_102, %dma_wait3A_103] : memref<10000x64xf32, #tpu.memory_space<hbm>> -> memref<10000x64xf32, #tpu.memory_space<hbm>>
        tpu.wait_indirect_dma semaphore(%arg18 : memref<!tpu.dma_semaphore, #tpu.memory_space<semaphore_mem>>) src(%dma_wait3A_104 : memref<10000x64xf32, #tpu.memory_space<hbm>>) dst(%arg12 : memref<125x64xf32, #tpu.memory_space<vmem>>)
        %dma_start3A_105 = arith.constant 0 : i32
        %dma_start3A_106 = tpu.memref_slice %arg10[%add3A_98, %dma_start3A_105] : memref<160x125xi32, #tpu.memory_space<vmem>> -> memref<1x125xi32, #tpu.memory_space<vmem>>
        %dma_start3A_107 = tpu.memref_squeeze %dma_start3A_106 : memref<1x125xi32, #tpu.memory_space<vmem>> -> memref<125xi32, #tpu.memory_space<vmem>>
        %dma_start3A_108 = arith.constant 0 : i32
        %dma_start3A_109 = arith.constant 0 : i32
        %dma_start3A_110 = tpu.memref_slice %arg16[%dma_start3A_108, %dma_start3A_109] : memref<10000x64xf32, #tpu.memory_space<vmem_shared>> -> memref<10000x64xf32, #tpu.memory_space<vmem_shared>>
        tpu.enqueue_indirect_dma source(%arg12 : memref<125x64xf32, #tpu.memory_space<vmem>>) target(%dma_start3A_110 : memref<10000x64xf32, #tpu.memory_space<vmem_shared>>) offsets(%dma_start3A_107 : memref<125xi32, #tpu.memory_space<vmem>>) semaphore(%arg23 : memref<!tpu.dma_semaphore, #tpu.memory_space<semaphore_mem>>) {add = true}
        %ge3A_111 = arith.constant 1 : i32
        %ge3A_112 = arith.cmpi sge, %add3A_98, %ge3A_111 : i32
        %convert_element_type3A_113 = arith.extui %ge3A_112 : i1 to i32
        %cond3A_114 = arith.constant 0 : i32
        %cond3A_115 = arith.cmpi ne, %convert_element_type3A_113, %cond3A_114 : i32
        scf.if %cond3A_115 {
          %sub3A_215 = arith.constant 1 : i32
          %sub3A_216 = arith.subi %add3A_98, %sub3A_215 : i32
          %dma_wait3A_217 = arith.constant 0 : i32
          %dma_wait3A_218 = tpu.memref_slice %arg10[%sub3A_216, %dma_wait3A_217] : memref<160x125xi32, #tpu.memory_space<vmem>> -> memref<1x125xi32, #tpu.memory_space<vmem>>
          %dma_wait3A_219 = tpu.memref_squeeze %dma_wait3A_218 : memref<1x125xi32, #tpu.memory_space<vmem>> -> memref<125xi32, #tpu.memory_space<vmem>>
          %dma_wait3A_220 = arith.constant 0 : i32
          %dma_wait3A_221 = arith.constant 0 : i32
          %dma_wait3A_222 = tpu.memref_slice %arg16[%dma_wait3A_220, %dma_wait3A_221] : memref<10000x64xf32, #tpu.memory_space<vmem_shared>> -> memref<10000x64xf32, #tpu.memory_space<vmem_shared>>
          tpu.wait_indirect_dma semaphore(%arg22 : memref<!tpu.dma_semaphore, #tpu.memory_space<semaphore_mem>>) src(%arg11 : memref<125x64xf32, #tpu.memory_space<vmem>>) dst(%dma_wait3A_222 : memref<10000x64xf32, #tpu.memory_space<vmem_shared>>)
        } else {
        }
        %add3A_116 = arith.constant 5 : i32
        %add3A_117 = arith.addi %add3A_98, %add3A_116 : i32
        %sub3A_118 = arith.constant 1 : i32
        %sub3A_119 = arith.subi %add3A_117, %sub3A_118 : i32
        %lt3A_120 = arith.constant 160 : i32
        %lt3A_121 = arith.cmpi slt, %sub3A_119, %lt3A_120 : i32
        %convert_element_type3A_122 = arith.extui %lt3A_121 : i1 to i32
        %cond3A_123 = arith.constant 0 : i32
        %cond3A_124 = arith.cmpi ne, %convert_element_type3A_122, %cond3A_123 : i32
        scf.if %cond3A_124 {
          %add3A_215 = arith.constant 5 : i32
          %add3A_216 = arith.addi %add3A_98, %add3A_215 : i32
          %sub3A_217 = arith.constant 1 : i32
          %sub3A_218 = arith.subi %add3A_216, %sub3A_217 : i32
          %dma_start3A_219 = arith.constant 0 : i32
          %dma_start3A_220 = tpu.memref_slice %arg9[%sub3A_218, %dma_start3A_219] : memref<160x125xi32, #tpu.memory_space<vmem>> -> memref<1x125xi32, #tpu.memory_space<vmem>>
          %dma_start3A_221 = tpu.memref_squeeze %dma_start3A_220 : memref<1x125xi32, #tpu.memory_space<vmem>> -> memref<125xi32, #tpu.memory_space<vmem>>
          %dma_start3A_222 = arith.constant 0 : i32
          %dma_start3A_223 = arith.constant 0 : i32
          %dma_start3A_224 = tpu.memref_slice %arg2[%dma_start3A_222, %dma_start3A_223] : memref<10000x64xf32, #tpu.memory_space<hbm>> -> memref<10000x64xf32, #tpu.memory_space<hbm>>
          tpu.enqueue_indirect_dma source(%dma_start3A_224 : memref<10000x64xf32, #tpu.memory_space<hbm>>) target(%arg11 : memref<125x64xf32, #tpu.memory_space<vmem>>) offsets(%dma_start3A_221 : memref<125xi32, #tpu.memory_space<vmem>>) semaphore(%arg17 : memref<!tpu.dma_semaphore, #tpu.memory_space<semaphore_mem>>)
        } else {
        }
        %mul3A_125 = arith.constant 5 : i32
        %mul3A_126 = arith.muli %mul3A_125, %scan3A_67 : i32
        %add3A_127 = arith.constant 2 : i32
        %add3A_128 = arith.addi %mul3A_126, %add3A_127 : i32
        %dma_wait3A_129 = arith.constant 0 : i32
        %dma_wait3A_130 = tpu.memref_slice %arg9[%add3A_128, %dma_wait3A_129] : memref<160x125xi32, #tpu.memory_space<vmem>> -> memref<1x125xi32, #tpu.memory_space<vmem>>
        %dma_wait3A_131 = tpu.memref_squeeze %dma_wait3A_130 : memref<1x125xi32, #tpu.memory_space<vmem>> -> memref<125xi32, #tpu.memory_space<vmem>>
        %dma_wait3A_132 = arith.constant 0 : i32
        %dma_wait3A_133 = arith.constant 0 : i32
        %dma_wait3A_134 = tpu.memref_slice %arg2[%dma_wait3A_132, %dma_wait3A_133] : memref<10000x64xf32, #tpu.memory_space<hbm>> -> memref<10000x64xf32, #tpu.memory_space<hbm>>
        tpu.wait_indirect_dma semaphore(%arg19 : memref<!tpu.dma_semaphore, #tpu.memory_space<semaphore_mem>>) src(%dma_wait3A_134 : memref<10000x64xf32, #tpu.memory_space<hbm>>) dst(%arg13 : memref<125x64xf32, #tpu.memory_space<vmem>>)
        %dma_start3A_135 = arith.constant 0 : i32
        %dma_start3A_136 = tpu.memref_slice %arg10[%add3A_128, %dma_start3A_135] : memref<160x125xi32, #tpu.memory_space<vmem>> -> memref<1x125xi32, #tpu.memory_space<vmem>>
        %dma_start3A_137 = tpu.memref_squeeze %dma_start3A_136 : memref<1x125xi32, #tpu.memory_space<vmem>> -> memref<125xi32, #tpu.memory_space<vmem>>
        %dma_start3A_138 = arith.constant 0 : i32
        %dma_start3A_139 = arith.constant 0 : i32
        %dma_start3A_140 = tpu.memref_slice %arg16[%dma_start3A_138, %dma_start3A_139] : memref<10000x64xf32, #tpu.memory_space<vmem_shared>> -> memref<10000x64xf32, #tpu.memory_space<vmem_shared>>
        tpu.enqueue_indirect_dma source(%arg13 : memref<125x64xf32, #tpu.memory_space<vmem>>) target(%dma_start3A_140 : memref<10000x64xf32, #tpu.memory_space<vmem_shared>>) offsets(%dma_start3A_137 : memref<125xi32, #tpu.memory_space<vmem>>) semaphore(%arg24 : memref<!tpu.dma_semaphore, #tpu.memory_space<semaphore_mem>>) {add = true}
        %ge3A_141 = arith.constant 1 : i32
        %ge3A_142 = arith.cmpi sge, %add3A_128, %ge3A_141 : i32
        %convert_element_type3A_143 = arith.extui %ge3A_142 : i1 to i32
        %cond3A_144 = arith.constant 0 : i32
        %cond3A_145 = arith.cmpi ne, %convert_element_type3A_143, %cond3A_144 : i32
        scf.if %cond3A_145 {
          %sub3A_215 = arith.constant 1 : i32
          %sub3A_216 = arith.subi %add3A_128, %sub3A_215 : i32
          %dma_wait3A_217 = arith.constant 0 : i32
          %dma_wait3A_218 = tpu.memref_slice %arg10[%sub3A_216, %dma_wait3A_217] : memref<160x125xi32, #tpu.memory_space<vmem>> -> memref<1x125xi32, #tpu.memory_space<vmem>>
          %dma_wait3A_219 = tpu.memref_squeeze %dma_wait3A_218 : memref<1x125xi32, #tpu.memory_space<vmem>> -> memref<125xi32, #tpu.memory_space<vmem>>
          %dma_wait3A_220 = arith.constant 0 : i32
          %dma_wait3A_221 = arith.constant 0 : i32
          %dma_wait3A_222 = tpu.memref_slice %arg16[%dma_wait3A_220, %dma_wait3A_221] : memref<10000x64xf32, #tpu.memory_space<vmem_shared>> -> memref<10000x64xf32, #tpu.memory_space<vmem_shared>>
          tpu.wait_indirect_dma semaphore(%arg23 : memref<!tpu.dma_semaphore, #tpu.memory_space<semaphore_mem>>) src(%arg12 : memref<125x64xf32, #tpu.memory_space<vmem>>) dst(%dma_wait3A_222 : memref<10000x64xf32, #tpu.memory_space<vmem_shared>>)
        } else {
        }
        %add3A_146 = arith.constant 5 : i32
        %add3A_147 = arith.addi %add3A_128, %add3A_146 : i32
        %sub3A_148 = arith.constant 1 : i32
        %sub3A_149 = arith.subi %add3A_147, %sub3A_148 : i32
        %lt3A_150 = arith.constant 160 : i32
        %lt3A_151 = arith.cmpi slt, %sub3A_149, %lt3A_150 : i32
        %convert_element_type3A_152 = arith.extui %lt3A_151 : i1 to i32
        %cond3A_153 = arith.constant 0 : i32
        %cond3A_154 = arith.cmpi ne, %convert_element_type3A_152, %cond3A_153 : i32
        scf.if %cond3A_154 {
          %add3A_215 = arith.constant 5 : i32
          %add3A_216 = arith.addi %add3A_128, %add3A_215 : i32
          %sub3A_217 = arith.constant 1 : i32
          %sub3A_218 = arith.subi %add3A_216, %sub3A_217 : i32
          %dma_start3A_219 = arith.constant 0 : i32
          %dma_start3A_220 = tpu.memref_slice %arg9[%sub3A_218, %dma_start3A_219] : memref<160x125xi32, #tpu.memory_space<vmem>> -> memref<1x125xi32, #tpu.memory_space<vmem>>
          %dma_start3A_221 = tpu.memref_squeeze %dma_start3A_220 : memref<1x125xi32, #tpu.memory_space<vmem>> -> memref<125xi32, #tpu.memory_space<vmem>>
          %dma_start3A_222 = arith.constant 0 : i32
          %dma_start3A_223 = arith.constant 0 : i32
          %dma_start3A_224 = tpu.memref_slice %arg2[%dma_start3A_222, %dma_start3A_223] : memref<10000x64xf32, #tpu.memory_space<hbm>> -> memref<10000x64xf32, #tpu.memory_space<hbm>>
          tpu.enqueue_indirect_dma source(%dma_start3A_224 : memref<10000x64xf32, #tpu.memory_space<hbm>>) target(%arg12 : memref<125x64xf32, #tpu.memory_space<vmem>>) offsets(%dma_start3A_221 : memref<125xi32, #tpu.memory_space<vmem>>) semaphore(%arg18 : memref<!tpu.dma_semaphore, #tpu.memory_space<semaphore_mem>>)
        } else {
        }
        %mul3A_155 = arith.constant 5 : i32
        %mul3A_156 = arith.muli %mul3A_155, %scan3A_67 : i32
        %add3A_157 = arith.constant 3 : i32
        %add3A_158 = arith.addi %mul3A_156, %add3A_157 : i32
        %dma_wait3A_159 = arith.constant 0 : i32
        %dma_wait3A_160 = tpu.memref_slice %arg9[%add3A_158, %dma_wait3A_159] : memref<160x125xi32, #tpu.memory_space<vmem>> -> memref<1x125xi32, #tpu.memory_space<vmem>>
        %dma_wait3A_161 = tpu.memref_squeeze %dma_wait3A_160 : memref<1x125xi32, #tpu.memory_space<vmem>> -> memref<125xi32, #tpu.memory_space<vmem>>
        %dma_wait3A_162 = arith.constant 0 : i32
        %dma_wait3A_163 = arith.constant 0 : i32
        %dma_wait3A_164 = tpu.memref_slice %arg2[%dma_wait3A_162, %dma_wait3A_163] : memref<10000x64xf32, #tpu.memory_space<hbm>> -> memref<10000x64xf32, #tpu.memory_space<hbm>>
        tpu.wait_indirect_dma semaphore(%arg20 : memref<!tpu.dma_semaphore, #tpu.memory_space<semaphore_mem>>) src(%dma_wait3A_164 : memref<10000x64xf32, #tpu.memory_space<hbm>>) dst(%arg14 : memref<125x64xf32, #tpu.memory_space<vmem>>)
        %dma_start3A_165 = arith.constant 0 : i32
        %dma_start3A_166 = tpu.memref_slice %arg10[%add3A_158, %dma_start3A_165] : memref<160x125xi32, #tpu.memory_space<vmem>> -> memref<1x125xi32, #tpu.memory_space<vmem>>
        %dma_start3A_167 = tpu.memref_squeeze %dma_start3A_166 : memref<1x125xi32, #tpu.memory_space<vmem>> -> memref<125xi32, #tpu.memory_space<vmem>>
        %dma_start3A_168 = arith.constant 0 : i32
        %dma_start3A_169 = arith.constant 0 : i32
        %dma_start3A_170 = tpu.memref_slice %arg16[%dma_start3A_168, %dma_start3A_169] : memref<10000x64xf32, #tpu.memory_space<vmem_shared>> -> memref<10000x64xf32, #tpu.memory_space<vmem_shared>>
        tpu.enqueue_indirect_dma source(%arg14 : memref<125x64xf32, #tpu.memory_space<vmem>>) target(%dma_start3A_170 : memref<10000x64xf32, #tpu.memory_space<vmem_shared>>) offsets(%dma_start3A_167 : memref<125xi32, #tpu.memory_space<vmem>>) semaphore(%arg25 : memref<!tpu.dma_semaphore, #tpu.memory_space<semaphore_mem>>) {add = true}
        %ge3A_171 = arith.constant 1 : i32
        %ge3A_172 = arith.cmpi sge, %add3A_158, %ge3A_171 : i32
        %convert_element_type3A_173 = arith.extui %ge3A_172 : i1 to i32
        %cond3A_174 = arith.constant 0 : i32
        %cond3A_175 = arith.cmpi ne, %convert_element_type3A_173, %cond3A_174 : i32
        scf.if %cond3A_175 {
          %sub3A_215 = arith.constant 1 : i32
          %sub3A_216 = arith.subi %add3A_158, %sub3A_215 : i32
          %dma_wait3A_217 = arith.constant 0 : i32
          %dma_wait3A_218 = tpu.memref_slice %arg10[%sub3A_216, %dma_wait3A_217] : memref<160x125xi32, #tpu.memory_space<vmem>> -> memref<1x125xi32, #tpu.memory_space<vmem>>
          %dma_wait3A_219 = tpu.memref_squeeze %dma_wait3A_218 : memref<1x125xi32, #tpu.memory_space<vmem>> -> memref<125xi32, #tpu.memory_space<vmem>>
          %dma_wait3A_220 = arith.constant 0 : i32
          %dma_wait3A_221 = arith.constant 0 : i32
          %dma_wait3A_222 = tpu.memref_slice %arg16[%dma_wait3A_220, %dma_wait3A_221] : memref<10000x64xf32, #tpu.memory_space<vmem_shared>> -> memref<10000x64xf32, #tpu.memory_space<vmem_shared>>
          tpu.wait_indirect_dma semaphore(%arg24 : memref<!tpu.dma_semaphore, #tpu.memory_space<semaphore_mem>>) src(%arg13 : memref<125x64xf32, #tpu.memory_space<vmem>>) dst(%dma_wait3A_222 : memref<10000x64xf32, #tpu.memory_space<vmem_shared>>)
        } else {
        }
        %add3A_176 = arith.constant 5 : i32
        %add3A_177 = arith.addi %add3A_158, %add3A_176 : i32
        %sub3A_178 = arith.constant 1 : i32
        %sub3A_179 = arith.subi %add3A_177, %sub3A_178 : i32
        %lt3A_180 = arith.constant 160 : i32
        %lt3A_181 = arith.cmpi slt, %sub3A_179, %lt3A_180 : i32
        %convert_element_type3A_182 = arith.extui %lt3A_181 : i1 to i32
        %cond3A_183 = arith.constant 0 : i32
        %cond3A_184 = arith.cmpi ne, %convert_element_type3A_182, %cond3A_183 : i32
        scf.if %cond3A_184 {
          %add3A_215 = arith.constant 5 : i32
          %add3A_216 = arith.addi %add3A_158, %add3A_215 : i32
          %sub3A_217 = arith.constant 1 : i32
          %sub3A_218 = arith.subi %add3A_216, %sub3A_217 : i32
          %dma_start3A_219 = arith.constant 0 : i32
          %dma_start3A_220 = tpu.memref_slice %arg9[%sub3A_218, %dma_start3A_219] : memref<160x125xi32, #tpu.memory_space<vmem>> -> memref<1x125xi32, #tpu.memory_space<vmem>>
          %dma_start3A_221 = tpu.memref_squeeze %dma_start3A_220 : memref<1x125xi32, #tpu.memory_space<vmem>> -> memref<125xi32, #tpu.memory_space<vmem>>
          %dma_start3A_222 = arith.constant 0 : i32
          %dma_start3A_223 = arith.constant 0 : i32
          %dma_start3A_224 = tpu.memref_slice %arg2[%dma_start3A_222, %dma_start3A_223] : memref<10000x64xf32, #tpu.memory_space<hbm>> -> memref<10000x64xf32, #tpu.memory_space<hbm>>
          tpu.enqueue_indirect_dma source(%dma_start3A_224 : memref<10000x64xf32, #tpu.memory_space<hbm>>) target(%arg13 : memref<125x64xf32, #tpu.memory_space<vmem>>) offsets(%dma_start3A_221 : memref<125xi32, #tpu.memory_space<vmem>>) semaphore(%arg19 : memref<!tpu.dma_semaphore, #tpu.memory_space<semaphore_mem>>)
        } else {
        }
        %mul3A_185 = arith.constant 5 : i32
        %mul3A_186 = arith.muli %mul3A_185, %scan3A_67 : i32
        %add3A_187 = arith.constant 4 : i32
        %add3A_188 = arith.addi %mul3A_186, %add3A_187 : i32
        %dma_wait3A_189 = arith.constant 0 : i32
        %dma_wait3A_190 = tpu.memref_slice %arg9[%add3A_188, %dma_wait3A_189] : memref<160x125xi32, #tpu.memory_space<vmem>> -> memref<1x125xi32, #tpu.memory_space<vmem>>
        %dma_wait3A_191 = tpu.memref_squeeze %dma_wait3A_190 : memref<1x125xi32, #tpu.memory_space<vmem>> -> memref<125xi32, #tpu.memory_space<vmem>>
        %dma_wait3A_192 = arith.constant 0 : i32
        %dma_wait3A_193 = arith.constant 0 : i32
        %dma_wait3A_194 = tpu.memref_slice %arg2[%dma_wait3A_192, %dma_wait3A_193] : memref<10000x64xf32, #tpu.memory_space<hbm>> -> memref<10000x64xf32, #tpu.memory_space<hbm>>
        tpu.wait_indirect_dma semaphore(%arg21 : memref<!tpu.dma_semaphore, #tpu.memory_space<semaphore_mem>>) src(%dma_wait3A_194 : memref<10000x64xf32, #tpu.memory_space<hbm>>) dst(%arg15 : memref<125x64xf32, #tpu.memory_space<vmem>>)
        %dma_start3A_195 = arith.constant 0 : i32
        %dma_start3A_196 = tpu.memref_slice %arg10[%add3A_188, %dma_start3A_195] : memref<160x125xi32, #tpu.memory_space<vmem>> -> memref<1x125xi32, #tpu.memory_space<vmem>>
        %dma_start3A_197 = tpu.memref_squeeze %dma_start3A_196 : memref<1x125xi32, #tpu.memory_space<vmem>> -> memref<125xi32, #tpu.memory_space<vmem>>
        %dma_start3A_198 = arith.constant 0 : i32
        %dma_start3A_199 = arith.constant 0 : i32
        %dma_start3A_200 = tpu.memref_slice %arg16[%dma_start3A_198, %dma_start3A_199] : memref<10000x64xf32, #tpu.memory_space<vmem_shared>> -> memref<10000x64xf32, #tpu.memory_space<vmem_shared>>
        tpu.enqueue_indirect_dma source(%arg15 : memref<125x64xf32, #tpu.memory_space<vmem>>) target(%dma_start3A_200 : memref<10000x64xf32, #tpu.memory_space<vmem_shared>>) offsets(%dma_start3A_197 : memref<125xi32, #tpu.memory_space<vmem>>) semaphore(%arg26 : memref<!tpu.dma_semaphore, #tpu.memory_space<semaphore_mem>>) {add = true}
        %ge3A_201 = arith.constant 1 : i32
        %ge3A_202 = arith.cmpi sge, %add3A_188, %ge3A_201 : i32
        %convert_element_type3A_203 = arith.extui %ge3A_202 : i1 to i32
        %cond3A_204 = arith.constant 0 : i32
        %cond3A_205 = arith.cmpi ne, %convert_element_type3A_203, %cond3A_204 : i32
        scf.if %cond3A_205 {
          %sub3A_215 = arith.constant 1 : i32
          %sub3A_216 = arith.subi %add3A_188, %sub3A_215 : i32
          %dma_wait3A_217 = arith.constant 0 : i32
          %dma_wait3A_218 = tpu.memref_slice %arg10[%sub3A_216, %dma_wait3A_217] : memref<160x125xi32, #tpu.memory_space<vmem>> -> memref<1x125xi32, #tpu.memory_space<vmem>>
          %dma_wait3A_219 = tpu.memref_squeeze %dma_wait3A_218 : memref<1x125xi32, #tpu.memory_space<vmem>> -> memref<125xi32, #tpu.memory_space<vmem>>
          %dma_wait3A_220 = arith.constant 0 : i32
          %dma_wait3A_221 = arith.constant 0 : i32
          %dma_wait3A_222 = tpu.memref_slice %arg16[%dma_wait3A_220, %dma_wait3A_221] : memref<10000x64xf32, #tpu.memory_space<vmem_shared>> -> memref<10000x64xf32, #tpu.memory_space<vmem_shared>>
          tpu.wait_indirect_dma semaphore(%arg25 : memref<!tpu.dma_semaphore, #tpu.memory_space<semaphore_mem>>) src(%arg14 : memref<125x64xf32, #tpu.memory_space<vmem>>) dst(%dma_wait3A_222 : memref<10000x64xf32, #tpu.memory_space<vmem_shared>>)
        } else {
        }
        %add3A_206 = arith.constant 5 : i32
        %add3A_207 = arith.addi %add3A_188, %add3A_206 : i32
        %sub3A_208 = arith.constant 1 : i32
        %sub3A_209 = arith.subi %add3A_207, %sub3A_208 : i32
        %lt3A_210 = arith.constant 160 : i32
        %lt3A_211 = arith.cmpi slt, %sub3A_209, %lt3A_210 : i32
        %convert_element_type3A_212 = arith.extui %lt3A_211 : i1 to i32
        %cond3A_213 = arith.constant 0 : i32
        %cond3A_214 = arith.cmpi ne, %convert_element_type3A_212, %cond3A_213 : i32
        scf.if %cond3A_214 {
          %add3A_215 = arith.constant 5 : i32
          %add3A_216 = arith.addi %add3A_188, %add3A_215 : i32
          %sub3A_217 = arith.constant 1 : i32
          %sub3A_218 = arith.subi %add3A_216, %sub3A_217 : i32
          %dma_start3A_219 = arith.constant 0 : i32
          %dma_start3A_220 = tpu.memref_slice %arg9[%sub3A_218, %dma_start3A_219] : memref<160x125xi32, #tpu.memory_space<vmem>> -> memref<1x125xi32, #tpu.memory_space<vmem>>
          %dma_start3A_221 = tpu.memref_squeeze %dma_start3A_220 : memref<1x125xi32, #tpu.memory_space<vmem>> -> memref<125xi32, #tpu.memory_space<vmem>>
          %dma_start3A_222 = arith.constant 0 : i32
          %dma_start3A_223 = arith.constant 0 : i32
          %dma_start3A_224 = tpu.memref_slice %arg2[%dma_start3A_222, %dma_start3A_223] : memref<10000x64xf32, #tpu.memory_space<hbm>> -> memref<10000x64xf32, #tpu.memory_space<hbm>>
          tpu.enqueue_indirect_dma source(%dma_start3A_224 : memref<10000x64xf32, #tpu.memory_space<hbm>>) target(%arg14 : memref<125x64xf32, #tpu.memory_space<vmem>>) offsets(%dma_start3A_221 : memref<125xi32, #tpu.memory_space<vmem>>) semaphore(%arg20 : memref<!tpu.dma_semaphore, #tpu.memory_space<semaphore_mem>>)
        } else {
        }
      }
      %scan3A_49 = arith.constant 32 : i32
      %dma_wait3A = arith.constant 159 : i32
      %dma_wait3A_50 = arith.constant 0 : i32
      %dma_wait3A_51 = tpu.memref_slice %arg10[%dma_wait3A, %dma_wait3A_50] : memref<160x125xi32, #tpu.memory_space<vmem>> -> memref<1x125xi32, #tpu.memory_space<vmem>>
      %dma_wait3A_52 = tpu.memref_squeeze %dma_wait3A_51 : memref<1x125xi32, #tpu.memory_space<vmem>> -> memref<125xi32, #tpu.memory_space<vmem>>
      %dma_wait3A_53 = arith.constant 0 : i32
      %dma_wait3A_54 = arith.constant 0 : i32
      %dma_wait3A_55 = tpu.memref_slice %arg16[%dma_wait3A_53, %dma_wait3A_54] : memref<10000x64xf32, #tpu.memory_space<vmem_shared>> -> memref<10000x64xf32, #tpu.memory_space<vmem_shared>>
      tpu.wait_indirect_dma semaphore(%arg26 : memref<!tpu.dma_semaphore, #tpu.memory_space<semaphore_mem>>) src(%arg15 : memref<125x64xf32, #tpu.memory_space<vmem>>) dst(%dma_wait3A_55 : memref<10000x64xf32, #tpu.memory_space<vmem_shared>>)
      %barrier3A_56 = arith.constant 0 : index
      tpu.barrier barrier_id(%barrier3A_56)
      %lt3A_57 = arith.constant 15 : i32
      %lt3A_58 = arith.cmpi slt, %arg1, %lt3A_57 : i32
      %convert_element_type3A_59 = arith.extui %lt3A_58 : i1 to i32
      %cond3A_60 = arith.constant 0 : i32
      %cond3A_61 = arith.cmpi ne, %convert_element_type3A_59, %cond3A_60 : i32
      scf.if %cond3A_61 {
        %mul3A_67 = arith.constant 624 : i32
        %mul3A_68 = arith.muli %arg1, %mul3A_67 : i32
        %mul3A_69 = arith.constant 624 : i32
        %mul3A_70 = arith.muli %arg1, %mul3A_69 : i32
        "tpu.region"() ({
          %run_scoped3A_71 = tpu.sem_alloc : memref<!tpu.dma_semaphore, #tpu.memory_space<semaphore_mem>>
          %dma_start3A_72 = arith.constant 0 : i32
          %dma_start3A_73 = tpu.memref_slice %arg7[%mul3A_70, %dma_start3A_72] : memref<10000x64xf32, #tpu.memory_space<hbm>> -> memref<624x64xf32, #tpu.memory_space<hbm>>
          %dma_start3A_74 = arith.constant 0 : i32
          %dma_start3A_75 = tpu.memref_slice %arg16[%mul3A_68, %dma_start3A_74] : memref<10000x64xf32, #tpu.memory_space<vmem_shared>> -> memref<624x64xf32, #tpu.memory_space<vmem_shared>>
          tpu.enqueue_dma source(%dma_start3A_75 : memref<624x64xf32, #tpu.memory_space<vmem_shared>>) target(%dma_start3A_73 : memref<624x64xf32, #tpu.memory_space<hbm>>) target_semaphore(%run_scoped3A_71 : memref<!tpu.dma_semaphore, #tpu.memory_space<semaphore_mem>>)
          %dma_wait3A_76 = arith.constant 0 : i32
          %dma_wait3A_77 = tpu.memref_slice %arg7[%mul3A_70, %dma_wait3A_76] : memref<10000x64xf32, #tpu.memory_space<hbm>> -> memref<624x64xf32, #tpu.memory_space<hbm>>
          %dma_wait3A_78 = arith.constant 0 : i32
          %dma_wait3A_79 = tpu.memref_slice %arg16[%mul3A_68, %dma_wait3A_78] : memref<10000x64xf32, #tpu.memory_space<vmem_shared>> -> memref<624x64xf32, #tpu.memory_space<vmem_shared>>
          tpu.wait_dma2 semaphore(%run_scoped3A_71 : memref<!tpu.dma_semaphore, #tpu.memory_space<semaphore_mem>>) src(%dma_wait3A_79 : memref<624x64xf32, #tpu.memory_space<vmem_shared>>) dst(%dma_wait3A_77 : memref<624x64xf32, #tpu.memory_space<hbm>>)
          tpu.yield
        }) : () -> ()
      } else {
      }
      %eq3A_62 = arith.constant 15 : i32
      %eq3A_63 = arith.cmpi eq, %arg1, %eq3A_62 : i32
      %convert_element_type3A_64 = arith.extui %eq3A_63 : i1 to i32
      %cond3A_65 = arith.constant 0 : i32
      %cond3A_66 = arith.cmpi ne, %convert_element_type3A_64, %cond3A_65 : i32
      scf.if %cond3A_66 {
        "tpu.region"() ({
          %run_scoped3A_67 = tpu.sem_alloc : memref<!tpu.dma_semaphore, #tpu.memory_space<semaphore_mem>>
          %dma_start3A_68 = arith.constant 9360 : i32
          %dma_start3A_69 = arith.constant 0 : i32
          %dma_start3A_70 = tpu.memref_slice %arg7[%dma_start3A_68, %dma_start3A_69] : memref<10000x64xf32, #tpu.memory_space<hbm>> -> memref<640x64xf32, #tpu.memory_space<hbm>>
          %dma_start3A_71 = arith.constant 9360 : i32
          %dma_start3A_72 = arith.constant 0 : i32
          %dma_start3A_73 = tpu.memref_slice %arg16[%dma_start3A_71, %dma_start3A_72] : memref<10000x64xf32, #tpu.memory_space<vmem_shared>> -> memref<640x64xf32, #tpu.memory_space<vmem_shared>>
          tpu.enqueue_dma source(%dma_start3A_73 : memref<640x64xf32, #tpu.memory_space<vmem_shared>>) target(%dma_start3A_70 : memref<640x64xf32, #tpu.memory_space<hbm>>) target_semaphore(%run_scoped3A_67 : memref<!tpu.dma_semaphore, #tpu.memory_space<semaphore_mem>>)
          %dma_wait3A_74 = arith.constant 9360 : i32
          %dma_wait3A_75 = arith.constant 0 : i32
          %dma_wait3A_76 = tpu.memref_slice %arg7[%dma_wait3A_74, %dma_wait3A_75] : memref<10000x64xf32, #tpu.memory_space<hbm>> -> memref<640x64xf32, #tpu.memory_space<hbm>>
          %dma_wait3A_77 = arith.constant 9360 : i32
          %dma_wait3A_78 = arith.constant 0 : i32
          %dma_wait3A_79 = tpu.memref_slice %arg16[%dma_wait3A_77, %dma_wait3A_78] : memref<10000x64xf32, #tpu.memory_space<vmem_shared>> -> memref<640x64xf32, #tpu.memory_space<vmem_shared>>
          tpu.wait_dma2 semaphore(%run_scoped3A_67 : memref<!tpu.dma_semaphore, #tpu.memory_space<semaphore_mem>>) src(%dma_wait3A_79 : memref<640x64xf32, #tpu.memory_space<vmem_shared>>) dst(%dma_wait3A_76 : memref<640x64xf32, #tpu.memory_space<hbm>>)
          tpu.yield
        }) : () -> ()
      } else {
      }
    } else {
    }
    %eq3A_3 = arith.constant 1 : i32
    %eq3A_4 = arith.cmpi eq, %arg0, %eq3A_3 : i32
    %convert_element_type3A_5 = arith.extui %eq3A_4 : i1 to i32
    %cond3A_6 = arith.constant 0 : i32
    %cond3A_7 = arith.cmpi ne, %convert_element_type3A_5, %cond3A_6 : i32
    scf.if %cond3A_7 {
      %lt3A = arith.constant 15 : i32
      %lt3A_8 = arith.cmpi slt, %arg1, %lt3A : i32
      %convert_element_type3A_9 = arith.extui %lt3A_8 : i1 to i32
      %cond3A_10 = arith.constant 0 : i32
      %cond3A_11 = arith.cmpi ne, %convert_element_type3A_9, %cond3A_10 : i32
      scf.if %cond3A_11 {
        %mul3A_67 = arith.constant 624 : i32
        %mul3A_68 = arith.muli %arg1, %mul3A_67 : i32
        %mul3A_69 = arith.constant 624 : i32
        %mul3A_70 = arith.muli %arg1, %mul3A_69 : i32
        "tpu.region"() ({
          %run_scoped3A_71 = tpu.sem_alloc : memref<!tpu.dma_semaphore, #tpu.memory_space<semaphore_mem>>
          %dma_start3A_72 = arith.constant 0 : i32
          %dma_start3A_73 = tpu.memref_slice %arg16[%mul3A_70, %dma_start3A_72] : memref<10000x64xf32, #tpu.memory_space<vmem_shared>> -> memref<624x64xf32, #tpu.memory_space<vmem_shared>>
          %dma_start3A_74 = arith.constant 0 : i32
          %dma_start3A_75 = tpu.memref_slice %arg6[%mul3A_68, %dma_start3A_74] : memref<10000x64xf32, #tpu.memory_space<hbm>> -> memref<624x64xf32, #tpu.memory_space<hbm>>
          tpu.enqueue_dma source(%dma_start3A_75 : memref<624x64xf32, #tpu.memory_space<hbm>>) target(%dma_start3A_73 : memref<624x64xf32, #tpu.memory_space<vmem_shared>>) target_semaphore(%run_scoped3A_71 : memref<!tpu.dma_semaphore, #tpu.memory_space<semaphore_mem>>)
          %dma_wait3A_76 = arith.constant 0 : i32
          %dma_wait3A_77 = tpu.memref_slice %arg16[%mul3A_70, %dma_wait3A_76] : memref<10000x64xf32, #tpu.memory_space<vmem_shared>> -> memref<624x64xf32, #tpu.memory_space<vmem_shared>>
          %dma_wait3A_78 = arith.constant 0 : i32
          %dma_wait3A_79 = tpu.memref_slice %arg6[%mul3A_68, %dma_wait3A_78] : memref<10000x64xf32, #tpu.memory_space<hbm>> -> memref<624x64xf32, #tpu.memory_space<hbm>>
          tpu.wait_dma2 semaphore(%run_scoped3A_71 : memref<!tpu.dma_semaphore, #tpu.memory_space<semaphore_mem>>) src(%dma_wait3A_79 : memref<624x64xf32, #tpu.memory_space<hbm>>) dst(%dma_wait3A_77 : memref<624x64xf32, #tpu.memory_space<vmem_shared>>)
          tpu.yield
        }) : () -> ()
      } else {
      }
      %eq3A_12 = arith.constant 15 : i32
      %eq3A_13 = arith.cmpi eq, %arg1, %eq3A_12 : i32
      %convert_element_type3A_14 = arith.extui %eq3A_13 : i1 to i32
      %cond3A_15 = arith.constant 0 : i32
      %cond3A_16 = arith.cmpi ne, %convert_element_type3A_14, %cond3A_15 : i32
      scf.if %cond3A_16 {
        "tpu.region"() ({
          %run_scoped3A_67 = tpu.sem_alloc : memref<!tpu.dma_semaphore, #tpu.memory_space<semaphore_mem>>
          %dma_start3A_68 = arith.constant 9360 : i32
          %dma_start3A_69 = arith.constant 0 : i32
          %dma_start3A_70 = tpu.memref_slice %arg16[%dma_start3A_68, %dma_start3A_69] : memref<10000x64xf32, #tpu.memory_space<vmem_shared>> -> memref<640x64xf32, #tpu.memory_space<vmem_shared>>
          %dma_start3A_71 = arith.constant 9360 : i32
          %dma_start3A_72 = arith.constant 0 : i32
          %dma_start3A_73 = tpu.memref_slice %arg6[%dma_start3A_71, %dma_start3A_72] : memref<10000x64xf32, #tpu.memory_space<hbm>> -> memref<640x64xf32, #tpu.memory_space<hbm>>
          tpu.enqueue_dma source(%dma_start3A_73 : memref<640x64xf32, #tpu.memory_space<hbm>>) target(%dma_start3A_70 : memref<640x64xf32, #tpu.memory_space<vmem_shared>>) target_semaphore(%run_scoped3A_67 : memref<!tpu.dma_semaphore, #tpu.memory_space<semaphore_mem>>)
          %dma_wait3A_74 = arith.constant 9360 : i32
          %dma_wait3A_75 = arith.constant 0 : i32
          %dma_wait3A_76 = tpu.memref_slice %arg16[%dma_wait3A_74, %dma_wait3A_75] : memref<10000x64xf32, #tpu.memory_space<vmem_shared>> -> memref<640x64xf32, #tpu.memory_space<vmem_shared>>
          %dma_wait3A_77 = arith.constant 9360 : i32
          %dma_wait3A_78 = arith.constant 0 : i32
          %dma_wait3A_79 = tpu.memref_slice %arg6[%dma_wait3A_77, %dma_wait3A_78] : memref<10000x64xf32, #tpu.memory_space<hbm>> -> memref<640x64xf32, #tpu.memory_space<hbm>>
          tpu.wait_dma2 semaphore(%run_scoped3A_67 : memref<!tpu.dma_semaphore, #tpu.memory_space<semaphore_mem>>) src(%dma_wait3A_79 : memref<640x64xf32, #tpu.memory_space<hbm>>) dst(%dma_wait3A_76 : memref<640x64xf32, #tpu.memory_space<vmem_shared>>)
          tpu.yield
        }) : () -> ()
      } else {
      }
      %run_scoped3A = arith.constant 0 : i32
      "tpu.region"() ({
        %run_scoped3A_67 = tpu.sem_alloc : memref<!tpu.dma_semaphore, #tpu.memory_space<semaphore_mem>>
        %dma_start3A_68 = arith.constant 0 : i32
        %dma_start3A_69 = arith.constant 0 : i32
        %dma_start3A_70 = tpu.memref_slice %arg9[%dma_start3A_68, %dma_start3A_69] : memref<160x125xi32, #tpu.memory_space<vmem>> -> memref<160x125xi32, #tpu.memory_space<vmem>>
        %dma_start3A_71 = arith.constant 0 : i32
        %dma_start3A_72 = tpu.memref_slice %arg5[%run_scoped3A, %mul3A_0, %dma_start3A_71] : memref<2x2560x125xi32, #tpu.memory_space<hbm>> -> memref<1x160x125xi32, #tpu.memory_space<hbm>>
        %dma_start3A_73 = tpu.memref_squeeze %dma_start3A_72 : memref<1x160x125xi32, #tpu.memory_space<hbm>> -> memref<160x125xi32, #tpu.memory_space<hbm>>
        %dma_start3A_74 = arith.constant 0 : i32
        %dma_start3A_75 = arith.constant 0 : i32
        %dma_start3A_76 = tpu.memref_slice %arg9[%dma_start3A_74, %dma_start3A_75] : memref<160x125xi32, #tpu.memory_space<vmem>> -> memref<160x125xi32, #tpu.memory_space<vmem>>
        %dma_start3A_77 = arith.constant 0 : i32
        %dma_start3A_78 = tpu.memref_slice %arg5[%run_scoped3A, %mul3A_0, %dma_start3A_77] : memref<2x2560x125xi32, #tpu.memory_space<hbm>> -> memref<1x160x125xi32, #tpu.memory_space<hbm>>
        %dma_start3A_79 = tpu.memref_squeeze %dma_start3A_78 : memref<1x160x125xi32, #tpu.memory_space<hbm>> -> memref<160x125xi32, #tpu.memory_space<hbm>>
        tpu.enqueue_dma source(%dma_start3A_79 : memref<160x125xi32, #tpu.memory_space<hbm>>) target(%dma_start3A_76 : memref<160x125xi32, #tpu.memory_space<vmem>>) target_semaphore(%run_scoped3A_67 : memref<!tpu.dma_semaphore, #tpu.memory_space<semaphore_mem>>)
        %dma_wait3A_80 = arith.constant 0 : i32
        %dma_wait3A_81 = arith.constant 0 : i32
        %dma_wait3A_82 = tpu.memref_slice %arg9[%dma_wait3A_80, %dma_wait3A_81] : memref<160x125xi32, #tpu.memory_space<vmem>> -> memref<160x125xi32, #tpu.memory_space<vmem>>
        %dma_wait3A_83 = arith.constant 0 : i32
        %dma_wait3A_84 = tpu.memref_slice %arg5[%run_scoped3A, %mul3A_0, %dma_wait3A_83] : memref<2x2560x125xi32, #tpu.memory_space<hbm>> -> memref<1x160x125xi32, #tpu.memory_space<hbm>>
        %dma_wait3A_85 = tpu.memref_squeeze %dma_wait3A_84 : memref<1x160x125xi32, #tpu.memory_space<hbm>> -> memref<160x125xi32, #tpu.memory_space<hbm>>
        %dma_wait3A_86 = arith.constant 0 : i32
        %dma_wait3A_87 = arith.constant 0 : i32
        %dma_wait3A_88 = tpu.memref_slice %arg9[%dma_wait3A_86, %dma_wait3A_87] : memref<160x125xi32, #tpu.memory_space<vmem>> -> memref<160x125xi32, #tpu.memory_space<vmem>>
        %dma_wait3A_89 = arith.constant 0 : i32
        %dma_wait3A_90 = tpu.memref_slice %arg5[%run_scoped3A, %mul3A_0, %dma_wait3A_89] : memref<2x2560x125xi32, #tpu.memory_space<hbm>> -> memref<1x160x125xi32, #tpu.memory_space<hbm>>
        %dma_wait3A_91 = tpu.memref_squeeze %dma_wait3A_90 : memref<1x160x125xi32, #tpu.memory_space<hbm>> -> memref<160x125xi32, #tpu.memory_space<hbm>>
        tpu.wait_dma2 semaphore(%run_scoped3A_67 : memref<!tpu.dma_semaphore, #tpu.memory_space<semaphore_mem>>) src(%dma_wait3A_91 : memref<160x125xi32, #tpu.memory_space<hbm>>) dst(%dma_wait3A_88 : memref<160x125xi32, #tpu.memory_space<vmem>>)
        tpu.yield
      }) : () -> ()
      %run_scoped3A_17 = arith.constant 1 : i32
      "tpu.region"() ({
        %run_scoped3A_67 = tpu.sem_alloc : memref<!tpu.dma_semaphore, #tpu.memory_space<semaphore_mem>>
        %dma_start3A_68 = arith.constant 0 : i32
        %dma_start3A_69 = arith.constant 0 : i32
        %dma_start3A_70 = tpu.memref_slice %arg10[%dma_start3A_68, %dma_start3A_69] : memref<160x125xi32, #tpu.memory_space<vmem>> -> memref<160x125xi32, #tpu.memory_space<vmem>>
        %dma_start3A_71 = arith.constant 0 : i32
        %dma_start3A_72 = tpu.memref_slice %arg5[%run_scoped3A_17, %mul3A_0, %dma_start3A_71] : memref<2x2560x125xi32, #tpu.memory_space<hbm>> -> memref<1x160x125xi32, #tpu.memory_space<hbm>>
        %dma_start3A_73 = tpu.memref_squeeze %dma_start3A_72 : memref<1x160x125xi32, #tpu.memory_space<hbm>> -> memref<160x125xi32, #tpu.memory_space<hbm>>
        %dma_start3A_74 = arith.constant 0 : i32
        %dma_start3A_75 = arith.constant 0 : i32
        %dma_start3A_76 = tpu.memref_slice %arg10[%dma_start3A_74, %dma_start3A_75] : memref<160x125xi32, #tpu.memory_space<vmem>> -> memref<160x125xi32, #tpu.memory_space<vmem>>
        %dma_start3A_77 = arith.constant 0 : i32
        %dma_start3A_78 = tpu.memref_slice %arg5[%run_scoped3A_17, %mul3A_0, %dma_start3A_77] : memref<2x2560x125xi32, #tpu.memory_space<hbm>> -> memref<1x160x125xi32, #tpu.memory_space<hbm>>
        %dma_start3A_79 = tpu.memref_squeeze %dma_start3A_78 : memref<1x160x125xi32, #tpu.memory_space<hbm>> -> memref<160x125xi32, #tpu.memory_space<hbm>>
        tpu.enqueue_dma source(%dma_start3A_79 : memref<160x125xi32, #tpu.memory_space<hbm>>) target(%dma_start3A_76 : memref<160x125xi32, #tpu.memory_space<vmem>>) target_semaphore(%run_scoped3A_67 : memref<!tpu.dma_semaphore, #tpu.memory_space<semaphore_mem>>)
        %dma_wait3A_80 = arith.constant 0 : i32
        %dma_wait3A_81 = arith.constant 0 : i32
        %dma_wait3A_82 = tpu.memref_slice %arg10[%dma_wait3A_80, %dma_wait3A_81] : memref<160x125xi32, #tpu.memory_space<vmem>> -> memref<160x125xi32, #tpu.memory_space<vmem>>
        %dma_wait3A_83 = arith.constant 0 : i32
        %dma_wait3A_84 = tpu.memref_slice %arg5[%run_scoped3A_17, %mul3A_0, %dma_wait3A_83] : memref<2x2560x125xi32, #tpu.memory_space<hbm>> -> memref<1x160x125xi32, #tpu.memory_space<hbm>>
        %dma_wait3A_85 = tpu.memref_squeeze %dma_wait3A_84 : memref<1x160x125xi32, #tpu.memory_space<hbm>> -> memref<160x125xi32, #tpu.memory_space<hbm>>
        %dma_wait3A_86 = arith.constant 0 : i32
        %dma_wait3A_87 = arith.constant 0 : i32
        %dma_wait3A_88 = tpu.memref_slice %arg10[%dma_wait3A_86, %dma_wait3A_87] : memref<160x125xi32, #tpu.memory_space<vmem>> -> memref<160x125xi32, #tpu.memory_space<vmem>>
        %dma_wait3A_89 = arith.constant 0 : i32
        %dma_wait3A_90 = tpu.memref_slice %arg5[%run_scoped3A_17, %mul3A_0, %dma_wait3A_89] : memref<2x2560x125xi32, #tpu.memory_space<hbm>> -> memref<1x160x125xi32, #tpu.memory_space<hbm>>
        %dma_wait3A_91 = tpu.memref_squeeze %dma_wait3A_90 : memref<1x160x125xi32, #tpu.memory_space<hbm>> -> memref<160x125xi32, #tpu.memory_space<hbm>>
        tpu.wait_dma2 semaphore(%run_scoped3A_67 : memref<!tpu.dma_semaphore, #tpu.memory_space<semaphore_mem>>) src(%dma_wait3A_91 : memref<160x125xi32, #tpu.memory_space<hbm>>) dst(%dma_wait3A_88 : memref<160x125xi32, #tpu.memory_space<vmem>>)
        tpu.yield
      }) : () -> ()
      %barrier3A = arith.constant 0 : index
      tpu.barrier barrier_id(%barrier3A)
      %dma_start3A = arith.constant 0 : i32
      %dma_start3A_18 = arith.constant 0 : i32
      %dma_start3A_19 = tpu.memref_slice %arg9[%dma_start3A, %dma_start3A_18] : memref<160x125xi32, #tpu.memory_space<vmem>> -> memref<1x125xi32, #tpu.memory_space<vmem>>
      %dma_start3A_20 = tpu.memref_squeeze %dma_start3A_19 : memref<1x125xi32, #tpu.memory_space<vmem>> -> memref<125xi32, #tpu.memory_space<vmem>>
      %dma_start3A_21 = arith.constant 0 : i32
      %dma_start3A_22 = arith.constant 0 : i32
      %dma_start3A_23 = tpu.memref_slice %arg3[%dma_start3A_21, %dma_start3A_22] : memref<10000x64xf32, #tpu.memory_space<hbm>> -> memref<10000x64xf32, #tpu.memory_space<hbm>>
      tpu.enqueue_indirect_dma source(%dma_start3A_23 : memref<10000x64xf32, #tpu.memory_space<hbm>>) target(%arg11 : memref<125x64xf32, #tpu.memory_space<vmem>>) offsets(%dma_start3A_20 : memref<125xi32, #tpu.memory_space<vmem>>) semaphore(%arg17 : memref<!tpu.dma_semaphore, #tpu.memory_space<semaphore_mem>>)
      %dma_start3A_24 = arith.constant 1 : i32
      %dma_start3A_25 = arith.constant 0 : i32
      %dma_start3A_26 = tpu.memref_slice %arg9[%dma_start3A_24, %dma_start3A_25] : memref<160x125xi32, #tpu.memory_space<vmem>> -> memref<1x125xi32, #tpu.memory_space<vmem>>
      %dma_start3A_27 = tpu.memref_squeeze %dma_start3A_26 : memref<1x125xi32, #tpu.memory_space<vmem>> -> memref<125xi32, #tpu.memory_space<vmem>>
      %dma_start3A_28 = arith.constant 0 : i32
      %dma_start3A_29 = arith.constant 0 : i32
      %dma_start3A_30 = tpu.memref_slice %arg3[%dma_start3A_28, %dma_start3A_29] : memref<10000x64xf32, #tpu.memory_space<hbm>> -> memref<10000x64xf32, #tpu.memory_space<hbm>>
      tpu.enqueue_indirect_dma source(%dma_start3A_30 : memref<10000x64xf32, #tpu.memory_space<hbm>>) target(%arg12 : memref<125x64xf32, #tpu.memory_space<vmem>>) offsets(%dma_start3A_27 : memref<125xi32, #tpu.memory_space<vmem>>) semaphore(%arg18 : memref<!tpu.dma_semaphore, #tpu.memory_space<semaphore_mem>>)
      %dma_start3A_31 = arith.constant 2 : i32
      %dma_start3A_32 = arith.constant 0 : i32
      %dma_start3A_33 = tpu.memref_slice %arg9[%dma_start3A_31, %dma_start3A_32] : memref<160x125xi32, #tpu.memory_space<vmem>> -> memref<1x125xi32, #tpu.memory_space<vmem>>
      %dma_start3A_34 = tpu.memref_squeeze %dma_start3A_33 : memref<1x125xi32, #tpu.memory_space<vmem>> -> memref<125xi32, #tpu.memory_space<vmem>>
      %dma_start3A_35 = arith.constant 0 : i32
      %dma_start3A_36 = arith.constant 0 : i32
      %dma_start3A_37 = tpu.memref_slice %arg3[%dma_start3A_35, %dma_start3A_36] : memref<10000x64xf32, #tpu.memory_space<hbm>> -> memref<10000x64xf32, #tpu.memory_space<hbm>>
      tpu.enqueue_indirect_dma source(%dma_start3A_37 : memref<10000x64xf32, #tpu.memory_space<hbm>>) target(%arg13 : memref<125x64xf32, #tpu.memory_space<vmem>>) offsets(%dma_start3A_34 : memref<125xi32, #tpu.memory_space<vmem>>) semaphore(%arg19 : memref<!tpu.dma_semaphore, #tpu.memory_space<semaphore_mem>>)
      %dma_start3A_38 = arith.constant 3 : i32
      %dma_start3A_39 = arith.constant 0 : i32
      %dma_start3A_40 = tpu.memref_slice %arg9[%dma_start3A_38, %dma_start3A_39] : memref<160x125xi32, #tpu.memory_space<vmem>> -> memref<1x125xi32, #tpu.memory_space<vmem>>
      %dma_start3A_41 = tpu.memref_squeeze %dma_start3A_40 : memref<1x125xi32, #tpu.memory_space<vmem>> -> memref<125xi32, #tpu.memory_space<vmem>>
      %dma_start3A_42 = arith.constant 0 : i32
      %dma_start3A_43 = arith.constant 0 : i32
      %dma_start3A_44 = tpu.memref_slice %arg3[%dma_start3A_42, %dma_start3A_43] : memref<10000x64xf32, #tpu.memory_space<hbm>> -> memref<10000x64xf32, #tpu.memory_space<hbm>>
      tpu.enqueue_indirect_dma source(%dma_start3A_44 : memref<10000x64xf32, #tpu.memory_space<hbm>>) target(%arg14 : memref<125x64xf32, #tpu.memory_space<vmem>>) offsets(%dma_start3A_41 : memref<125xi32, #tpu.memory_space<vmem>>) semaphore(%arg20 : memref<!tpu.dma_semaphore, #tpu.memory_space<semaphore_mem>>)
      %scan3A = arith.constant 0 : i32
      %scan3A_45 = arith.constant 0 : i32
      %scan3A_46 = arith.constant 32 : i32
      %scan3A_47 = arith.addi %scan3A_45, %scan3A_46 : i32
      %scan3A_48 = arith.constant 1 : i32
      scf.for %scan3A_67 = %scan3A_45 to %scan3A_47 step %scan3A_48  : i32 {
        %mul3A_68 = arith.constant 5 : i32
        %mul3A_69 = arith.muli %mul3A_68, %scan3A_67 : i32
        %add3A = arith.constant 0 : i32
        %add3A_70 = arith.addi %mul3A_69, %add3A : i32
        %dma_wait3A_71 = arith.constant 0 : i32
        %dma_wait3A_72 = tpu.memref_slice %arg9[%add3A_70, %dma_wait3A_71] : memref<160x125xi32, #tpu.memory_space<vmem>> -> memref<1x125xi32, #tpu.memory_space<vmem>>
        %dma_wait3A_73 = tpu.memref_squeeze %dma_wait3A_72 : memref<1x125xi32, #tpu.memory_space<vmem>> -> memref<125xi32, #tpu.memory_space<vmem>>
        %dma_wait3A_74 = arith.constant 0 : i32
        %dma_wait3A_75 = arith.constant 0 : i32
        %dma_wait3A_76 = tpu.memref_slice %arg3[%dma_wait3A_74, %dma_wait3A_75] : memref<10000x64xf32, #tpu.memory_space<hbm>> -> memref<10000x64xf32, #tpu.memory_space<hbm>>
        tpu.wait_indirect_dma semaphore(%arg17 : memref<!tpu.dma_semaphore, #tpu.memory_space<semaphore_mem>>) src(%dma_wait3A_76 : memref<10000x64xf32, #tpu.memory_space<hbm>>) dst(%arg11 : memref<125x64xf32, #tpu.memory_space<vmem>>)
        %dma_start3A_77 = arith.constant 0 : i32
        %dma_start3A_78 = tpu.memref_slice %arg10[%add3A_70, %dma_start3A_77] : memref<160x125xi32, #tpu.memory_space<vmem>> -> memref<1x125xi32, #tpu.memory_space<vmem>>
        %dma_start3A_79 = tpu.memref_squeeze %dma_start3A_78 : memref<1x125xi32, #tpu.memory_space<vmem>> -> memref<125xi32, #tpu.memory_space<vmem>>
        %dma_start3A_80 = arith.constant 0 : i32
        %dma_start3A_81 = arith.constant 0 : i32
        %dma_start3A_82 = tpu.memref_slice %arg16[%dma_start3A_80, %dma_start3A_81] : memref<10000x64xf32, #tpu.memory_space<vmem_shared>> -> memref<10000x64xf32, #tpu.memory_space<vmem_shared>>
        tpu.enqueue_indirect_dma source(%arg11 : memref<125x64xf32, #tpu.memory_space<vmem>>) target(%dma_start3A_82 : memref<10000x64xf32, #tpu.memory_space<vmem_shared>>) offsets(%dma_start3A_79 : memref<125xi32, #tpu.memory_space<vmem>>) semaphore(%arg22 : memref<!tpu.dma_semaphore, #tpu.memory_space<semaphore_mem>>) {add = true}
        %ge3A = arith.constant 1 : i32
        %ge3A_83 = arith.cmpi sge, %add3A_70, %ge3A : i32
        %convert_element_type3A_84 = arith.extui %ge3A_83 : i1 to i32
        %cond3A_85 = arith.constant 0 : i32
        %cond3A_86 = arith.cmpi ne, %convert_element_type3A_84, %cond3A_85 : i32
        scf.if %cond3A_86 {
          %sub3A_215 = arith.constant 1 : i32
          %sub3A_216 = arith.subi %add3A_70, %sub3A_215 : i32
          %dma_wait3A_217 = arith.constant 0 : i32
          %dma_wait3A_218 = tpu.memref_slice %arg10[%sub3A_216, %dma_wait3A_217] : memref<160x125xi32, #tpu.memory_space<vmem>> -> memref<1x125xi32, #tpu.memory_space<vmem>>
          %dma_wait3A_219 = tpu.memref_squeeze %dma_wait3A_218 : memref<1x125xi32, #tpu.memory_space<vmem>> -> memref<125xi32, #tpu.memory_space<vmem>>
          %dma_wait3A_220 = arith.constant 0 : i32
          %dma_wait3A_221 = arith.constant 0 : i32
          %dma_wait3A_222 = tpu.memref_slice %arg16[%dma_wait3A_220, %dma_wait3A_221] : memref<10000x64xf32, #tpu.memory_space<vmem_shared>> -> memref<10000x64xf32, #tpu.memory_space<vmem_shared>>
          tpu.wait_indirect_dma semaphore(%arg26 : memref<!tpu.dma_semaphore, #tpu.memory_space<semaphore_mem>>) src(%arg15 : memref<125x64xf32, #tpu.memory_space<vmem>>) dst(%dma_wait3A_222 : memref<10000x64xf32, #tpu.memory_space<vmem_shared>>)
        } else {
        }
        %add3A_87 = arith.constant 5 : i32
        %add3A_88 = arith.addi %add3A_70, %add3A_87 : i32
        %sub3A = arith.constant 1 : i32
        %sub3A_89 = arith.subi %add3A_88, %sub3A : i32
        %lt3A_90 = arith.constant 160 : i32
        %lt3A_91 = arith.cmpi slt, %sub3A_89, %lt3A_90 : i32
        %convert_element_type3A_92 = arith.extui %lt3A_91 : i1 to i32
        %cond3A_93 = arith.constant 0 : i32
        %cond3A_94 = arith.cmpi ne, %convert_element_type3A_92, %cond3A_93 : i32
        scf.if %cond3A_94 {
          %add3A_215 = arith.constant 5 : i32
          %add3A_216 = arith.addi %add3A_70, %add3A_215 : i32
          %sub3A_217 = arith.constant 1 : i32
          %sub3A_218 = arith.subi %add3A_216, %sub3A_217 : i32
          %dma_start3A_219 = arith.constant 0 : i32
          %dma_start3A_220 = tpu.memref_slice %arg9[%sub3A_218, %dma_start3A_219] : memref<160x125xi32, #tpu.memory_space<vmem>> -> memref<1x125xi32, #tpu.memory_space<vmem>>
          %dma_start3A_221 = tpu.memref_squeeze %dma_start3A_220 : memref<1x125xi32, #tpu.memory_space<vmem>> -> memref<125xi32, #tpu.memory_space<vmem>>
          %dma_start3A_222 = arith.constant 0 : i32
          %dma_start3A_223 = arith.constant 0 : i32
          %dma_start3A_224 = tpu.memref_slice %arg3[%dma_start3A_222, %dma_start3A_223] : memref<10000x64xf32, #tpu.memory_space<hbm>> -> memref<10000x64xf32, #tpu.memory_space<hbm>>
          tpu.enqueue_indirect_dma source(%dma_start3A_224 : memref<10000x64xf32, #tpu.memory_space<hbm>>) target(%arg15 : memref<125x64xf32, #tpu.memory_space<vmem>>) offsets(%dma_start3A_221 : memref<125xi32, #tpu.memory_space<vmem>>) semaphore(%arg21 : memref<!tpu.dma_semaphore, #tpu.memory_space<semaphore_mem>>)
        } else {
        }
        %mul3A_95 = arith.constant 5 : i32
        %mul3A_96 = arith.muli %mul3A_95, %scan3A_67 : i32
        %add3A_97 = arith.constant 1 : i32
        %add3A_98 = arith.addi %mul3A_96, %add3A_97 : i32
        %dma_wait3A_99 = arith.constant 0 : i32
        %dma_wait3A_100 = tpu.memref_slice %arg9[%add3A_98, %dma_wait3A_99] : memref<160x125xi32, #tpu.memory_space<vmem>> -> memref<1x125xi32, #tpu.memory_space<vmem>>
        %dma_wait3A_101 = tpu.memref_squeeze %dma_wait3A_100 : memref<1x125xi32, #tpu.memory_space<vmem>> -> memref<125xi32, #tpu.memory_space<vmem>>
        %dma_wait3A_102 = arith.constant 0 : i32
        %dma_wait3A_103 = arith.constant 0 : i32
        %dma_wait3A_104 = tpu.memref_slice %arg3[%dma_wait3A_102, %dma_wait3A_103] : memref<10000x64xf32, #tpu.memory_space<hbm>> -> memref<10000x64xf32, #tpu.memory_space<hbm>>
        tpu.wait_indirect_dma semaphore(%arg18 : memref<!tpu.dma_semaphore, #tpu.memory_space<semaphore_mem>>) src(%dma_wait3A_104 : memref<10000x64xf32, #tpu.memory_space<hbm>>) dst(%arg12 : memref<125x64xf32, #tpu.memory_space<vmem>>)
        %dma_start3A_105 = arith.constant 0 : i32
        %dma_start3A_106 = tpu.memref_slice %arg10[%add3A_98, %dma_start3A_105] : memref<160x125xi32, #tpu.memory_space<vmem>> -> memref<1x125xi32, #tpu.memory_space<vmem>>
        %dma_start3A_107 = tpu.memref_squeeze %dma_start3A_106 : memref<1x125xi32, #tpu.memory_space<vmem>> -> memref<125xi32, #tpu.memory_space<vmem>>
        %dma_start3A_108 = arith.constant 0 : i32
        %dma_start3A_109 = arith.constant 0 : i32
        %dma_start3A_110 = tpu.memref_slice %arg16[%dma_start3A_108, %dma_start3A_109] : memref<10000x64xf32, #tpu.memory_space<vmem_shared>> -> memref<10000x64xf32, #tpu.memory_space<vmem_shared>>
        tpu.enqueue_indirect_dma source(%arg12 : memref<125x64xf32, #tpu.memory_space<vmem>>) target(%dma_start3A_110 : memref<10000x64xf32, #tpu.memory_space<vmem_shared>>) offsets(%dma_start3A_107 : memref<125xi32, #tpu.memory_space<vmem>>) semaphore(%arg23 : memref<!tpu.dma_semaphore, #tpu.memory_space<semaphore_mem>>) {add = true}
        %ge3A_111 = arith.constant 1 : i32
        %ge3A_112 = arith.cmpi sge, %add3A_98, %ge3A_111 : i32
        %convert_element_type3A_113 = arith.extui %ge3A_112 : i1 to i32
        %cond3A_114 = arith.constant 0 : i32
        %cond3A_115 = arith.cmpi ne, %convert_element_type3A_113, %cond3A_114 : i32
        scf.if %cond3A_115 {
          %sub3A_215 = arith.constant 1 : i32
          %sub3A_216 = arith.subi %add3A_98, %sub3A_215 : i32
          %dma_wait3A_217 = arith.constant 0 : i32
          %dma_wait3A_218 = tpu.memref_slice %arg10[%sub3A_216, %dma_wait3A_217] : memref<160x125xi32, #tpu.memory_space<vmem>> -> memref<1x125xi32, #tpu.memory_space<vmem>>
          %dma_wait3A_219 = tpu.memref_squeeze %dma_wait3A_218 : memref<1x125xi32, #tpu.memory_space<vmem>> -> memref<125xi32, #tpu.memory_space<vmem>>
          %dma_wait3A_220 = arith.constant 0 : i32
          %dma_wait3A_221 = arith.constant 0 : i32
          %dma_wait3A_222 = tpu.memref_slice %arg16[%dma_wait3A_220, %dma_wait3A_221] : memref<10000x64xf32, #tpu.memory_space<vmem_shared>> -> memref<10000x64xf32, #tpu.memory_space<vmem_shared>>
          tpu.wait_indirect_dma semaphore(%arg22 : memref<!tpu.dma_semaphore, #tpu.memory_space<semaphore_mem>>) src(%arg11 : memref<125x64xf32, #tpu.memory_space<vmem>>) dst(%dma_wait3A_222 : memref<10000x64xf32, #tpu.memory_space<vmem_shared>>)
        } else {
        }
        %add3A_116 = arith.constant 5 : i32
        %add3A_117 = arith.addi %add3A_98, %add3A_116 : i32
        %sub3A_118 = arith.constant 1 : i32
        %sub3A_119 = arith.subi %add3A_117, %sub3A_118 : i32
        %lt3A_120 = arith.constant 160 : i32
        %lt3A_121 = arith.cmpi slt, %sub3A_119, %lt3A_120 : i32
        %convert_element_type3A_122 = arith.extui %lt3A_121 : i1 to i32
        %cond3A_123 = arith.constant 0 : i32
        %cond3A_124 = arith.cmpi ne, %convert_element_type3A_122, %cond3A_123 : i32
        scf.if %cond3A_124 {
          %add3A_215 = arith.constant 5 : i32
          %add3A_216 = arith.addi %add3A_98, %add3A_215 : i32
          %sub3A_217 = arith.constant 1 : i32
          %sub3A_218 = arith.subi %add3A_216, %sub3A_217 : i32
          %dma_start3A_219 = arith.constant 0 : i32
          %dma_start3A_220 = tpu.memref_slice %arg9[%sub3A_218, %dma_start3A_219] : memref<160x125xi32, #tpu.memory_space<vmem>> -> memref<1x125xi32, #tpu.memory_space<vmem>>
          %dma_start3A_221 = tpu.memref_squeeze %dma_start3A_220 : memref<1x125xi32, #tpu.memory_space<vmem>> -> memref<125xi32, #tpu.memory_space<vmem>>
          %dma_start3A_222 = arith.constant 0 : i32
          %dma_start3A_223 = arith.constant 0 : i32
          %dma_start3A_224 = tpu.memref_slice %arg3[%dma_start3A_222, %dma_start3A_223] : memref<10000x64xf32, #tpu.memory_space<hbm>> -> memref<10000x64xf32, #tpu.memory_space<hbm>>
          tpu.enqueue_indirect_dma source(%dma_start3A_224 : memref<10000x64xf32, #tpu.memory_space<hbm>>) target(%arg11 : memref<125x64xf32, #tpu.memory_space<vmem>>) offsets(%dma_start3A_221 : memref<125xi32, #tpu.memory_space<vmem>>) semaphore(%arg17 : memref<!tpu.dma_semaphore, #tpu.memory_space<semaphore_mem>>)
        } else {
        }
        %mul3A_125 = arith.constant 5 : i32
        %mul3A_126 = arith.muli %mul3A_125, %scan3A_67 : i32
        %add3A_127 = arith.constant 2 : i32
        %add3A_128 = arith.addi %mul3A_126, %add3A_127 : i32
        %dma_wait3A_129 = arith.constant 0 : i32
        %dma_wait3A_130 = tpu.memref_slice %arg9[%add3A_128, %dma_wait3A_129] : memref<160x125xi32, #tpu.memory_space<vmem>> -> memref<1x125xi32, #tpu.memory_space<vmem>>
        %dma_wait3A_131 = tpu.memref_squeeze %dma_wait3A_130 : memref<1x125xi32, #tpu.memory_space<vmem>> -> memref<125xi32, #tpu.memory_space<vmem>>
        %dma_wait3A_132 = arith.constant 0 : i32
        %dma_wait3A_133 = arith.constant 0 : i32
        %dma_wait3A_134 = tpu.memref_slice %arg3[%dma_wait3A_132, %dma_wait3A_133] : memref<10000x64xf32, #tpu.memory_space<hbm>> -> memref<10000x64xf32, #tpu.memory_space<hbm>>
        tpu.wait_indirect_dma semaphore(%arg19 : memref<!tpu.dma_semaphore, #tpu.memory_space<semaphore_mem>>) src(%dma_wait3A_134 : memref<10000x64xf32, #tpu.memory_space<hbm>>) dst(%arg13 : memref<125x64xf32, #tpu.memory_space<vmem>>)
        %dma_start3A_135 = arith.constant 0 : i32
        %dma_start3A_136 = tpu.memref_slice %arg10[%add3A_128, %dma_start3A_135] : memref<160x125xi32, #tpu.memory_space<vmem>> -> memref<1x125xi32, #tpu.memory_space<vmem>>
        %dma_start3A_137 = tpu.memref_squeeze %dma_start3A_136 : memref<1x125xi32, #tpu.memory_space<vmem>> -> memref<125xi32, #tpu.memory_space<vmem>>
        %dma_start3A_138 = arith.constant 0 : i32
        %dma_start3A_139 = arith.constant 0 : i32
        %dma_start3A_140 = tpu.memref_slice %arg16[%dma_start3A_138, %dma_start3A_139] : memref<10000x64xf32, #tpu.memory_space<vmem_shared>> -> memref<10000x64xf32, #tpu.memory_space<vmem_shared>>
        tpu.enqueue_indirect_dma source(%arg13 : memref<125x64xf32, #tpu.memory_space<vmem>>) target(%dma_start3A_140 : memref<10000x64xf32, #tpu.memory_space<vmem_shared>>) offsets(%dma_start3A_137 : memref<125xi32, #tpu.memory_space<vmem>>) semaphore(%arg24 : memref<!tpu.dma_semaphore, #tpu.memory_space<semaphore_mem>>) {add = true}
        %ge3A_141 = arith.constant 1 : i32
        %ge3A_142 = arith.cmpi sge, %add3A_128, %ge3A_141 : i32
        %convert_element_type3A_143 = arith.extui %ge3A_142 : i1 to i32
        %cond3A_144 = arith.constant 0 : i32
        %cond3A_145 = arith.cmpi ne, %convert_element_type3A_143, %cond3A_144 : i32
        scf.if %cond3A_145 {
          %sub3A_215 = arith.constant 1 : i32
          %sub3A_216 = arith.subi %add3A_128, %sub3A_215 : i32
          %dma_wait3A_217 = arith.constant 0 : i32
          %dma_wait3A_218 = tpu.memref_slice %arg10[%sub3A_216, %dma_wait3A_217] : memref<160x125xi32, #tpu.memory_space<vmem>> -> memref<1x125xi32, #tpu.memory_space<vmem>>
          %dma_wait3A_219 = tpu.memref_squeeze %dma_wait3A_218 : memref<1x125xi32, #tpu.memory_space<vmem>> -> memref<125xi32, #tpu.memory_space<vmem>>
          %dma_wait3A_220 = arith.constant 0 : i32
          %dma_wait3A_221 = arith.constant 0 : i32
          %dma_wait3A_222 = tpu.memref_slice %arg16[%dma_wait3A_220, %dma_wait3A_221] : memref<10000x64xf32, #tpu.memory_space<vmem_shared>> -> memref<10000x64xf32, #tpu.memory_space<vmem_shared>>
          tpu.wait_indirect_dma semaphore(%arg23 : memref<!tpu.dma_semaphore, #tpu.memory_space<semaphore_mem>>) src(%arg12 : memref<125x64xf32, #tpu.memory_space<vmem>>) dst(%dma_wait3A_222 : memref<10000x64xf32, #tpu.memory_space<vmem_shared>>)
        } else {
        }
        %add3A_146 = arith.constant 5 : i32
        %add3A_147 = arith.addi %add3A_128, %add3A_146 : i32
        %sub3A_148 = arith.constant 1 : i32
        %sub3A_149 = arith.subi %add3A_147, %sub3A_148 : i32
        %lt3A_150 = arith.constant 160 : i32
        %lt3A_151 = arith.cmpi slt, %sub3A_149, %lt3A_150 : i32
        %convert_element_type3A_152 = arith.extui %lt3A_151 : i1 to i32
        %cond3A_153 = arith.constant 0 : i32
        %cond3A_154 = arith.cmpi ne, %convert_element_type3A_152, %cond3A_153 : i32
        scf.if %cond3A_154 {
          %add3A_215 = arith.constant 5 : i32
          %add3A_216 = arith.addi %add3A_128, %add3A_215 : i32
          %sub3A_217 = arith.constant 1 : i32
          %sub3A_218 = arith.subi %add3A_216, %sub3A_217 : i32
          %dma_start3A_219 = arith.constant 0 : i32
          %dma_start3A_220 = tpu.memref_slice %arg9[%sub3A_218, %dma_start3A_219] : memref<160x125xi32, #tpu.memory_space<vmem>> -> memref<1x125xi32, #tpu.memory_space<vmem>>
          %dma_start3A_221 = tpu.memref_squeeze %dma_start3A_220 : memref<1x125xi32, #tpu.memory_space<vmem>> -> memref<125xi32, #tpu.memory_space<vmem>>
          %dma_start3A_222 = arith.constant 0 : i32
          %dma_start3A_223 = arith.constant 0 : i32
          %dma_start3A_224 = tpu.memref_slice %arg3[%dma_start3A_222, %dma_start3A_223] : memref<10000x64xf32, #tpu.memory_space<hbm>> -> memref<10000x64xf32, #tpu.memory_space<hbm>>
          tpu.enqueue_indirect_dma source(%dma_start3A_224 : memref<10000x64xf32, #tpu.memory_space<hbm>>) target(%arg12 : memref<125x64xf32, #tpu.memory_space<vmem>>) offsets(%dma_start3A_221 : memref<125xi32, #tpu.memory_space<vmem>>) semaphore(%arg18 : memref<!tpu.dma_semaphore, #tpu.memory_space<semaphore_mem>>)
        } else {
        }
        %mul3A_155 = arith.constant 5 : i32
        %mul3A_156 = arith.muli %mul3A_155, %scan3A_67 : i32
        %add3A_157 = arith.constant 3 : i32
        %add3A_158 = arith.addi %mul3A_156, %add3A_157 : i32
        %dma_wait3A_159 = arith.constant 0 : i32
        %dma_wait3A_160 = tpu.memref_slice %arg9[%add3A_158, %dma_wait3A_159] : memref<160x125xi32, #tpu.memory_space<vmem>> -> memref<1x125xi32, #tpu.memory_space<vmem>>
        %dma_wait3A_161 = tpu.memref_squeeze %dma_wait3A_160 : memref<1x125xi32, #tpu.memory_space<vmem>> -> memref<125xi32, #tpu.memory_space<vmem>>
        %dma_wait3A_162 = arith.constant 0 : i32
        %dma_wait3A_163 = arith.constant 0 : i32
        %dma_wait3A_164 = tpu.memref_slice %arg3[%dma_wait3A_162, %dma_wait3A_163] : memref<10000x64xf32, #tpu.memory_space<hbm>> -> memref<10000x64xf32, #tpu.memory_space<hbm>>
        tpu.wait_indirect_dma semaphore(%arg20 : memref<!tpu.dma_semaphore, #tpu.memory_space<semaphore_mem>>) src(%dma_wait3A_164 : memref<10000x64xf32, #tpu.memory_space<hbm>>) dst(%arg14 : memref<125x64xf32, #tpu.memory_space<vmem>>)
        %dma_start3A_165 = arith.constant 0 : i32
        %dma_start3A_166 = tpu.memref_slice %arg10[%add3A_158, %dma_start3A_165] : memref<160x125xi32, #tpu.memory_space<vmem>> -> memref<1x125xi32, #tpu.memory_space<vmem>>
        %dma_start3A_167 = tpu.memref_squeeze %dma_start3A_166 : memref<1x125xi32, #tpu.memory_space<vmem>> -> memref<125xi32, #tpu.memory_space<vmem>>
        %dma_start3A_168 = arith.constant 0 : i32
        %dma_start3A_169 = arith.constant 0 : i32
        %dma_start3A_170 = tpu.memref_slice %arg16[%dma_start3A_168, %dma_start3A_169] : memref<10000x64xf32, #tpu.memory_space<vmem_shared>> -> memref<10000x64xf32, #tpu.memory_space<vmem_shared>>
        tpu.enqueue_indirect_dma source(%arg14 : memref<125x64xf32, #tpu.memory_space<vmem>>) target(%dma_start3A_170 : memref<10000x64xf32, #tpu.memory_space<vmem_shared>>) offsets(%dma_start3A_167 : memref<125xi32, #tpu.memory_space<vmem>>) semaphore(%arg25 : memref<!tpu.dma_semaphore, #tpu.memory_space<semaphore_mem>>) {add = true}
        %ge3A_171 = arith.constant 1 : i32
        %ge3A_172 = arith.cmpi sge, %add3A_158, %ge3A_171 : i32
        %convert_element_type3A_173 = arith.extui %ge3A_172 : i1 to i32
        %cond3A_174 = arith.constant 0 : i32
        %cond3A_175 = arith.cmpi ne, %convert_element_type3A_173, %cond3A_174 : i32
        scf.if %cond3A_175 {
          %sub3A_215 = arith.constant 1 : i32
          %sub3A_216 = arith.subi %add3A_158, %sub3A_215 : i32
          %dma_wait3A_217 = arith.constant 0 : i32
          %dma_wait3A_218 = tpu.memref_slice %arg10[%sub3A_216, %dma_wait3A_217] : memref<160x125xi32, #tpu.memory_space<vmem>> -> memref<1x125xi32, #tpu.memory_space<vmem>>
          %dma_wait3A_219 = tpu.memref_squeeze %dma_wait3A_218 : memref<1x125xi32, #tpu.memory_space<vmem>> -> memref<125xi32, #tpu.memory_space<vmem>>
          %dma_wait3A_220 = arith.constant 0 : i32
          %dma_wait3A_221 = arith.constant 0 : i32
          %dma_wait3A_222 = tpu.memref_slice %arg16[%dma_wait3A_220, %dma_wait3A_221] : memref<10000x64xf32, #tpu.memory_space<vmem_shared>> -> memref<10000x64xf32, #tpu.memory_space<vmem_shared>>
          tpu.wait_indirect_dma semaphore(%arg24 : memref<!tpu.dma_semaphore, #tpu.memory_space<semaphore_mem>>) src(%arg13 : memref<125x64xf32, #tpu.memory_space<vmem>>) dst(%dma_wait3A_222 : memref<10000x64xf32, #tpu.memory_space<vmem_shared>>)
        } else {
        }
        %add3A_176 = arith.constant 5 : i32
        %add3A_177 = arith.addi %add3A_158, %add3A_176 : i32
        %sub3A_178 = arith.constant 1 : i32
        %sub3A_179 = arith.subi %add3A_177, %sub3A_178 : i32
        %lt3A_180 = arith.constant 160 : i32
        %lt3A_181 = arith.cmpi slt, %sub3A_179, %lt3A_180 : i32
        %convert_element_type3A_182 = arith.extui %lt3A_181 : i1 to i32
        %cond3A_183 = arith.constant 0 : i32
        %cond3A_184 = arith.cmpi ne, %convert_element_type3A_182, %cond3A_183 : i32
        scf.if %cond3A_184 {
          %add3A_215 = arith.constant 5 : i32
          %add3A_216 = arith.addi %add3A_158, %add3A_215 : i32
          %sub3A_217 = arith.constant 1 : i32
          %sub3A_218 = arith.subi %add3A_216, %sub3A_217 : i32
          %dma_start3A_219 = arith.constant 0 : i32
          %dma_start3A_220 = tpu.memref_slice %arg9[%sub3A_218, %dma_start3A_219] : memref<160x125xi32, #tpu.memory_space<vmem>> -> memref<1x125xi32, #tpu.memory_space<vmem>>
          %dma_start3A_221 = tpu.memref_squeeze %dma_start3A_220 : memref<1x125xi32, #tpu.memory_space<vmem>> -> memref<125xi32, #tpu.memory_space<vmem>>
          %dma_start3A_222 = arith.constant 0 : i32
          %dma_start3A_223 = arith.constant 0 : i32
          %dma_start3A_224 = tpu.memref_slice %arg3[%dma_start3A_222, %dma_start3A_223] : memref<10000x64xf32, #tpu.memory_space<hbm>> -> memref<10000x64xf32, #tpu.memory_space<hbm>>
          tpu.enqueue_indirect_dma source(%dma_start3A_224 : memref<10000x64xf32, #tpu.memory_space<hbm>>) target(%arg13 : memref<125x64xf32, #tpu.memory_space<vmem>>) offsets(%dma_start3A_221 : memref<125xi32, #tpu.memory_space<vmem>>) semaphore(%arg19 : memref<!tpu.dma_semaphore, #tpu.memory_space<semaphore_mem>>)
        } else {
        }
        %mul3A_185 = arith.constant 5 : i32
        %mul3A_186 = arith.muli %mul3A_185, %scan3A_67 : i32
        %add3A_187 = arith.constant 4 : i32
        %add3A_188 = arith.addi %mul3A_186, %add3A_187 : i32
        %dma_wait3A_189 = arith.constant 0 : i32
        %dma_wait3A_190 = tpu.memref_slice %arg9[%add3A_188, %dma_wait3A_189] : memref<160x125xi32, #tpu.memory_space<vmem>> -> memref<1x125xi32, #tpu.memory_space<vmem>>
        %dma_wait3A_191 = tpu.memref_squeeze %dma_wait3A_190 : memref<1x125xi32, #tpu.memory_space<vmem>> -> memref<125xi32, #tpu.memory_space<vmem>>
        %dma_wait3A_192 = arith.constant 0 : i32
        %dma_wait3A_193 = arith.constant 0 : i32
        %dma_wait3A_194 = tpu.memref_slice %arg3[%dma_wait3A_192, %dma_wait3A_193] : memref<10000x64xf32, #tpu.memory_space<hbm>> -> memref<10000x64xf32, #tpu.memory_space<hbm>>
        tpu.wait_indirect_dma semaphore(%arg21 : memref<!tpu.dma_semaphore, #tpu.memory_space<semaphore_mem>>) src(%dma_wait3A_194 : memref<10000x64xf32, #tpu.memory_space<hbm>>) dst(%arg15 : memref<125x64xf32, #tpu.memory_space<vmem>>)
        %dma_start3A_195 = arith.constant 0 : i32
        %dma_start3A_196 = tpu.memref_slice %arg10[%add3A_188, %dma_start3A_195] : memref<160x125xi32, #tpu.memory_space<vmem>> -> memref<1x125xi32, #tpu.memory_space<vmem>>
        %dma_start3A_197 = tpu.memref_squeeze %dma_start3A_196 : memref<1x125xi32, #tpu.memory_space<vmem>> -> memref<125xi32, #tpu.memory_space<vmem>>
        %dma_start3A_198 = arith.constant 0 : i32
        %dma_start3A_199 = arith.constant 0 : i32
        %dma_start3A_200 = tpu.memref_slice %arg16[%dma_start3A_198, %dma_start3A_199] : memref<10000x64xf32, #tpu.memory_space<vmem_shared>> -> memref<10000x64xf32, #tpu.memory_space<vmem_shared>>
        tpu.enqueue_indirect_dma source(%arg15 : memref<125x64xf32, #tpu.memory_space<vmem>>) target(%dma_start3A_200 : memref<10000x64xf32, #tpu.memory_space<vmem_shared>>) offsets(%dma_start3A_197 : memref<125xi32, #tpu.memory_space<vmem>>) semaphore(%arg26 : memref<!tpu.dma_semaphore, #tpu.memory_space<semaphore_mem>>) {add = true}
        %ge3A_201 = arith.constant 1 : i32
        %ge3A_202 = arith.cmpi sge, %add3A_188, %ge3A_201 : i32
        %convert_element_type3A_203 = arith.extui %ge3A_202 : i1 to i32
        %cond3A_204 = arith.constant 0 : i32
        %cond3A_205 = arith.cmpi ne, %convert_element_type3A_203, %cond3A_204 : i32
        scf.if %cond3A_205 {
          %sub3A_215 = arith.constant 1 : i32
          %sub3A_216 = arith.subi %add3A_188, %sub3A_215 : i32
          %dma_wait3A_217 = arith.constant 0 : i32
          %dma_wait3A_218 = tpu.memref_slice %arg10[%sub3A_216, %dma_wait3A_217] : memref<160x125xi32, #tpu.memory_space<vmem>> -> memref<1x125xi32, #tpu.memory_space<vmem>>
          %dma_wait3A_219 = tpu.memref_squeeze %dma_wait3A_218 : memref<1x125xi32, #tpu.memory_space<vmem>> -> memref<125xi32, #tpu.memory_space<vmem>>
          %dma_wait3A_220 = arith.constant 0 : i32
          %dma_wait3A_221 = arith.constant 0 : i32
          %dma_wait3A_222 = tpu.memref_slice %arg16[%dma_wait3A_220, %dma_wait3A_221] : memref<10000x64xf32, #tpu.memory_space<vmem_shared>> -> memref<10000x64xf32, #tpu.memory_space<vmem_shared>>
          tpu.wait_indirect_dma semaphore(%arg25 : memref<!tpu.dma_semaphore, #tpu.memory_space<semaphore_mem>>) src(%arg14 : memref<125x64xf32, #tpu.memory_space<vmem>>) dst(%dma_wait3A_222 : memref<10000x64xf32, #tpu.memory_space<vmem_shared>>)
        } else {
        }
        %add3A_206 = arith.constant 5 : i32
        %add3A_207 = arith.addi %add3A_188, %add3A_206 : i32
        %sub3A_208 = arith.constant 1 : i32
        %sub3A_209 = arith.subi %add3A_207, %sub3A_208 : i32
        %lt3A_210 = arith.constant 160 : i32
        %lt3A_211 = arith.cmpi slt, %sub3A_209, %lt3A_210 : i32
        %convert_element_type3A_212 = arith.extui %lt3A_211 : i1 to i32
        %cond3A_213 = arith.constant 0 : i32
        %cond3A_214 = arith.cmpi ne, %convert_element_type3A_212, %cond3A_213 : i32
        scf.if %cond3A_214 {
          %add3A_215 = arith.constant 5 : i32
          %add3A_216 = arith.addi %add3A_188, %add3A_215 : i32
          %sub3A_217 = arith.constant 1 : i32
          %sub3A_218 = arith.subi %add3A_216, %sub3A_217 : i32
          %dma_start3A_219 = arith.constant 0 : i32
          %dma_start3A_220 = tpu.memref_slice %arg9[%sub3A_218, %dma_start3A_219] : memref<160x125xi32, #tpu.memory_space<vmem>> -> memref<1x125xi32, #tpu.memory_space<vmem>>
          %dma_start3A_221 = tpu.memref_squeeze %dma_start3A_220 : memref<1x125xi32, #tpu.memory_space<vmem>> -> memref<125xi32, #tpu.memory_space<vmem>>
          %dma_start3A_222 = arith.constant 0 : i32
          %dma_start3A_223 = arith.constant 0 : i32
          %dma_start3A_224 = tpu.memref_slice %arg3[%dma_start3A_222, %dma_start3A_223] : memref<10000x64xf32, #tpu.memory_space<hbm>> -> memref<10000x64xf32, #tpu.memory_space<hbm>>
          tpu.enqueue_indirect_dma source(%dma_start3A_224 : memref<10000x64xf32, #tpu.memory_space<hbm>>) target(%arg14 : memref<125x64xf32, #tpu.memory_space<vmem>>) offsets(%dma_start3A_221 : memref<125xi32, #tpu.memory_space<vmem>>) semaphore(%arg20 : memref<!tpu.dma_semaphore, #tpu.memory_space<semaphore_mem>>)
        } else {
        }
      }
      %scan3A_49 = arith.constant 32 : i32
      %dma_wait3A = arith.constant 159 : i32
      %dma_wait3A_50 = arith.constant 0 : i32
      %dma_wait3A_51 = tpu.memref_slice %arg10[%dma_wait3A, %dma_wait3A_50] : memref<160x125xi32, #tpu.memory_space<vmem>> -> memref<1x125xi32, #tpu.memory_space<vmem>>
      %dma_wait3A_52 = tpu.memref_squeeze %dma_wait3A_51 : memref<1x125xi32, #tpu.memory_space<vmem>> -> memref<125xi32, #tpu.memory_space<vmem>>
      %dma_wait3A_53 = arith.constant 0 : i32
      %dma_wait3A_54 = arith.constant 0 : i32
      %dma_wait3A_55 = tpu.memref_slice %arg16[%dma_wait3A_53, %dma_wait3A_54] : memref<10000x64xf32, #tpu.memory_space<vmem_shared>> -> memref<10000x64xf32, #tpu.memory_space<vmem_shared>>
      tpu.wait_indirect_dma semaphore(%arg26 : memref<!tpu.dma_semaphore, #tpu.memory_space<semaphore_mem>>) src(%arg15 : memref<125x64xf32, #tpu.memory_space<vmem>>) dst(%dma_wait3A_55 : memref<10000x64xf32, #tpu.memory_space<vmem_shared>>)
      %barrier3A_56 = arith.constant 0 : index
      tpu.barrier barrier_id(%barrier3A_56)
      %lt3A_57 = arith.constant 15 : i32
      %lt3A_58 = arith.cmpi slt, %arg1, %lt3A_57 : i32
      %convert_element_type3A_59 = arith.extui %lt3A_58 : i1 to i32
      %cond3A_60 = arith.constant 0 : i32
      %cond3A_61 = arith.cmpi ne, %convert_element_type3A_59, %cond3A_60 : i32
      scf.if %cond3A_61 {
        %mul3A_67 = arith.constant 624 : i32
        %mul3A_68 = arith.muli %arg1, %mul3A_67 : i32
        %mul3A_69 = arith.constant 624 : i32
        %mul3A_70 = arith.muli %arg1, %mul3A_69 : i32
        "tpu.region"() ({
          %run_scoped3A_71 = tpu.sem_alloc : memref<!tpu.dma_semaphore, #tpu.memory_space<semaphore_mem>>
          %dma_start3A_72 = arith.constant 0 : i32
          %dma_start3A_73 = tpu.memref_slice %arg8[%mul3A_70, %dma_start3A_72] : memref<10000x64xf32, #tpu.memory_space<hbm>> -> memref<624x64xf32, #tpu.memory_space<hbm>>
          %dma_start3A_74 = arith.constant 0 : i32
          %dma_start3A_75 = tpu.memref_slice %arg16[%mul3A_68, %dma_start3A_74] : memref<10000x64xf32, #tpu.memory_space<vmem_shared>> -> memref<624x64xf32, #tpu.memory_space<vmem_shared>>
          tpu.enqueue_dma source(%dma_start3A_75 : memref<624x64xf32, #tpu.memory_space<vmem_shared>>) target(%dma_start3A_73 : memref<624x64xf32, #tpu.memory_space<hbm>>) target_semaphore(%run_scoped3A_71 : memref<!tpu.dma_semaphore, #tpu.memory_space<semaphore_mem>>)
          %dma_wait3A_76 = arith.constant 0 : i32
          %dma_wait3A_77 = tpu.memref_slice %arg8[%mul3A_70, %dma_wait3A_76] : memref<10000x64xf32, #tpu.memory_space<hbm>> -> memref<624x64xf32, #tpu.memory_space<hbm>>
          %dma_wait3A_78 = arith.constant 0 : i32
          %dma_wait3A_79 = tpu.memref_slice %arg16[%mul3A_68, %dma_wait3A_78] : memref<10000x64xf32, #tpu.memory_space<vmem_shared>> -> memref<624x64xf32, #tpu.memory_space<vmem_shared>>
          tpu.wait_dma2 semaphore(%run_scoped3A_71 : memref<!tpu.dma_semaphore, #tpu.memory_space<semaphore_mem>>) src(%dma_wait3A_79 : memref<624x64xf32, #tpu.memory_space<vmem_shared>>) dst(%dma_wait3A_77 : memref<624x64xf32, #tpu.memory_space<hbm>>)
          tpu.yield
        }) : () -> ()
      } else {
      }
      %eq3A_62 = arith.constant 15 : i32
      %eq3A_63 = arith.cmpi eq, %arg1, %eq3A_62 : i32
      %convert_element_type3A_64 = arith.extui %eq3A_63 : i1 to i32
      %cond3A_65 = arith.constant 0 : i32
      %cond3A_66 = arith.cmpi ne, %convert_element_type3A_64, %cond3A_65 : i32
      scf.if %cond3A_66 {
        "tpu.region"() ({
          %run_scoped3A_67 = tpu.sem_alloc : memref<!tpu.dma_semaphore, #tpu.memory_space<semaphore_mem>>
          %dma_start3A_68 = arith.constant 9360 : i32
          %dma_start3A_69 = arith.constant 0 : i32
          %dma_start3A_70 = tpu.memref_slice %arg8[%dma_start3A_68, %dma_start3A_69] : memref<10000x64xf32, #tpu.memory_space<hbm>> -> memref<640x64xf32, #tpu.memory_space<hbm>>
          %dma_start3A_71 = arith.constant 9360 : i32
          %dma_start3A_72 = arith.constant 0 : i32
          %dma_start3A_73 = tpu.memref_slice %arg16[%dma_start3A_71, %dma_start3A_72] : memref<10000x64xf32, #tpu.memory_space<vmem_shared>> -> memref<640x64xf32, #tpu.memory_space<vmem_shared>>
          tpu.enqueue_dma source(%dma_start3A_73 : memref<640x64xf32, #tpu.memory_space<vmem_shared>>) target(%dma_start3A_70 : memref<640x64xf32, #tpu.memory_space<hbm>>) target_semaphore(%run_scoped3A_67 : memref<!tpu.dma_semaphore, #tpu.memory_space<semaphore_mem>>)
          %dma_wait3A_74 = arith.constant 9360 : i32
          %dma_wait3A_75 = arith.constant 0 : i32
          %dma_wait3A_76 = tpu.memref_slice %arg8[%dma_wait3A_74, %dma_wait3A_75] : memref<10000x64xf32, #tpu.memory_space<hbm>> -> memref<640x64xf32, #tpu.memory_space<hbm>>
          %dma_wait3A_77 = arith.constant 9360 : i32
          %dma_wait3A_78 = arith.constant 0 : i32
          %dma_wait3A_79 = tpu.memref_slice %arg16[%dma_wait3A_77, %dma_wait3A_78] : memref<10000x64xf32, #tpu.memory_space<vmem_shared>> -> memref<640x64xf32, #tpu.memory_space<vmem_shared>>
          tpu.wait_dma2 semaphore(%run_scoped3A_67 : memref<!tpu.dma_semaphore, #tpu.memory_space<semaphore_mem>>) src(%dma_wait3A_79 : memref<640x64xf32, #tpu.memory_space<vmem_shared>>) dst(%dma_wait3A_76 : memref<640x64xf32, #tpu.memory_space<hbm>>)
          tpu.yield
        }) : () -> ()
      } else {
      }
    } else {
    }
    return
  }
}

#map = affine_map<(d0, d1) -> (0, 0)>
#map1 = affine_map<(d0, d1) -> (0, 0, 0)>
module attributes {stable_mosaic.version = 14 : i64} {
  func.func @_sc_single_kernel(%arg0: i32, %arg1: i32, %arg2: memref<10000x64xf32, #tpu.memory_space<hbm>>, %arg3: memref<2x2560x125xi32, #tpu.memory_space<hbm>>, %arg4: memref<10000x64xf32, #tpu.memory_space<hbm>>, %arg5: memref<10000x64xf32, #tpu.memory_space<hbm>>, %arg6: memref<10000x64xf32, #tpu.memory_space<hbm>>, %arg7: memref<160x125xi32, #tpu.memory_space<vmem>>, %arg8: memref<160x125xi32, #tpu.memory_space<vmem>>, %arg9: memref<125x64xf32, #tpu.memory_space<vmem>>, %arg10: memref<125x64xf32, #tpu.memory_space<vmem>>, %arg11: memref<125x64xf32, #tpu.memory_space<vmem>>, %arg12: memref<125x64xf32, #tpu.memory_space<vmem>>, %arg13: memref<125x64xf32, #tpu.memory_space<vmem>>, %arg14: memref<10000x64xf32, #tpu.memory_space<vmem_shared>>, %arg15: memref<!tpu.dma_semaphore, #tpu.memory_space<semaphore_mem>>, %arg16: memref<!tpu.dma_semaphore, #tpu.memory_space<semaphore_mem>>, %arg17: memref<!tpu.dma_semaphore, #tpu.memory_space<semaphore_mem>>, %arg18: memref<!tpu.dma_semaphore, #tpu.memory_space<semaphore_mem>>, %arg19: memref<!tpu.dma_semaphore, #tpu.memory_space<semaphore_mem>>, %arg20: memref<!tpu.dma_semaphore, #tpu.memory_space<semaphore_mem>>, %arg21: memref<!tpu.dma_semaphore, #tpu.memory_space<semaphore_mem>>, %arg22: memref<!tpu.dma_semaphore, #tpu.memory_space<semaphore_mem>>, %arg23: memref<!tpu.dma_semaphore, #tpu.memory_space<semaphore_mem>>, %arg24: memref<!tpu.dma_semaphore, #tpu.memory_space<semaphore_mem>>) attributes {dimension_semantics = [#tpu.dimension_semantics<core_parallel>, #tpu.dimension_semantics<subcore_parallel>], iteration_bounds = array<i64: 2, 16>, scalar_prefetch = 0 : i64, scratch_operands = 18 : i64, tpu.core_type = #tpu.core_type<sc_vector_subcore>, window_params = [{transform_indices = #map}, {transform_indices = #map1}, {transform_indices = #map}, {transform_indices = #map}, {transform_indices = #map}]} {
    %mul3A = arith.constant 2 : i32
    %mul3A_0 = arith.muli %arg1, %mul3A : i32
    %add3A = arith.addi %mul3A_0, %arg0 : i32
    %mul3A_1 = arith.constant 80 : i32
    %mul3A_2 = arith.muli %add3A, %mul3A_1 : i32
    %eq3A = arith.constant 0 : i32
    %eq3A_3 = arith.cmpi eq, %arg0, %eq3A : i32
    %convert_element_type3A = arith.extui %eq3A_3 : i1 to i32
    %cond3A = arith.constant 0 : i32
    %cond3A_4 = arith.cmpi ne, %convert_element_type3A, %cond3A : i32
    scf.if %cond3A_4 {
      %lt3A = arith.constant 15 : i32
      %lt3A_10 = arith.cmpi slt, %arg1, %lt3A : i32
      %convert_element_type3A_11 = arith.extui %lt3A_10 : i1 to i32
      %cond3A_12 = arith.constant 0 : i32
      %cond3A_13 = arith.cmpi ne, %convert_element_type3A_11, %cond3A_12 : i32
      scf.if %cond3A_13 {
        %mul3A_69 = arith.constant 624 : i32
        %mul3A_70 = arith.muli %arg1, %mul3A_69 : i32
        %mul3A_71 = arith.constant 624 : i32
        %mul3A_72 = arith.muli %arg1, %mul3A_71 : i32
        "tpu.region"() ({
          %run_scoped3A_73 = tpu.sem_alloc : memref<!tpu.dma_semaphore, #tpu.memory_space<semaphore_mem>>
          %dma_start3A_74 = arith.constant 0 : i32
          %dma_start3A_75 = tpu.memref_slice %arg14[%mul3A_72, %dma_start3A_74] : memref<10000x64xf32, #tpu.memory_space<vmem_shared>> -> memref<624x64xf32, #tpu.memory_space<vmem_shared>>
          %dma_start3A_76 = arith.constant 0 : i32
          %dma_start3A_77 = tpu.memref_slice %arg4[%mul3A_70, %dma_start3A_76] : memref<10000x64xf32, #tpu.memory_space<hbm>> -> memref<624x64xf32, #tpu.memory_space<hbm>>
          tpu.enqueue_dma source(%dma_start3A_77 : memref<624x64xf32, #tpu.memory_space<hbm>>) target(%dma_start3A_75 : memref<624x64xf32, #tpu.memory_space<vmem_shared>>) target_semaphore(%run_scoped3A_73 : memref<!tpu.dma_semaphore, #tpu.memory_space<semaphore_mem>>)
          %dma_wait3A_78 = arith.constant 0 : i32
          %dma_wait3A_79 = tpu.memref_slice %arg14[%mul3A_72, %dma_wait3A_78] : memref<10000x64xf32, #tpu.memory_space<vmem_shared>> -> memref<624x64xf32, #tpu.memory_space<vmem_shared>>
          %dma_wait3A_80 = arith.constant 0 : i32
          %dma_wait3A_81 = tpu.memref_slice %arg4[%mul3A_70, %dma_wait3A_80] : memref<10000x64xf32, #tpu.memory_space<hbm>> -> memref<624x64xf32, #tpu.memory_space<hbm>>
          tpu.wait_dma2 semaphore(%run_scoped3A_73 : memref<!tpu.dma_semaphore, #tpu.memory_space<semaphore_mem>>) src(%dma_wait3A_81 : memref<624x64xf32, #tpu.memory_space<hbm>>) dst(%dma_wait3A_79 : memref<624x64xf32, #tpu.memory_space<vmem_shared>>)
          tpu.yield
        }) : () -> ()
      } else {
      }
      %eq3A_14 = arith.constant 15 : i32
      %eq3A_15 = arith.cmpi eq, %arg1, %eq3A_14 : i32
      %convert_element_type3A_16 = arith.extui %eq3A_15 : i1 to i32
      %cond3A_17 = arith.constant 0 : i32
      %cond3A_18 = arith.cmpi ne, %convert_element_type3A_16, %cond3A_17 : i32
      scf.if %cond3A_18 {
        "tpu.region"() ({
          %run_scoped3A_69 = tpu.sem_alloc : memref<!tpu.dma_semaphore, #tpu.memory_space<semaphore_mem>>
          %dma_start3A_70 = arith.constant 9360 : i32
          %dma_start3A_71 = arith.constant 0 : i32
          %dma_start3A_72 = tpu.memref_slice %arg14[%dma_start3A_70, %dma_start3A_71] : memref<10000x64xf32, #tpu.memory_space<vmem_shared>> -> memref<640x64xf32, #tpu.memory_space<vmem_shared>>
          %dma_start3A_73 = arith.constant 9360 : i32
          %dma_start3A_74 = arith.constant 0 : i32
          %dma_start3A_75 = tpu.memref_slice %arg4[%dma_start3A_73, %dma_start3A_74] : memref<10000x64xf32, #tpu.memory_space<hbm>> -> memref<640x64xf32, #tpu.memory_space<hbm>>
          tpu.enqueue_dma source(%dma_start3A_75 : memref<640x64xf32, #tpu.memory_space<hbm>>) target(%dma_start3A_72 : memref<640x64xf32, #tpu.memory_space<vmem_shared>>) target_semaphore(%run_scoped3A_69 : memref<!tpu.dma_semaphore, #tpu.memory_space<semaphore_mem>>)
          %dma_wait3A_76 = arith.constant 9360 : i32
          %dma_wait3A_77 = arith.constant 0 : i32
          %dma_wait3A_78 = tpu.memref_slice %arg14[%dma_wait3A_76, %dma_wait3A_77] : memref<10000x64xf32, #tpu.memory_space<vmem_shared>> -> memref<640x64xf32, #tpu.memory_space<vmem_shared>>
          %dma_wait3A_79 = arith.constant 9360 : i32
          %dma_wait3A_80 = arith.constant 0 : i32
          %dma_wait3A_81 = tpu.memref_slice %arg4[%dma_wait3A_79, %dma_wait3A_80] : memref<10000x64xf32, #tpu.memory_space<hbm>> -> memref<640x64xf32, #tpu.memory_space<hbm>>
          tpu.wait_dma2 semaphore(%run_scoped3A_69 : memref<!tpu.dma_semaphore, #tpu.memory_space<semaphore_mem>>) src(%dma_wait3A_81 : memref<640x64xf32, #tpu.memory_space<hbm>>) dst(%dma_wait3A_78 : memref<640x64xf32, #tpu.memory_space<vmem_shared>>)
          tpu.yield
        }) : () -> ()
      } else {
      }
      %run_scoped3A = arith.constant 0 : i32
      "tpu.region"() ({
        %run_scoped3A_69 = tpu.sem_alloc : memref<!tpu.dma_semaphore, #tpu.memory_space<semaphore_mem>>
        %dma_start3A_70 = arith.constant 0 : i32
        %dma_start3A_71 = arith.constant 0 : i32
        %dma_start3A_72 = tpu.memref_slice %arg7[%dma_start3A_70, %dma_start3A_71] : memref<160x125xi32, #tpu.memory_space<vmem>> -> memref<80x125xi32, #tpu.memory_space<vmem>>
        %dma_start3A_73 = arith.constant 0 : i32
        %dma_start3A_74 = tpu.memref_slice %arg3[%run_scoped3A, %mul3A_2, %dma_start3A_73] : memref<2x2560x125xi32, #tpu.memory_space<hbm>> -> memref<1x80x125xi32, #tpu.memory_space<hbm>>
        %dma_start3A_75 = tpu.memref_squeeze %dma_start3A_74 : memref<1x80x125xi32, #tpu.memory_space<hbm>> -> memref<80x125xi32, #tpu.memory_space<hbm>>
        %dma_start3A_76 = arith.constant 0 : i32
        %dma_start3A_77 = arith.constant 0 : i32
        %dma_start3A_78 = tpu.memref_slice %arg7[%dma_start3A_76, %dma_start3A_77] : memref<160x125xi32, #tpu.memory_space<vmem>> -> memref<80x125xi32, #tpu.memory_space<vmem>>
        %dma_start3A_79 = arith.constant 0 : i32
        %dma_start3A_80 = tpu.memref_slice %arg3[%run_scoped3A, %mul3A_2, %dma_start3A_79] : memref<2x2560x125xi32, #tpu.memory_space<hbm>> -> memref<1x80x125xi32, #tpu.memory_space<hbm>>
        %dma_start3A_81 = tpu.memref_squeeze %dma_start3A_80 : memref<1x80x125xi32, #tpu.memory_space<hbm>> -> memref<80x125xi32, #tpu.memory_space<hbm>>
        tpu.enqueue_dma source(%dma_start3A_81 : memref<80x125xi32, #tpu.memory_space<hbm>>) target(%dma_start3A_78 : memref<80x125xi32, #tpu.memory_space<vmem>>) target_semaphore(%run_scoped3A_69 : memref<!tpu.dma_semaphore, #tpu.memory_space<semaphore_mem>>)
        %dma_wait3A_82 = arith.constant 0 : i32
        %dma_wait3A_83 = arith.constant 0 : i32
        %dma_wait3A_84 = tpu.memref_slice %arg7[%dma_wait3A_82, %dma_wait3A_83] : memref<160x125xi32, #tpu.memory_space<vmem>> -> memref<80x125xi32, #tpu.memory_space<vmem>>
        %dma_wait3A_85 = arith.constant 0 : i32
        %dma_wait3A_86 = tpu.memref_slice %arg3[%run_scoped3A, %mul3A_2, %dma_wait3A_85] : memref<2x2560x125xi32, #tpu.memory_space<hbm>> -> memref<1x80x125xi32, #tpu.memory_space<hbm>>
        %dma_wait3A_87 = tpu.memref_squeeze %dma_wait3A_86 : memref<1x80x125xi32, #tpu.memory_space<hbm>> -> memref<80x125xi32, #tpu.memory_space<hbm>>
        %dma_wait3A_88 = arith.constant 0 : i32
        %dma_wait3A_89 = arith.constant 0 : i32
        %dma_wait3A_90 = tpu.memref_slice %arg7[%dma_wait3A_88, %dma_wait3A_89] : memref<160x125xi32, #tpu.memory_space<vmem>> -> memref<80x125xi32, #tpu.memory_space<vmem>>
        %dma_wait3A_91 = arith.constant 0 : i32
        %dma_wait3A_92 = tpu.memref_slice %arg3[%run_scoped3A, %mul3A_2, %dma_wait3A_91] : memref<2x2560x125xi32, #tpu.memory_space<hbm>> -> memref<1x80x125xi32, #tpu.memory_space<hbm>>
        %dma_wait3A_93 = tpu.memref_squeeze %dma_wait3A_92 : memref<1x80x125xi32, #tpu.memory_space<hbm>> -> memref<80x125xi32, #tpu.memory_space<hbm>>
        tpu.wait_dma2 semaphore(%run_scoped3A_69 : memref<!tpu.dma_semaphore, #tpu.memory_space<semaphore_mem>>) src(%dma_wait3A_93 : memref<80x125xi32, #tpu.memory_space<hbm>>) dst(%dma_wait3A_90 : memref<80x125xi32, #tpu.memory_space<vmem>>)
        tpu.yield
      }) : () -> ()
      %run_scoped3A_19 = arith.constant 1 : i32
      "tpu.region"() ({
        %run_scoped3A_69 = tpu.sem_alloc : memref<!tpu.dma_semaphore, #tpu.memory_space<semaphore_mem>>
        %dma_start3A_70 = arith.constant 0 : i32
        %dma_start3A_71 = arith.constant 0 : i32
        %dma_start3A_72 = tpu.memref_slice %arg8[%dma_start3A_70, %dma_start3A_71] : memref<160x125xi32, #tpu.memory_space<vmem>> -> memref<80x125xi32, #tpu.memory_space<vmem>>
        %dma_start3A_73 = arith.constant 0 : i32
        %dma_start3A_74 = tpu.memref_slice %arg3[%run_scoped3A_19, %mul3A_2, %dma_start3A_73] : memref<2x2560x125xi32, #tpu.memory_space<hbm>> -> memref<1x80x125xi32, #tpu.memory_space<hbm>>
        %dma_start3A_75 = tpu.memref_squeeze %dma_start3A_74 : memref<1x80x125xi32, #tpu.memory_space<hbm>> -> memref<80x125xi32, #tpu.memory_space<hbm>>
        %dma_start3A_76 = arith.constant 0 : i32
        %dma_start3A_77 = arith.constant 0 : i32
        %dma_start3A_78 = tpu.memref_slice %arg8[%dma_start3A_76, %dma_start3A_77] : memref<160x125xi32, #tpu.memory_space<vmem>> -> memref<80x125xi32, #tpu.memory_space<vmem>>
        %dma_start3A_79 = arith.constant 0 : i32
        %dma_start3A_80 = tpu.memref_slice %arg3[%run_scoped3A_19, %mul3A_2, %dma_start3A_79] : memref<2x2560x125xi32, #tpu.memory_space<hbm>> -> memref<1x80x125xi32, #tpu.memory_space<hbm>>
        %dma_start3A_81 = tpu.memref_squeeze %dma_start3A_80 : memref<1x80x125xi32, #tpu.memory_space<hbm>> -> memref<80x125xi32, #tpu.memory_space<hbm>>
        tpu.enqueue_dma source(%dma_start3A_81 : memref<80x125xi32, #tpu.memory_space<hbm>>) target(%dma_start3A_78 : memref<80x125xi32, #tpu.memory_space<vmem>>) target_semaphore(%run_scoped3A_69 : memref<!tpu.dma_semaphore, #tpu.memory_space<semaphore_mem>>)
        %dma_wait3A_82 = arith.constant 0 : i32
        %dma_wait3A_83 = arith.constant 0 : i32
        %dma_wait3A_84 = tpu.memref_slice %arg8[%dma_wait3A_82, %dma_wait3A_83] : memref<160x125xi32, #tpu.memory_space<vmem>> -> memref<80x125xi32, #tpu.memory_space<vmem>>
        %dma_wait3A_85 = arith.constant 0 : i32
        %dma_wait3A_86 = tpu.memref_slice %arg3[%run_scoped3A_19, %mul3A_2, %dma_wait3A_85] : memref<2x2560x125xi32, #tpu.memory_space<hbm>> -> memref<1x80x125xi32, #tpu.memory_space<hbm>>
        %dma_wait3A_87 = tpu.memref_squeeze %dma_wait3A_86 : memref<1x80x125xi32, #tpu.memory_space<hbm>> -> memref<80x125xi32, #tpu.memory_space<hbm>>
        %dma_wait3A_88 = arith.constant 0 : i32
        %dma_wait3A_89 = arith.constant 0 : i32
        %dma_wait3A_90 = tpu.memref_slice %arg8[%dma_wait3A_88, %dma_wait3A_89] : memref<160x125xi32, #tpu.memory_space<vmem>> -> memref<80x125xi32, #tpu.memory_space<vmem>>
        %dma_wait3A_91 = arith.constant 0 : i32
        %dma_wait3A_92 = tpu.memref_slice %arg3[%run_scoped3A_19, %mul3A_2, %dma_wait3A_91] : memref<2x2560x125xi32, #tpu.memory_space<hbm>> -> memref<1x80x125xi32, #tpu.memory_space<hbm>>
        %dma_wait3A_93 = tpu.memref_squeeze %dma_wait3A_92 : memref<1x80x125xi32, #tpu.memory_space<hbm>> -> memref<80x125xi32, #tpu.memory_space<hbm>>
        tpu.wait_dma2 semaphore(%run_scoped3A_69 : memref<!tpu.dma_semaphore, #tpu.memory_space<semaphore_mem>>) src(%dma_wait3A_93 : memref<80x125xi32, #tpu.memory_space<hbm>>) dst(%dma_wait3A_90 : memref<80x125xi32, #tpu.memory_space<vmem>>)
        tpu.yield
      }) : () -> ()
      %barrier3A = arith.constant 0 : index
      tpu.barrier barrier_id(%barrier3A)
      %dma_start3A = arith.constant 0 : i32
      %dma_start3A_20 = arith.constant 0 : i32
      %dma_start3A_21 = tpu.memref_slice %arg7[%dma_start3A, %dma_start3A_20] : memref<160x125xi32, #tpu.memory_space<vmem>> -> memref<1x125xi32, #tpu.memory_space<vmem>>
      %dma_start3A_22 = tpu.memref_squeeze %dma_start3A_21 : memref<1x125xi32, #tpu.memory_space<vmem>> -> memref<125xi32, #tpu.memory_space<vmem>>
      %dma_start3A_23 = arith.constant 0 : i32
      %dma_start3A_24 = arith.constant 0 : i32
      %dma_start3A_25 = tpu.memref_slice %arg2[%dma_start3A_23, %dma_start3A_24] : memref<10000x64xf32, #tpu.memory_space<hbm>> -> memref<10000x64xf32, #tpu.memory_space<hbm>>
      tpu.enqueue_indirect_dma source(%dma_start3A_25 : memref<10000x64xf32, #tpu.memory_space<hbm>>) target(%arg9 : memref<125x64xf32, #tpu.memory_space<vmem>>) offsets(%dma_start3A_22 : memref<125xi32, #tpu.memory_space<vmem>>) semaphore(%arg15 : memref<!tpu.dma_semaphore, #tpu.memory_space<semaphore_mem>>)
      %dma_start3A_26 = arith.constant 1 : i32
      %dma_start3A_27 = arith.constant 0 : i32
      %dma_start3A_28 = tpu.memref_slice %arg7[%dma_start3A_26, %dma_start3A_27] : memref<160x125xi32, #tpu.memory_space<vmem>> -> memref<1x125xi32, #tpu.memory_space<vmem>>
      %dma_start3A_29 = tpu.memref_squeeze %dma_start3A_28 : memref<1x125xi32, #tpu.memory_space<vmem>> -> memref<125xi32, #tpu.memory_space<vmem>>
      %dma_start3A_30 = arith.constant 0 : i32
      %dma_start3A_31 = arith.constant 0 : i32
      %dma_start3A_32 = tpu.memref_slice %arg2[%dma_start3A_30, %dma_start3A_31] : memref<10000x64xf32, #tpu.memory_space<hbm>> -> memref<10000x64xf32, #tpu.memory_space<hbm>>
      tpu.enqueue_indirect_dma source(%dma_start3A_32 : memref<10000x64xf32, #tpu.memory_space<hbm>>) target(%arg10 : memref<125x64xf32, #tpu.memory_space<vmem>>) offsets(%dma_start3A_29 : memref<125xi32, #tpu.memory_space<vmem>>) semaphore(%arg16 : memref<!tpu.dma_semaphore, #tpu.memory_space<semaphore_mem>>)
      %dma_start3A_33 = arith.constant 2 : i32
      %dma_start3A_34 = arith.constant 0 : i32
      %dma_start3A_35 = tpu.memref_slice %arg7[%dma_start3A_33, %dma_start3A_34] : memref<160x125xi32, #tpu.memory_space<vmem>> -> memref<1x125xi32, #tpu.memory_space<vmem>>
      %dma_start3A_36 = tpu.memref_squeeze %dma_start3A_35 : memref<1x125xi32, #tpu.memory_space<vmem>> -> memref<125xi32, #tpu.memory_space<vmem>>
      %dma_start3A_37 = arith.constant 0 : i32
      %dma_start3A_38 = arith.constant 0 : i32
      %dma_start3A_39 = tpu.memref_slice %arg2[%dma_start3A_37, %dma_start3A_38] : memref<10000x64xf32, #tpu.memory_space<hbm>> -> memref<10000x64xf32, #tpu.memory_space<hbm>>
      tpu.enqueue_indirect_dma source(%dma_start3A_39 : memref<10000x64xf32, #tpu.memory_space<hbm>>) target(%arg11 : memref<125x64xf32, #tpu.memory_space<vmem>>) offsets(%dma_start3A_36 : memref<125xi32, #tpu.memory_space<vmem>>) semaphore(%arg17 : memref<!tpu.dma_semaphore, #tpu.memory_space<semaphore_mem>>)
      %dma_start3A_40 = arith.constant 3 : i32
      %dma_start3A_41 = arith.constant 0 : i32
      %dma_start3A_42 = tpu.memref_slice %arg7[%dma_start3A_40, %dma_start3A_41] : memref<160x125xi32, #tpu.memory_space<vmem>> -> memref<1x125xi32, #tpu.memory_space<vmem>>
      %dma_start3A_43 = tpu.memref_squeeze %dma_start3A_42 : memref<1x125xi32, #tpu.memory_space<vmem>> -> memref<125xi32, #tpu.memory_space<vmem>>
      %dma_start3A_44 = arith.constant 0 : i32
      %dma_start3A_45 = arith.constant 0 : i32
      %dma_start3A_46 = tpu.memref_slice %arg2[%dma_start3A_44, %dma_start3A_45] : memref<10000x64xf32, #tpu.memory_space<hbm>> -> memref<10000x64xf32, #tpu.memory_space<hbm>>
      tpu.enqueue_indirect_dma source(%dma_start3A_46 : memref<10000x64xf32, #tpu.memory_space<hbm>>) target(%arg12 : memref<125x64xf32, #tpu.memory_space<vmem>>) offsets(%dma_start3A_43 : memref<125xi32, #tpu.memory_space<vmem>>) semaphore(%arg18 : memref<!tpu.dma_semaphore, #tpu.memory_space<semaphore_mem>>)
      %scan3A = arith.constant 0 : i32
      %scan3A_47 = arith.constant 0 : i32
      %scan3A_48 = arith.constant 16 : i32
      %scan3A_49 = arith.addi %scan3A_47, %scan3A_48 : i32
      %scan3A_50 = arith.constant 1 : i32
      scf.for %scan3A_69 = %scan3A_47 to %scan3A_49 step %scan3A_50  : i32 {
        %mul3A_70 = arith.constant 5 : i32
        %mul3A_71 = arith.muli %mul3A_70, %scan3A_69 : i32
        %add3A_72 = arith.constant 0 : i32
        %add3A_73 = arith.addi %mul3A_71, %add3A_72 : i32
        %dma_wait3A_74 = arith.constant 0 : i32
        %dma_wait3A_75 = tpu.memref_slice %arg7[%add3A_73, %dma_wait3A_74] : memref<160x125xi32, #tpu.memory_space<vmem>> -> memref<1x125xi32, #tpu.memory_space<vmem>>
        %dma_wait3A_76 = tpu.memref_squeeze %dma_wait3A_75 : memref<1x125xi32, #tpu.memory_space<vmem>> -> memref<125xi32, #tpu.memory_space<vmem>>
        %dma_wait3A_77 = arith.constant 0 : i32
        %dma_wait3A_78 = arith.constant 0 : i32
        %dma_wait3A_79 = tpu.memref_slice %arg2[%dma_wait3A_77, %dma_wait3A_78] : memref<10000x64xf32, #tpu.memory_space<hbm>> -> memref<10000x64xf32, #tpu.memory_space<hbm>>
        tpu.wait_indirect_dma semaphore(%arg15 : memref<!tpu.dma_semaphore, #tpu.memory_space<semaphore_mem>>) src(%dma_wait3A_79 : memref<10000x64xf32, #tpu.memory_space<hbm>>) dst(%arg9 : memref<125x64xf32, #tpu.memory_space<vmem>>)
        %dma_start3A_80 = arith.constant 0 : i32
        %dma_start3A_81 = tpu.memref_slice %arg8[%add3A_73, %dma_start3A_80] : memref<160x125xi32, #tpu.memory_space<vmem>> -> memref<1x125xi32, #tpu.memory_space<vmem>>
        %dma_start3A_82 = tpu.memref_squeeze %dma_start3A_81 : memref<1x125xi32, #tpu.memory_space<vmem>> -> memref<125xi32, #tpu.memory_space<vmem>>
        %dma_start3A_83 = arith.constant 0 : i32
        %dma_start3A_84 = arith.constant 0 : i32
        %dma_start3A_85 = tpu.memref_slice %arg14[%dma_start3A_83, %dma_start3A_84] : memref<10000x64xf32, #tpu.memory_space<vmem_shared>> -> memref<10000x64xf32, #tpu.memory_space<vmem_shared>>
        tpu.enqueue_indirect_dma source(%arg9 : memref<125x64xf32, #tpu.memory_space<vmem>>) target(%dma_start3A_85 : memref<10000x64xf32, #tpu.memory_space<vmem_shared>>) offsets(%dma_start3A_82 : memref<125xi32, #tpu.memory_space<vmem>>) semaphore(%arg20 : memref<!tpu.dma_semaphore, #tpu.memory_space<semaphore_mem>>) {add = true}
        %ge3A = arith.constant 1 : i32
        %ge3A_86 = arith.cmpi sge, %add3A_73, %ge3A : i32
        %convert_element_type3A_87 = arith.extui %ge3A_86 : i1 to i32
        %cond3A_88 = arith.constant 0 : i32
        %cond3A_89 = arith.cmpi ne, %convert_element_type3A_87, %cond3A_88 : i32
        scf.if %cond3A_89 {
          %sub3A_218 = arith.constant 1 : i32
          %sub3A_219 = arith.subi %add3A_73, %sub3A_218 : i32
          %dma_wait3A_220 = arith.constant 0 : i32
          %dma_wait3A_221 = tpu.memref_slice %arg8[%sub3A_219, %dma_wait3A_220] : memref<160x125xi32, #tpu.memory_space<vmem>> -> memref<1x125xi32, #tpu.memory_space<vmem>>
          %dma_wait3A_222 = tpu.memref_squeeze %dma_wait3A_221 : memref<1x125xi32, #tpu.memory_space<vmem>> -> memref<125xi32, #tpu.memory_space<vmem>>
          %dma_wait3A_223 = arith.constant 0 : i32
          %dma_wait3A_224 = arith.constant 0 : i32
          %dma_wait3A_225 = tpu.memref_slice %arg14[%dma_wait3A_223, %dma_wait3A_224] : memref<10000x64xf32, #tpu.memory_space<vmem_shared>> -> memref<10000x64xf32, #tpu.memory_space<vmem_shared>>
          tpu.wait_indirect_dma semaphore(%arg24 : memref<!tpu.dma_semaphore, #tpu.memory_space<semaphore_mem>>) src(%arg13 : memref<125x64xf32, #tpu.memory_space<vmem>>) dst(%dma_wait3A_225 : memref<10000x64xf32, #tpu.memory_space<vmem_shared>>)
        } else {
        }
        %add3A_90 = arith.constant 5 : i32
        %add3A_91 = arith.addi %add3A_73, %add3A_90 : i32
        %sub3A = arith.constant 1 : i32
        %sub3A_92 = arith.subi %add3A_91, %sub3A : i32
        %lt3A_93 = arith.constant 80 : i32
        %lt3A_94 = arith.cmpi slt, %sub3A_92, %lt3A_93 : i32
        %convert_element_type3A_95 = arith.extui %lt3A_94 : i1 to i32
        %cond3A_96 = arith.constant 0 : i32
        %cond3A_97 = arith.cmpi ne, %convert_element_type3A_95, %cond3A_96 : i32
        scf.if %cond3A_97 {
          %add3A_218 = arith.constant 5 : i32
          %add3A_219 = arith.addi %add3A_73, %add3A_218 : i32
          %sub3A_220 = arith.constant 1 : i32
          %sub3A_221 = arith.subi %add3A_219, %sub3A_220 : i32
          %dma_start3A_222 = arith.constant 0 : i32
          %dma_start3A_223 = tpu.memref_slice %arg7[%sub3A_221, %dma_start3A_222] : memref<160x125xi32, #tpu.memory_space<vmem>> -> memref<1x125xi32, #tpu.memory_space<vmem>>
          %dma_start3A_224 = tpu.memref_squeeze %dma_start3A_223 : memref<1x125xi32, #tpu.memory_space<vmem>> -> memref<125xi32, #tpu.memory_space<vmem>>
          %dma_start3A_225 = arith.constant 0 : i32
          %dma_start3A_226 = arith.constant 0 : i32
          %dma_start3A_227 = tpu.memref_slice %arg2[%dma_start3A_225, %dma_start3A_226] : memref<10000x64xf32, #tpu.memory_space<hbm>> -> memref<10000x64xf32, #tpu.memory_space<hbm>>
          tpu.enqueue_indirect_dma source(%dma_start3A_227 : memref<10000x64xf32, #tpu.memory_space<hbm>>) target(%arg13 : memref<125x64xf32, #tpu.memory_space<vmem>>) offsets(%dma_start3A_224 : memref<125xi32, #tpu.memory_space<vmem>>) semaphore(%arg19 : memref<!tpu.dma_semaphore, #tpu.memory_space<semaphore_mem>>)
        } else {
        }
        %mul3A_98 = arith.constant 5 : i32
        %mul3A_99 = arith.muli %mul3A_98, %scan3A_69 : i32
        %add3A_100 = arith.constant 1 : i32
        %add3A_101 = arith.addi %mul3A_99, %add3A_100 : i32
        %dma_wait3A_102 = arith.constant 0 : i32
        %dma_wait3A_103 = tpu.memref_slice %arg7[%add3A_101, %dma_wait3A_102] : memref<160x125xi32, #tpu.memory_space<vmem>> -> memref<1x125xi32, #tpu.memory_space<vmem>>
        %dma_wait3A_104 = tpu.memref_squeeze %dma_wait3A_103 : memref<1x125xi32, #tpu.memory_space<vmem>> -> memref<125xi32, #tpu.memory_space<vmem>>
        %dma_wait3A_105 = arith.constant 0 : i32
        %dma_wait3A_106 = arith.constant 0 : i32
        %dma_wait3A_107 = tpu.memref_slice %arg2[%dma_wait3A_105, %dma_wait3A_106] : memref<10000x64xf32, #tpu.memory_space<hbm>> -> memref<10000x64xf32, #tpu.memory_space<hbm>>
        tpu.wait_indirect_dma semaphore(%arg16 : memref<!tpu.dma_semaphore, #tpu.memory_space<semaphore_mem>>) src(%dma_wait3A_107 : memref<10000x64xf32, #tpu.memory_space<hbm>>) dst(%arg10 : memref<125x64xf32, #tpu.memory_space<vmem>>)
        %dma_start3A_108 = arith.constant 0 : i32
        %dma_start3A_109 = tpu.memref_slice %arg8[%add3A_101, %dma_start3A_108] : memref<160x125xi32, #tpu.memory_space<vmem>> -> memref<1x125xi32, #tpu.memory_space<vmem>>
        %dma_start3A_110 = tpu.memref_squeeze %dma_start3A_109 : memref<1x125xi32, #tpu.memory_space<vmem>> -> memref<125xi32, #tpu.memory_space<vmem>>
        %dma_start3A_111 = arith.constant 0 : i32
        %dma_start3A_112 = arith.constant 0 : i32
        %dma_start3A_113 = tpu.memref_slice %arg14[%dma_start3A_111, %dma_start3A_112] : memref<10000x64xf32, #tpu.memory_space<vmem_shared>> -> memref<10000x64xf32, #tpu.memory_space<vmem_shared>>
        tpu.enqueue_indirect_dma source(%arg10 : memref<125x64xf32, #tpu.memory_space<vmem>>) target(%dma_start3A_113 : memref<10000x64xf32, #tpu.memory_space<vmem_shared>>) offsets(%dma_start3A_110 : memref<125xi32, #tpu.memory_space<vmem>>) semaphore(%arg21 : memref<!tpu.dma_semaphore, #tpu.memory_space<semaphore_mem>>) {add = true}
        %ge3A_114 = arith.constant 1 : i32
        %ge3A_115 = arith.cmpi sge, %add3A_101, %ge3A_114 : i32
        %convert_element_type3A_116 = arith.extui %ge3A_115 : i1 to i32
        %cond3A_117 = arith.constant 0 : i32
        %cond3A_118 = arith.cmpi ne, %convert_element_type3A_116, %cond3A_117 : i32
        scf.if %cond3A_118 {
          %sub3A_218 = arith.constant 1 : i32
          %sub3A_219 = arith.subi %add3A_101, %sub3A_218 : i32
          %dma_wait3A_220 = arith.constant 0 : i32
          %dma_wait3A_221 = tpu.memref_slice %arg8[%sub3A_219, %dma_wait3A_220] : memref<160x125xi32, #tpu.memory_space<vmem>> -> memref<1x125xi32, #tpu.memory_space<vmem>>
          %dma_wait3A_222 = tpu.memref_squeeze %dma_wait3A_221 : memref<1x125xi32, #tpu.memory_space<vmem>> -> memref<125xi32, #tpu.memory_space<vmem>>
          %dma_wait3A_223 = arith.constant 0 : i32
          %dma_wait3A_224 = arith.constant 0 : i32
          %dma_wait3A_225 = tpu.memref_slice %arg14[%dma_wait3A_223, %dma_wait3A_224] : memref<10000x64xf32, #tpu.memory_space<vmem_shared>> -> memref<10000x64xf32, #tpu.memory_space<vmem_shared>>
          tpu.wait_indirect_dma semaphore(%arg20 : memref<!tpu.dma_semaphore, #tpu.memory_space<semaphore_mem>>) src(%arg9 : memref<125x64xf32, #tpu.memory_space<vmem>>) dst(%dma_wait3A_225 : memref<10000x64xf32, #tpu.memory_space<vmem_shared>>)
        } else {
        }
        %add3A_119 = arith.constant 5 : i32
        %add3A_120 = arith.addi %add3A_101, %add3A_119 : i32
        %sub3A_121 = arith.constant 1 : i32
        %sub3A_122 = arith.subi %add3A_120, %sub3A_121 : i32
        %lt3A_123 = arith.constant 80 : i32
        %lt3A_124 = arith.cmpi slt, %sub3A_122, %lt3A_123 : i32
        %convert_element_type3A_125 = arith.extui %lt3A_124 : i1 to i32
        %cond3A_126 = arith.constant 0 : i32
        %cond3A_127 = arith.cmpi ne, %convert_element_type3A_125, %cond3A_126 : i32
        scf.if %cond3A_127 {
          %add3A_218 = arith.constant 5 : i32
          %add3A_219 = arith.addi %add3A_101, %add3A_218 : i32
          %sub3A_220 = arith.constant 1 : i32
          %sub3A_221 = arith.subi %add3A_219, %sub3A_220 : i32
          %dma_start3A_222 = arith.constant 0 : i32
          %dma_start3A_223 = tpu.memref_slice %arg7[%sub3A_221, %dma_start3A_222] : memref<160x125xi32, #tpu.memory_space<vmem>> -> memref<1x125xi32, #tpu.memory_space<vmem>>
          %dma_start3A_224 = tpu.memref_squeeze %dma_start3A_223 : memref<1x125xi32, #tpu.memory_space<vmem>> -> memref<125xi32, #tpu.memory_space<vmem>>
          %dma_start3A_225 = arith.constant 0 : i32
          %dma_start3A_226 = arith.constant 0 : i32
          %dma_start3A_227 = tpu.memref_slice %arg2[%dma_start3A_225, %dma_start3A_226] : memref<10000x64xf32, #tpu.memory_space<hbm>> -> memref<10000x64xf32, #tpu.memory_space<hbm>>
          tpu.enqueue_indirect_dma source(%dma_start3A_227 : memref<10000x64xf32, #tpu.memory_space<hbm>>) target(%arg9 : memref<125x64xf32, #tpu.memory_space<vmem>>) offsets(%dma_start3A_224 : memref<125xi32, #tpu.memory_space<vmem>>) semaphore(%arg15 : memref<!tpu.dma_semaphore, #tpu.memory_space<semaphore_mem>>)
        } else {
        }
        %mul3A_128 = arith.constant 5 : i32
        %mul3A_129 = arith.muli %mul3A_128, %scan3A_69 : i32
        %add3A_130 = arith.constant 2 : i32
        %add3A_131 = arith.addi %mul3A_129, %add3A_130 : i32
        %dma_wait3A_132 = arith.constant 0 : i32
        %dma_wait3A_133 = tpu.memref_slice %arg7[%add3A_131, %dma_wait3A_132] : memref<160x125xi32, #tpu.memory_space<vmem>> -> memref<1x125xi32, #tpu.memory_space<vmem>>
        %dma_wait3A_134 = tpu.memref_squeeze %dma_wait3A_133 : memref<1x125xi32, #tpu.memory_space<vmem>> -> memref<125xi32, #tpu.memory_space<vmem>>
        %dma_wait3A_135 = arith.constant 0 : i32
        %dma_wait3A_136 = arith.constant 0 : i32
        %dma_wait3A_137 = tpu.memref_slice %arg2[%dma_wait3A_135, %dma_wait3A_136] : memref<10000x64xf32, #tpu.memory_space<hbm>> -> memref<10000x64xf32, #tpu.memory_space<hbm>>
        tpu.wait_indirect_dma semaphore(%arg17 : memref<!tpu.dma_semaphore, #tpu.memory_space<semaphore_mem>>) src(%dma_wait3A_137 : memref<10000x64xf32, #tpu.memory_space<hbm>>) dst(%arg11 : memref<125x64xf32, #tpu.memory_space<vmem>>)
        %dma_start3A_138 = arith.constant 0 : i32
        %dma_start3A_139 = tpu.memref_slice %arg8[%add3A_131, %dma_start3A_138] : memref<160x125xi32, #tpu.memory_space<vmem>> -> memref<1x125xi32, #tpu.memory_space<vmem>>
        %dma_start3A_140 = tpu.memref_squeeze %dma_start3A_139 : memref<1x125xi32, #tpu.memory_space<vmem>> -> memref<125xi32, #tpu.memory_space<vmem>>
        %dma_start3A_141 = arith.constant 0 : i32
        %dma_start3A_142 = arith.constant 0 : i32
        %dma_start3A_143 = tpu.memref_slice %arg14[%dma_start3A_141, %dma_start3A_142] : memref<10000x64xf32, #tpu.memory_space<vmem_shared>> -> memref<10000x64xf32, #tpu.memory_space<vmem_shared>>
        tpu.enqueue_indirect_dma source(%arg11 : memref<125x64xf32, #tpu.memory_space<vmem>>) target(%dma_start3A_143 : memref<10000x64xf32, #tpu.memory_space<vmem_shared>>) offsets(%dma_start3A_140 : memref<125xi32, #tpu.memory_space<vmem>>) semaphore(%arg22 : memref<!tpu.dma_semaphore, #tpu.memory_space<semaphore_mem>>) {add = true}
        %ge3A_144 = arith.constant 1 : i32
        %ge3A_145 = arith.cmpi sge, %add3A_131, %ge3A_144 : i32
        %convert_element_type3A_146 = arith.extui %ge3A_145 : i1 to i32
        %cond3A_147 = arith.constant 0 : i32
        %cond3A_148 = arith.cmpi ne, %convert_element_type3A_146, %cond3A_147 : i32
        scf.if %cond3A_148 {
          %sub3A_218 = arith.constant 1 : i32
          %sub3A_219 = arith.subi %add3A_131, %sub3A_218 : i32
          %dma_wait3A_220 = arith.constant 0 : i32
          %dma_wait3A_221 = tpu.memref_slice %arg8[%sub3A_219, %dma_wait3A_220] : memref<160x125xi32, #tpu.memory_space<vmem>> -> memref<1x125xi32, #tpu.memory_space<vmem>>
          %dma_wait3A_222 = tpu.memref_squeeze %dma_wait3A_221 : memref<1x125xi32, #tpu.memory_space<vmem>> -> memref<125xi32, #tpu.memory_space<vmem>>
          %dma_wait3A_223 = arith.constant 0 : i32
          %dma_wait3A_224 = arith.constant 0 : i32
          %dma_wait3A_225 = tpu.memref_slice %arg14[%dma_wait3A_223, %dma_wait3A_224] : memref<10000x64xf32, #tpu.memory_space<vmem_shared>> -> memref<10000x64xf32, #tpu.memory_space<vmem_shared>>
          tpu.wait_indirect_dma semaphore(%arg21 : memref<!tpu.dma_semaphore, #tpu.memory_space<semaphore_mem>>) src(%arg10 : memref<125x64xf32, #tpu.memory_space<vmem>>) dst(%dma_wait3A_225 : memref<10000x64xf32, #tpu.memory_space<vmem_shared>>)
        } else {
        }
        %add3A_149 = arith.constant 5 : i32
        %add3A_150 = arith.addi %add3A_131, %add3A_149 : i32
        %sub3A_151 = arith.constant 1 : i32
        %sub3A_152 = arith.subi %add3A_150, %sub3A_151 : i32
        %lt3A_153 = arith.constant 80 : i32
        %lt3A_154 = arith.cmpi slt, %sub3A_152, %lt3A_153 : i32
        %convert_element_type3A_155 = arith.extui %lt3A_154 : i1 to i32
        %cond3A_156 = arith.constant 0 : i32
        %cond3A_157 = arith.cmpi ne, %convert_element_type3A_155, %cond3A_156 : i32
        scf.if %cond3A_157 {
          %add3A_218 = arith.constant 5 : i32
          %add3A_219 = arith.addi %add3A_131, %add3A_218 : i32
          %sub3A_220 = arith.constant 1 : i32
          %sub3A_221 = arith.subi %add3A_219, %sub3A_220 : i32
          %dma_start3A_222 = arith.constant 0 : i32
          %dma_start3A_223 = tpu.memref_slice %arg7[%sub3A_221, %dma_start3A_222] : memref<160x125xi32, #tpu.memory_space<vmem>> -> memref<1x125xi32, #tpu.memory_space<vmem>>
          %dma_start3A_224 = tpu.memref_squeeze %dma_start3A_223 : memref<1x125xi32, #tpu.memory_space<vmem>> -> memref<125xi32, #tpu.memory_space<vmem>>
          %dma_start3A_225 = arith.constant 0 : i32
          %dma_start3A_226 = arith.constant 0 : i32
          %dma_start3A_227 = tpu.memref_slice %arg2[%dma_start3A_225, %dma_start3A_226] : memref<10000x64xf32, #tpu.memory_space<hbm>> -> memref<10000x64xf32, #tpu.memory_space<hbm>>
          tpu.enqueue_indirect_dma source(%dma_start3A_227 : memref<10000x64xf32, #tpu.memory_space<hbm>>) target(%arg10 : memref<125x64xf32, #tpu.memory_space<vmem>>) offsets(%dma_start3A_224 : memref<125xi32, #tpu.memory_space<vmem>>) semaphore(%arg16 : memref<!tpu.dma_semaphore, #tpu.memory_space<semaphore_mem>>)
        } else {
        }
        %mul3A_158 = arith.constant 5 : i32
        %mul3A_159 = arith.muli %mul3A_158, %scan3A_69 : i32
        %add3A_160 = arith.constant 3 : i32
        %add3A_161 = arith.addi %mul3A_159, %add3A_160 : i32
        %dma_wait3A_162 = arith.constant 0 : i32
        %dma_wait3A_163 = tpu.memref_slice %arg7[%add3A_161, %dma_wait3A_162] : memref<160x125xi32, #tpu.memory_space<vmem>> -> memref<1x125xi32, #tpu.memory_space<vmem>>
        %dma_wait3A_164 = tpu.memref_squeeze %dma_wait3A_163 : memref<1x125xi32, #tpu.memory_space<vmem>> -> memref<125xi32, #tpu.memory_space<vmem>>
        %dma_wait3A_165 = arith.constant 0 : i32
        %dma_wait3A_166 = arith.constant 0 : i32
        %dma_wait3A_167 = tpu.memref_slice %arg2[%dma_wait3A_165, %dma_wait3A_166] : memref<10000x64xf32, #tpu.memory_space<hbm>> -> memref<10000x64xf32, #tpu.memory_space<hbm>>
        tpu.wait_indirect_dma semaphore(%arg18 : memref<!tpu.dma_semaphore, #tpu.memory_space<semaphore_mem>>) src(%dma_wait3A_167 : memref<10000x64xf32, #tpu.memory_space<hbm>>) dst(%arg12 : memref<125x64xf32, #tpu.memory_space<vmem>>)
        %dma_start3A_168 = arith.constant 0 : i32
        %dma_start3A_169 = tpu.memref_slice %arg8[%add3A_161, %dma_start3A_168] : memref<160x125xi32, #tpu.memory_space<vmem>> -> memref<1x125xi32, #tpu.memory_space<vmem>>
        %dma_start3A_170 = tpu.memref_squeeze %dma_start3A_169 : memref<1x125xi32, #tpu.memory_space<vmem>> -> memref<125xi32, #tpu.memory_space<vmem>>
        %dma_start3A_171 = arith.constant 0 : i32
        %dma_start3A_172 = arith.constant 0 : i32
        %dma_start3A_173 = tpu.memref_slice %arg14[%dma_start3A_171, %dma_start3A_172] : memref<10000x64xf32, #tpu.memory_space<vmem_shared>> -> memref<10000x64xf32, #tpu.memory_space<vmem_shared>>
        tpu.enqueue_indirect_dma source(%arg12 : memref<125x64xf32, #tpu.memory_space<vmem>>) target(%dma_start3A_173 : memref<10000x64xf32, #tpu.memory_space<vmem_shared>>) offsets(%dma_start3A_170 : memref<125xi32, #tpu.memory_space<vmem>>) semaphore(%arg23 : memref<!tpu.dma_semaphore, #tpu.memory_space<semaphore_mem>>) {add = true}
        %ge3A_174 = arith.constant 1 : i32
        %ge3A_175 = arith.cmpi sge, %add3A_161, %ge3A_174 : i32
        %convert_element_type3A_176 = arith.extui %ge3A_175 : i1 to i32
        %cond3A_177 = arith.constant 0 : i32
        %cond3A_178 = arith.cmpi ne, %convert_element_type3A_176, %cond3A_177 : i32
        scf.if %cond3A_178 {
          %sub3A_218 = arith.constant 1 : i32
          %sub3A_219 = arith.subi %add3A_161, %sub3A_218 : i32
          %dma_wait3A_220 = arith.constant 0 : i32
          %dma_wait3A_221 = tpu.memref_slice %arg8[%sub3A_219, %dma_wait3A_220] : memref<160x125xi32, #tpu.memory_space<vmem>> -> memref<1x125xi32, #tpu.memory_space<vmem>>
          %dma_wait3A_222 = tpu.memref_squeeze %dma_wait3A_221 : memref<1x125xi32, #tpu.memory_space<vmem>> -> memref<125xi32, #tpu.memory_space<vmem>>
          %dma_wait3A_223 = arith.constant 0 : i32
          %dma_wait3A_224 = arith.constant 0 : i32
          %dma_wait3A_225 = tpu.memref_slice %arg14[%dma_wait3A_223, %dma_wait3A_224] : memref<10000x64xf32, #tpu.memory_space<vmem_shared>> -> memref<10000x64xf32, #tpu.memory_space<vmem_shared>>
          tpu.wait_indirect_dma semaphore(%arg22 : memref<!tpu.dma_semaphore, #tpu.memory_space<semaphore_mem>>) src(%arg11 : memref<125x64xf32, #tpu.memory_space<vmem>>) dst(%dma_wait3A_225 : memref<10000x64xf32, #tpu.memory_space<vmem_shared>>)
        } else {
        }
        %add3A_179 = arith.constant 5 : i32
        %add3A_180 = arith.addi %add3A_161, %add3A_179 : i32
        %sub3A_181 = arith.constant 1 : i32
        %sub3A_182 = arith.subi %add3A_180, %sub3A_181 : i32
        %lt3A_183 = arith.constant 80 : i32
        %lt3A_184 = arith.cmpi slt, %sub3A_182, %lt3A_183 : i32
        %convert_element_type3A_185 = arith.extui %lt3A_184 : i1 to i32
        %cond3A_186 = arith.constant 0 : i32
        %cond3A_187 = arith.cmpi ne, %convert_element_type3A_185, %cond3A_186 : i32
        scf.if %cond3A_187 {
          %add3A_218 = arith.constant 5 : i32
          %add3A_219 = arith.addi %add3A_161, %add3A_218 : i32
          %sub3A_220 = arith.constant 1 : i32
          %sub3A_221 = arith.subi %add3A_219, %sub3A_220 : i32
          %dma_start3A_222 = arith.constant 0 : i32
          %dma_start3A_223 = tpu.memref_slice %arg7[%sub3A_221, %dma_start3A_222] : memref<160x125xi32, #tpu.memory_space<vmem>> -> memref<1x125xi32, #tpu.memory_space<vmem>>
          %dma_start3A_224 = tpu.memref_squeeze %dma_start3A_223 : memref<1x125xi32, #tpu.memory_space<vmem>> -> memref<125xi32, #tpu.memory_space<vmem>>
          %dma_start3A_225 = arith.constant 0 : i32
          %dma_start3A_226 = arith.constant 0 : i32
          %dma_start3A_227 = tpu.memref_slice %arg2[%dma_start3A_225, %dma_start3A_226] : memref<10000x64xf32, #tpu.memory_space<hbm>> -> memref<10000x64xf32, #tpu.memory_space<hbm>>
          tpu.enqueue_indirect_dma source(%dma_start3A_227 : memref<10000x64xf32, #tpu.memory_space<hbm>>) target(%arg11 : memref<125x64xf32, #tpu.memory_space<vmem>>) offsets(%dma_start3A_224 : memref<125xi32, #tpu.memory_space<vmem>>) semaphore(%arg17 : memref<!tpu.dma_semaphore, #tpu.memory_space<semaphore_mem>>)
        } else {
        }
        %mul3A_188 = arith.constant 5 : i32
        %mul3A_189 = arith.muli %mul3A_188, %scan3A_69 : i32
        %add3A_190 = arith.constant 4 : i32
        %add3A_191 = arith.addi %mul3A_189, %add3A_190 : i32
        %dma_wait3A_192 = arith.constant 0 : i32
        %dma_wait3A_193 = tpu.memref_slice %arg7[%add3A_191, %dma_wait3A_192] : memref<160x125xi32, #tpu.memory_space<vmem>> -> memref<1x125xi32, #tpu.memory_space<vmem>>
        %dma_wait3A_194 = tpu.memref_squeeze %dma_wait3A_193 : memref<1x125xi32, #tpu.memory_space<vmem>> -> memref<125xi32, #tpu.memory_space<vmem>>
        %dma_wait3A_195 = arith.constant 0 : i32
        %dma_wait3A_196 = arith.constant 0 : i32
        %dma_wait3A_197 = tpu.memref_slice %arg2[%dma_wait3A_195, %dma_wait3A_196] : memref<10000x64xf32, #tpu.memory_space<hbm>> -> memref<10000x64xf32, #tpu.memory_space<hbm>>
        tpu.wait_indirect_dma semaphore(%arg19 : memref<!tpu.dma_semaphore, #tpu.memory_space<semaphore_mem>>) src(%dma_wait3A_197 : memref<10000x64xf32, #tpu.memory_space<hbm>>) dst(%arg13 : memref<125x64xf32, #tpu.memory_space<vmem>>)
        %dma_start3A_198 = arith.constant 0 : i32
        %dma_start3A_199 = tpu.memref_slice %arg8[%add3A_191, %dma_start3A_198] : memref<160x125xi32, #tpu.memory_space<vmem>> -> memref<1x125xi32, #tpu.memory_space<vmem>>
        %dma_start3A_200 = tpu.memref_squeeze %dma_start3A_199 : memref<1x125xi32, #tpu.memory_space<vmem>> -> memref<125xi32, #tpu.memory_space<vmem>>
        %dma_start3A_201 = arith.constant 0 : i32
        %dma_start3A_202 = arith.constant 0 : i32
        %dma_start3A_203 = tpu.memref_slice %arg14[%dma_start3A_201, %dma_start3A_202] : memref<10000x64xf32, #tpu.memory_space<vmem_shared>> -> memref<10000x64xf32, #tpu.memory_space<vmem_shared>>
        tpu.enqueue_indirect_dma source(%arg13 : memref<125x64xf32, #tpu.memory_space<vmem>>) target(%dma_start3A_203 : memref<10000x64xf32, #tpu.memory_space<vmem_shared>>) offsets(%dma_start3A_200 : memref<125xi32, #tpu.memory_space<vmem>>) semaphore(%arg24 : memref<!tpu.dma_semaphore, #tpu.memory_space<semaphore_mem>>) {add = true}
        %ge3A_204 = arith.constant 1 : i32
        %ge3A_205 = arith.cmpi sge, %add3A_191, %ge3A_204 : i32
        %convert_element_type3A_206 = arith.extui %ge3A_205 : i1 to i32
        %cond3A_207 = arith.constant 0 : i32
        %cond3A_208 = arith.cmpi ne, %convert_element_type3A_206, %cond3A_207 : i32
        scf.if %cond3A_208 {
          %sub3A_218 = arith.constant 1 : i32
          %sub3A_219 = arith.subi %add3A_191, %sub3A_218 : i32
          %dma_wait3A_220 = arith.constant 0 : i32
          %dma_wait3A_221 = tpu.memref_slice %arg8[%sub3A_219, %dma_wait3A_220] : memref<160x125xi32, #tpu.memory_space<vmem>> -> memref<1x125xi32, #tpu.memory_space<vmem>>
          %dma_wait3A_222 = tpu.memref_squeeze %dma_wait3A_221 : memref<1x125xi32, #tpu.memory_space<vmem>> -> memref<125xi32, #tpu.memory_space<vmem>>
          %dma_wait3A_223 = arith.constant 0 : i32
          %dma_wait3A_224 = arith.constant 0 : i32
          %dma_wait3A_225 = tpu.memref_slice %arg14[%dma_wait3A_223, %dma_wait3A_224] : memref<10000x64xf32, #tpu.memory_space<vmem_shared>> -> memref<10000x64xf32, #tpu.memory_space<vmem_shared>>
          tpu.wait_indirect_dma semaphore(%arg23 : memref<!tpu.dma_semaphore, #tpu.memory_space<semaphore_mem>>) src(%arg12 : memref<125x64xf32, #tpu.memory_space<vmem>>) dst(%dma_wait3A_225 : memref<10000x64xf32, #tpu.memory_space<vmem_shared>>)
        } else {
        }
        %add3A_209 = arith.constant 5 : i32
        %add3A_210 = arith.addi %add3A_191, %add3A_209 : i32
        %sub3A_211 = arith.constant 1 : i32
        %sub3A_212 = arith.subi %add3A_210, %sub3A_211 : i32
        %lt3A_213 = arith.constant 80 : i32
        %lt3A_214 = arith.cmpi slt, %sub3A_212, %lt3A_213 : i32
        %convert_element_type3A_215 = arith.extui %lt3A_214 : i1 to i32
        %cond3A_216 = arith.constant 0 : i32
        %cond3A_217 = arith.cmpi ne, %convert_element_type3A_215, %cond3A_216 : i32
        scf.if %cond3A_217 {
          %add3A_218 = arith.constant 5 : i32
          %add3A_219 = arith.addi %add3A_191, %add3A_218 : i32
          %sub3A_220 = arith.constant 1 : i32
          %sub3A_221 = arith.subi %add3A_219, %sub3A_220 : i32
          %dma_start3A_222 = arith.constant 0 : i32
          %dma_start3A_223 = tpu.memref_slice %arg7[%sub3A_221, %dma_start3A_222] : memref<160x125xi32, #tpu.memory_space<vmem>> -> memref<1x125xi32, #tpu.memory_space<vmem>>
          %dma_start3A_224 = tpu.memref_squeeze %dma_start3A_223 : memref<1x125xi32, #tpu.memory_space<vmem>> -> memref<125xi32, #tpu.memory_space<vmem>>
          %dma_start3A_225 = arith.constant 0 : i32
          %dma_start3A_226 = arith.constant 0 : i32
          %dma_start3A_227 = tpu.memref_slice %arg2[%dma_start3A_225, %dma_start3A_226] : memref<10000x64xf32, #tpu.memory_space<hbm>> -> memref<10000x64xf32, #tpu.memory_space<hbm>>
          tpu.enqueue_indirect_dma source(%dma_start3A_227 : memref<10000x64xf32, #tpu.memory_space<hbm>>) target(%arg12 : memref<125x64xf32, #tpu.memory_space<vmem>>) offsets(%dma_start3A_224 : memref<125xi32, #tpu.memory_space<vmem>>) semaphore(%arg18 : memref<!tpu.dma_semaphore, #tpu.memory_space<semaphore_mem>>)
        } else {
        }
      }
      %scan3A_51 = arith.constant 16 : i32
      %dma_wait3A = arith.constant 79 : i32
      %dma_wait3A_52 = arith.constant 0 : i32
      %dma_wait3A_53 = tpu.memref_slice %arg8[%dma_wait3A, %dma_wait3A_52] : memref<160x125xi32, #tpu.memory_space<vmem>> -> memref<1x125xi32, #tpu.memory_space<vmem>>
      %dma_wait3A_54 = tpu.memref_squeeze %dma_wait3A_53 : memref<1x125xi32, #tpu.memory_space<vmem>> -> memref<125xi32, #tpu.memory_space<vmem>>
      %dma_wait3A_55 = arith.constant 0 : i32
      %dma_wait3A_56 = arith.constant 0 : i32
      %dma_wait3A_57 = tpu.memref_slice %arg14[%dma_wait3A_55, %dma_wait3A_56] : memref<10000x64xf32, #tpu.memory_space<vmem_shared>> -> memref<10000x64xf32, #tpu.memory_space<vmem_shared>>
      tpu.wait_indirect_dma semaphore(%arg24 : memref<!tpu.dma_semaphore, #tpu.memory_space<semaphore_mem>>) src(%arg13 : memref<125x64xf32, #tpu.memory_space<vmem>>) dst(%dma_wait3A_57 : memref<10000x64xf32, #tpu.memory_space<vmem_shared>>)
      %barrier3A_58 = arith.constant 0 : index
      tpu.barrier barrier_id(%barrier3A_58)
      %lt3A_59 = arith.constant 15 : i32
      %lt3A_60 = arith.cmpi slt, %arg1, %lt3A_59 : i32
      %convert_element_type3A_61 = arith.extui %lt3A_60 : i1 to i32
      %cond3A_62 = arith.constant 0 : i32
      %cond3A_63 = arith.cmpi ne, %convert_element_type3A_61, %cond3A_62 : i32
      scf.if %cond3A_63 {
        %mul3A_69 = arith.constant 624 : i32
        %mul3A_70 = arith.muli %arg1, %mul3A_69 : i32
        %mul3A_71 = arith.constant 624 : i32
        %mul3A_72 = arith.muli %arg1, %mul3A_71 : i32
        "tpu.region"() ({
          %run_scoped3A_73 = tpu.sem_alloc : memref<!tpu.dma_semaphore, #tpu.memory_space<semaphore_mem>>
          %dma_start3A_74 = arith.constant 0 : i32
          %dma_start3A_75 = tpu.memref_slice %arg5[%mul3A_72, %dma_start3A_74] : memref<10000x64xf32, #tpu.memory_space<hbm>> -> memref<624x64xf32, #tpu.memory_space<hbm>>
          %dma_start3A_76 = arith.constant 0 : i32
          %dma_start3A_77 = tpu.memref_slice %arg14[%mul3A_70, %dma_start3A_76] : memref<10000x64xf32, #tpu.memory_space<vmem_shared>> -> memref<624x64xf32, #tpu.memory_space<vmem_shared>>
          tpu.enqueue_dma source(%dma_start3A_77 : memref<624x64xf32, #tpu.memory_space<vmem_shared>>) target(%dma_start3A_75 : memref<624x64xf32, #tpu.memory_space<hbm>>) target_semaphore(%run_scoped3A_73 : memref<!tpu.dma_semaphore, #tpu.memory_space<semaphore_mem>>)
          %dma_wait3A_78 = arith.constant 0 : i32
          %dma_wait3A_79 = tpu.memref_slice %arg5[%mul3A_72, %dma_wait3A_78] : memref<10000x64xf32, #tpu.memory_space<hbm>> -> memref<624x64xf32, #tpu.memory_space<hbm>>
          %dma_wait3A_80 = arith.constant 0 : i32
          %dma_wait3A_81 = tpu.memref_slice %arg14[%mul3A_70, %dma_wait3A_80] : memref<10000x64xf32, #tpu.memory_space<vmem_shared>> -> memref<624x64xf32, #tpu.memory_space<vmem_shared>>
          tpu.wait_dma2 semaphore(%run_scoped3A_73 : memref<!tpu.dma_semaphore, #tpu.memory_space<semaphore_mem>>) src(%dma_wait3A_81 : memref<624x64xf32, #tpu.memory_space<vmem_shared>>) dst(%dma_wait3A_79 : memref<624x64xf32, #tpu.memory_space<hbm>>)
          tpu.yield
        }) : () -> ()
      } else {
      }
      %eq3A_64 = arith.constant 15 : i32
      %eq3A_65 = arith.cmpi eq, %arg1, %eq3A_64 : i32
      %convert_element_type3A_66 = arith.extui %eq3A_65 : i1 to i32
      %cond3A_67 = arith.constant 0 : i32
      %cond3A_68 = arith.cmpi ne, %convert_element_type3A_66, %cond3A_67 : i32
      scf.if %cond3A_68 {
        "tpu.region"() ({
          %run_scoped3A_69 = tpu.sem_alloc : memref<!tpu.dma_semaphore, #tpu.memory_space<semaphore_mem>>
          %dma_start3A_70 = arith.constant 9360 : i32
          %dma_start3A_71 = arith.constant 0 : i32
          %dma_start3A_72 = tpu.memref_slice %arg5[%dma_start3A_70, %dma_start3A_71] : memref<10000x64xf32, #tpu.memory_space<hbm>> -> memref<640x64xf32, #tpu.memory_space<hbm>>
          %dma_start3A_73 = arith.constant 9360 : i32
          %dma_start3A_74 = arith.constant 0 : i32
          %dma_start3A_75 = tpu.memref_slice %arg14[%dma_start3A_73, %dma_start3A_74] : memref<10000x64xf32, #tpu.memory_space<vmem_shared>> -> memref<640x64xf32, #tpu.memory_space<vmem_shared>>
          tpu.enqueue_dma source(%dma_start3A_75 : memref<640x64xf32, #tpu.memory_space<vmem_shared>>) target(%dma_start3A_72 : memref<640x64xf32, #tpu.memory_space<hbm>>) target_semaphore(%run_scoped3A_69 : memref<!tpu.dma_semaphore, #tpu.memory_space<semaphore_mem>>)
          %dma_wait3A_76 = arith.constant 9360 : i32
          %dma_wait3A_77 = arith.constant 0 : i32
          %dma_wait3A_78 = tpu.memref_slice %arg5[%dma_wait3A_76, %dma_wait3A_77] : memref<10000x64xf32, #tpu.memory_space<hbm>> -> memref<640x64xf32, #tpu.memory_space<hbm>>
          %dma_wait3A_79 = arith.constant 9360 : i32
          %dma_wait3A_80 = arith.constant 0 : i32
          %dma_wait3A_81 = tpu.memref_slice %arg14[%dma_wait3A_79, %dma_wait3A_80] : memref<10000x64xf32, #tpu.memory_space<vmem_shared>> -> memref<640x64xf32, #tpu.memory_space<vmem_shared>>
          tpu.wait_dma2 semaphore(%run_scoped3A_69 : memref<!tpu.dma_semaphore, #tpu.memory_space<semaphore_mem>>) src(%dma_wait3A_81 : memref<640x64xf32, #tpu.memory_space<vmem_shared>>) dst(%dma_wait3A_78 : memref<640x64xf32, #tpu.memory_space<hbm>>)
          tpu.yield
        }) : () -> ()
      } else {
      }
    } else {
    }
    %eq3A_5 = arith.constant 1 : i32
    %eq3A_6 = arith.cmpi eq, %arg0, %eq3A_5 : i32
    %convert_element_type3A_7 = arith.extui %eq3A_6 : i1 to i32
    %cond3A_8 = arith.constant 0 : i32
    %cond3A_9 = arith.cmpi ne, %convert_element_type3A_7, %cond3A_8 : i32
    scf.if %cond3A_9 {
      %lt3A = arith.constant 15 : i32
      %lt3A_10 = arith.cmpi slt, %arg1, %lt3A : i32
      %convert_element_type3A_11 = arith.extui %lt3A_10 : i1 to i32
      %cond3A_12 = arith.constant 0 : i32
      %cond3A_13 = arith.cmpi ne, %convert_element_type3A_11, %cond3A_12 : i32
      scf.if %cond3A_13 {
        %mul3A_69 = arith.constant 624 : i32
        %mul3A_70 = arith.muli %arg1, %mul3A_69 : i32
        %mul3A_71 = arith.constant 624 : i32
        %mul3A_72 = arith.muli %arg1, %mul3A_71 : i32
        "tpu.region"() ({
          %run_scoped3A_73 = tpu.sem_alloc : memref<!tpu.dma_semaphore, #tpu.memory_space<semaphore_mem>>
          %dma_start3A_74 = arith.constant 0 : i32
          %dma_start3A_75 = tpu.memref_slice %arg14[%mul3A_72, %dma_start3A_74] : memref<10000x64xf32, #tpu.memory_space<vmem_shared>> -> memref<624x64xf32, #tpu.memory_space<vmem_shared>>
          %dma_start3A_76 = arith.constant 0 : i32
          %dma_start3A_77 = tpu.memref_slice %arg4[%mul3A_70, %dma_start3A_76] : memref<10000x64xf32, #tpu.memory_space<hbm>> -> memref<624x64xf32, #tpu.memory_space<hbm>>
          tpu.enqueue_dma source(%dma_start3A_77 : memref<624x64xf32, #tpu.memory_space<hbm>>) target(%dma_start3A_75 : memref<624x64xf32, #tpu.memory_space<vmem_shared>>) target_semaphore(%run_scoped3A_73 : memref<!tpu.dma_semaphore, #tpu.memory_space<semaphore_mem>>)
          %dma_wait3A_78 = arith.constant 0 : i32
          %dma_wait3A_79 = tpu.memref_slice %arg14[%mul3A_72, %dma_wait3A_78] : memref<10000x64xf32, #tpu.memory_space<vmem_shared>> -> memref<624x64xf32, #tpu.memory_space<vmem_shared>>
          %dma_wait3A_80 = arith.constant 0 : i32
          %dma_wait3A_81 = tpu.memref_slice %arg4[%mul3A_70, %dma_wait3A_80] : memref<10000x64xf32, #tpu.memory_space<hbm>> -> memref<624x64xf32, #tpu.memory_space<hbm>>
          tpu.wait_dma2 semaphore(%run_scoped3A_73 : memref<!tpu.dma_semaphore, #tpu.memory_space<semaphore_mem>>) src(%dma_wait3A_81 : memref<624x64xf32, #tpu.memory_space<hbm>>) dst(%dma_wait3A_79 : memref<624x64xf32, #tpu.memory_space<vmem_shared>>)
          tpu.yield
        }) : () -> ()
      } else {
      }
      %eq3A_14 = arith.constant 15 : i32
      %eq3A_15 = arith.cmpi eq, %arg1, %eq3A_14 : i32
      %convert_element_type3A_16 = arith.extui %eq3A_15 : i1 to i32
      %cond3A_17 = arith.constant 0 : i32
      %cond3A_18 = arith.cmpi ne, %convert_element_type3A_16, %cond3A_17 : i32
      scf.if %cond3A_18 {
        "tpu.region"() ({
          %run_scoped3A_69 = tpu.sem_alloc : memref<!tpu.dma_semaphore, #tpu.memory_space<semaphore_mem>>
          %dma_start3A_70 = arith.constant 9360 : i32
          %dma_start3A_71 = arith.constant 0 : i32
          %dma_start3A_72 = tpu.memref_slice %arg14[%dma_start3A_70, %dma_start3A_71] : memref<10000x64xf32, #tpu.memory_space<vmem_shared>> -> memref<640x64xf32, #tpu.memory_space<vmem_shared>>
          %dma_start3A_73 = arith.constant 9360 : i32
          %dma_start3A_74 = arith.constant 0 : i32
          %dma_start3A_75 = tpu.memref_slice %arg4[%dma_start3A_73, %dma_start3A_74] : memref<10000x64xf32, #tpu.memory_space<hbm>> -> memref<640x64xf32, #tpu.memory_space<hbm>>
          tpu.enqueue_dma source(%dma_start3A_75 : memref<640x64xf32, #tpu.memory_space<hbm>>) target(%dma_start3A_72 : memref<640x64xf32, #tpu.memory_space<vmem_shared>>) target_semaphore(%run_scoped3A_69 : memref<!tpu.dma_semaphore, #tpu.memory_space<semaphore_mem>>)
          %dma_wait3A_76 = arith.constant 9360 : i32
          %dma_wait3A_77 = arith.constant 0 : i32
          %dma_wait3A_78 = tpu.memref_slice %arg14[%dma_wait3A_76, %dma_wait3A_77] : memref<10000x64xf32, #tpu.memory_space<vmem_shared>> -> memref<640x64xf32, #tpu.memory_space<vmem_shared>>
          %dma_wait3A_79 = arith.constant 9360 : i32
          %dma_wait3A_80 = arith.constant 0 : i32
          %dma_wait3A_81 = tpu.memref_slice %arg4[%dma_wait3A_79, %dma_wait3A_80] : memref<10000x64xf32, #tpu.memory_space<hbm>> -> memref<640x64xf32, #tpu.memory_space<hbm>>
          tpu.wait_dma2 semaphore(%run_scoped3A_69 : memref<!tpu.dma_semaphore, #tpu.memory_space<semaphore_mem>>) src(%dma_wait3A_81 : memref<640x64xf32, #tpu.memory_space<hbm>>) dst(%dma_wait3A_78 : memref<640x64xf32, #tpu.memory_space<vmem_shared>>)
          tpu.yield
        }) : () -> ()
      } else {
      }
      %run_scoped3A = arith.constant 0 : i32
      "tpu.region"() ({
        %run_scoped3A_69 = tpu.sem_alloc : memref<!tpu.dma_semaphore, #tpu.memory_space<semaphore_mem>>
        %dma_start3A_70 = arith.constant 0 : i32
        %dma_start3A_71 = arith.constant 0 : i32
        %dma_start3A_72 = tpu.memref_slice %arg7[%dma_start3A_70, %dma_start3A_71] : memref<160x125xi32, #tpu.memory_space<vmem>> -> memref<80x125xi32, #tpu.memory_space<vmem>>
        %dma_start3A_73 = arith.constant 0 : i32
        %dma_start3A_74 = tpu.memref_slice %arg3[%run_scoped3A, %mul3A_2, %dma_start3A_73] : memref<2x2560x125xi32, #tpu.memory_space<hbm>> -> memref<1x80x125xi32, #tpu.memory_space<hbm>>
        %dma_start3A_75 = tpu.memref_squeeze %dma_start3A_74 : memref<1x80x125xi32, #tpu.memory_space<hbm>> -> memref<80x125xi32, #tpu.memory_space<hbm>>
        %dma_start3A_76 = arith.constant 0 : i32
        %dma_start3A_77 = arith.constant 0 : i32
        %dma_start3A_78 = tpu.memref_slice %arg7[%dma_start3A_76, %dma_start3A_77] : memref<160x125xi32, #tpu.memory_space<vmem>> -> memref<80x125xi32, #tpu.memory_space<vmem>>
        %dma_start3A_79 = arith.constant 0 : i32
        %dma_start3A_80 = tpu.memref_slice %arg3[%run_scoped3A, %mul3A_2, %dma_start3A_79] : memref<2x2560x125xi32, #tpu.memory_space<hbm>> -> memref<1x80x125xi32, #tpu.memory_space<hbm>>
        %dma_start3A_81 = tpu.memref_squeeze %dma_start3A_80 : memref<1x80x125xi32, #tpu.memory_space<hbm>> -> memref<80x125xi32, #tpu.memory_space<hbm>>
        tpu.enqueue_dma source(%dma_start3A_81 : memref<80x125xi32, #tpu.memory_space<hbm>>) target(%dma_start3A_78 : memref<80x125xi32, #tpu.memory_space<vmem>>) target_semaphore(%run_scoped3A_69 : memref<!tpu.dma_semaphore, #tpu.memory_space<semaphore_mem>>)
        %dma_wait3A_82 = arith.constant 0 : i32
        %dma_wait3A_83 = arith.constant 0 : i32
        %dma_wait3A_84 = tpu.memref_slice %arg7[%dma_wait3A_82, %dma_wait3A_83] : memref<160x125xi32, #tpu.memory_space<vmem>> -> memref<80x125xi32, #tpu.memory_space<vmem>>
        %dma_wait3A_85 = arith.constant 0 : i32
        %dma_wait3A_86 = tpu.memref_slice %arg3[%run_scoped3A, %mul3A_2, %dma_wait3A_85] : memref<2x2560x125xi32, #tpu.memory_space<hbm>> -> memref<1x80x125xi32, #tpu.memory_space<hbm>>
        %dma_wait3A_87 = tpu.memref_squeeze %dma_wait3A_86 : memref<1x80x125xi32, #tpu.memory_space<hbm>> -> memref<80x125xi32, #tpu.memory_space<hbm>>
        %dma_wait3A_88 = arith.constant 0 : i32
        %dma_wait3A_89 = arith.constant 0 : i32
        %dma_wait3A_90 = tpu.memref_slice %arg7[%dma_wait3A_88, %dma_wait3A_89] : memref<160x125xi32, #tpu.memory_space<vmem>> -> memref<80x125xi32, #tpu.memory_space<vmem>>
        %dma_wait3A_91 = arith.constant 0 : i32
        %dma_wait3A_92 = tpu.memref_slice %arg3[%run_scoped3A, %mul3A_2, %dma_wait3A_91] : memref<2x2560x125xi32, #tpu.memory_space<hbm>> -> memref<1x80x125xi32, #tpu.memory_space<hbm>>
        %dma_wait3A_93 = tpu.memref_squeeze %dma_wait3A_92 : memref<1x80x125xi32, #tpu.memory_space<hbm>> -> memref<80x125xi32, #tpu.memory_space<hbm>>
        tpu.wait_dma2 semaphore(%run_scoped3A_69 : memref<!tpu.dma_semaphore, #tpu.memory_space<semaphore_mem>>) src(%dma_wait3A_93 : memref<80x125xi32, #tpu.memory_space<hbm>>) dst(%dma_wait3A_90 : memref<80x125xi32, #tpu.memory_space<vmem>>)
        tpu.yield
      }) : () -> ()
      %run_scoped3A_19 = arith.constant 1 : i32
      "tpu.region"() ({
        %run_scoped3A_69 = tpu.sem_alloc : memref<!tpu.dma_semaphore, #tpu.memory_space<semaphore_mem>>
        %dma_start3A_70 = arith.constant 0 : i32
        %dma_start3A_71 = arith.constant 0 : i32
        %dma_start3A_72 = tpu.memref_slice %arg8[%dma_start3A_70, %dma_start3A_71] : memref<160x125xi32, #tpu.memory_space<vmem>> -> memref<80x125xi32, #tpu.memory_space<vmem>>
        %dma_start3A_73 = arith.constant 0 : i32
        %dma_start3A_74 = tpu.memref_slice %arg3[%run_scoped3A_19, %mul3A_2, %dma_start3A_73] : memref<2x2560x125xi32, #tpu.memory_space<hbm>> -> memref<1x80x125xi32, #tpu.memory_space<hbm>>
        %dma_start3A_75 = tpu.memref_squeeze %dma_start3A_74 : memref<1x80x125xi32, #tpu.memory_space<hbm>> -> memref<80x125xi32, #tpu.memory_space<hbm>>
        %dma_start3A_76 = arith.constant 0 : i32
        %dma_start3A_77 = arith.constant 0 : i32
        %dma_start3A_78 = tpu.memref_slice %arg8[%dma_start3A_76, %dma_start3A_77] : memref<160x125xi32, #tpu.memory_space<vmem>> -> memref<80x125xi32, #tpu.memory_space<vmem>>
        %dma_start3A_79 = arith.constant 0 : i32
        %dma_start3A_80 = tpu.memref_slice %arg3[%run_scoped3A_19, %mul3A_2, %dma_start3A_79] : memref<2x2560x125xi32, #tpu.memory_space<hbm>> -> memref<1x80x125xi32, #tpu.memory_space<hbm>>
        %dma_start3A_81 = tpu.memref_squeeze %dma_start3A_80 : memref<1x80x125xi32, #tpu.memory_space<hbm>> -> memref<80x125xi32, #tpu.memory_space<hbm>>
        tpu.enqueue_dma source(%dma_start3A_81 : memref<80x125xi32, #tpu.memory_space<hbm>>) target(%dma_start3A_78 : memref<80x125xi32, #tpu.memory_space<vmem>>) target_semaphore(%run_scoped3A_69 : memref<!tpu.dma_semaphore, #tpu.memory_space<semaphore_mem>>)
        %dma_wait3A_82 = arith.constant 0 : i32
        %dma_wait3A_83 = arith.constant 0 : i32
        %dma_wait3A_84 = tpu.memref_slice %arg8[%dma_wait3A_82, %dma_wait3A_83] : memref<160x125xi32, #tpu.memory_space<vmem>> -> memref<80x125xi32, #tpu.memory_space<vmem>>
        %dma_wait3A_85 = arith.constant 0 : i32
        %dma_wait3A_86 = tpu.memref_slice %arg3[%run_scoped3A_19, %mul3A_2, %dma_wait3A_85] : memref<2x2560x125xi32, #tpu.memory_space<hbm>> -> memref<1x80x125xi32, #tpu.memory_space<hbm>>
        %dma_wait3A_87 = tpu.memref_squeeze %dma_wait3A_86 : memref<1x80x125xi32, #tpu.memory_space<hbm>> -> memref<80x125xi32, #tpu.memory_space<hbm>>
        %dma_wait3A_88 = arith.constant 0 : i32
        %dma_wait3A_89 = arith.constant 0 : i32
        %dma_wait3A_90 = tpu.memref_slice %arg8[%dma_wait3A_88, %dma_wait3A_89] : memref<160x125xi32, #tpu.memory_space<vmem>> -> memref<80x125xi32, #tpu.memory_space<vmem>>
        %dma_wait3A_91 = arith.constant 0 : i32
        %dma_wait3A_92 = tpu.memref_slice %arg3[%run_scoped3A_19, %mul3A_2, %dma_wait3A_91] : memref<2x2560x125xi32, #tpu.memory_space<hbm>> -> memref<1x80x125xi32, #tpu.memory_space<hbm>>
        %dma_wait3A_93 = tpu.memref_squeeze %dma_wait3A_92 : memref<1x80x125xi32, #tpu.memory_space<hbm>> -> memref<80x125xi32, #tpu.memory_space<hbm>>
        tpu.wait_dma2 semaphore(%run_scoped3A_69 : memref<!tpu.dma_semaphore, #tpu.memory_space<semaphore_mem>>) src(%dma_wait3A_93 : memref<80x125xi32, #tpu.memory_space<hbm>>) dst(%dma_wait3A_90 : memref<80x125xi32, #tpu.memory_space<vmem>>)
        tpu.yield
      }) : () -> ()
      %barrier3A = arith.constant 0 : index
      tpu.barrier barrier_id(%barrier3A)
      %dma_start3A = arith.constant 0 : i32
      %dma_start3A_20 = arith.constant 0 : i32
      %dma_start3A_21 = tpu.memref_slice %arg7[%dma_start3A, %dma_start3A_20] : memref<160x125xi32, #tpu.memory_space<vmem>> -> memref<1x125xi32, #tpu.memory_space<vmem>>
      %dma_start3A_22 = tpu.memref_squeeze %dma_start3A_21 : memref<1x125xi32, #tpu.memory_space<vmem>> -> memref<125xi32, #tpu.memory_space<vmem>>
      %dma_start3A_23 = arith.constant 0 : i32
      %dma_start3A_24 = arith.constant 0 : i32
      %dma_start3A_25 = tpu.memref_slice %arg2[%dma_start3A_23, %dma_start3A_24] : memref<10000x64xf32, #tpu.memory_space<hbm>> -> memref<10000x64xf32, #tpu.memory_space<hbm>>
      tpu.enqueue_indirect_dma source(%dma_start3A_25 : memref<10000x64xf32, #tpu.memory_space<hbm>>) target(%arg9 : memref<125x64xf32, #tpu.memory_space<vmem>>) offsets(%dma_start3A_22 : memref<125xi32, #tpu.memory_space<vmem>>) semaphore(%arg15 : memref<!tpu.dma_semaphore, #tpu.memory_space<semaphore_mem>>)
      %dma_start3A_26 = arith.constant 1 : i32
      %dma_start3A_27 = arith.constant 0 : i32
      %dma_start3A_28 = tpu.memref_slice %arg7[%dma_start3A_26, %dma_start3A_27] : memref<160x125xi32, #tpu.memory_space<vmem>> -> memref<1x125xi32, #tpu.memory_space<vmem>>
      %dma_start3A_29 = tpu.memref_squeeze %dma_start3A_28 : memref<1x125xi32, #tpu.memory_space<vmem>> -> memref<125xi32, #tpu.memory_space<vmem>>
      %dma_start3A_30 = arith.constant 0 : i32
      %dma_start3A_31 = arith.constant 0 : i32
      %dma_start3A_32 = tpu.memref_slice %arg2[%dma_start3A_30, %dma_start3A_31] : memref<10000x64xf32, #tpu.memory_space<hbm>> -> memref<10000x64xf32, #tpu.memory_space<hbm>>
      tpu.enqueue_indirect_dma source(%dma_start3A_32 : memref<10000x64xf32, #tpu.memory_space<hbm>>) target(%arg10 : memref<125x64xf32, #tpu.memory_space<vmem>>) offsets(%dma_start3A_29 : memref<125xi32, #tpu.memory_space<vmem>>) semaphore(%arg16 : memref<!tpu.dma_semaphore, #tpu.memory_space<semaphore_mem>>)
      %dma_start3A_33 = arith.constant 2 : i32
      %dma_start3A_34 = arith.constant 0 : i32
      %dma_start3A_35 = tpu.memref_slice %arg7[%dma_start3A_33, %dma_start3A_34] : memref<160x125xi32, #tpu.memory_space<vmem>> -> memref<1x125xi32, #tpu.memory_space<vmem>>
      %dma_start3A_36 = tpu.memref_squeeze %dma_start3A_35 : memref<1x125xi32, #tpu.memory_space<vmem>> -> memref<125xi32, #tpu.memory_space<vmem>>
      %dma_start3A_37 = arith.constant 0 : i32
      %dma_start3A_38 = arith.constant 0 : i32
      %dma_start3A_39 = tpu.memref_slice %arg2[%dma_start3A_37, %dma_start3A_38] : memref<10000x64xf32, #tpu.memory_space<hbm>> -> memref<10000x64xf32, #tpu.memory_space<hbm>>
      tpu.enqueue_indirect_dma source(%dma_start3A_39 : memref<10000x64xf32, #tpu.memory_space<hbm>>) target(%arg11 : memref<125x64xf32, #tpu.memory_space<vmem>>) offsets(%dma_start3A_36 : memref<125xi32, #tpu.memory_space<vmem>>) semaphore(%arg17 : memref<!tpu.dma_semaphore, #tpu.memory_space<semaphore_mem>>)
      %dma_start3A_40 = arith.constant 3 : i32
      %dma_start3A_41 = arith.constant 0 : i32
      %dma_start3A_42 = tpu.memref_slice %arg7[%dma_start3A_40, %dma_start3A_41] : memref<160x125xi32, #tpu.memory_space<vmem>> -> memref<1x125xi32, #tpu.memory_space<vmem>>
      %dma_start3A_43 = tpu.memref_squeeze %dma_start3A_42 : memref<1x125xi32, #tpu.memory_space<vmem>> -> memref<125xi32, #tpu.memory_space<vmem>>
      %dma_start3A_44 = arith.constant 0 : i32
      %dma_start3A_45 = arith.constant 0 : i32
      %dma_start3A_46 = tpu.memref_slice %arg2[%dma_start3A_44, %dma_start3A_45] : memref<10000x64xf32, #tpu.memory_space<hbm>> -> memref<10000x64xf32, #tpu.memory_space<hbm>>
      tpu.enqueue_indirect_dma source(%dma_start3A_46 : memref<10000x64xf32, #tpu.memory_space<hbm>>) target(%arg12 : memref<125x64xf32, #tpu.memory_space<vmem>>) offsets(%dma_start3A_43 : memref<125xi32, #tpu.memory_space<vmem>>) semaphore(%arg18 : memref<!tpu.dma_semaphore, #tpu.memory_space<semaphore_mem>>)
      %scan3A = arith.constant 0 : i32
      %scan3A_47 = arith.constant 0 : i32
      %scan3A_48 = arith.constant 16 : i32
      %scan3A_49 = arith.addi %scan3A_47, %scan3A_48 : i32
      %scan3A_50 = arith.constant 1 : i32
      scf.for %scan3A_69 = %scan3A_47 to %scan3A_49 step %scan3A_50  : i32 {
        %mul3A_70 = arith.constant 5 : i32
        %mul3A_71 = arith.muli %mul3A_70, %scan3A_69 : i32
        %add3A_72 = arith.constant 0 : i32
        %add3A_73 = arith.addi %mul3A_71, %add3A_72 : i32
        %dma_wait3A_74 = arith.constant 0 : i32
        %dma_wait3A_75 = tpu.memref_slice %arg7[%add3A_73, %dma_wait3A_74] : memref<160x125xi32, #tpu.memory_space<vmem>> -> memref<1x125xi32, #tpu.memory_space<vmem>>
        %dma_wait3A_76 = tpu.memref_squeeze %dma_wait3A_75 : memref<1x125xi32, #tpu.memory_space<vmem>> -> memref<125xi32, #tpu.memory_space<vmem>>
        %dma_wait3A_77 = arith.constant 0 : i32
        %dma_wait3A_78 = arith.constant 0 : i32
        %dma_wait3A_79 = tpu.memref_slice %arg2[%dma_wait3A_77, %dma_wait3A_78] : memref<10000x64xf32, #tpu.memory_space<hbm>> -> memref<10000x64xf32, #tpu.memory_space<hbm>>
        tpu.wait_indirect_dma semaphore(%arg15 : memref<!tpu.dma_semaphore, #tpu.memory_space<semaphore_mem>>) src(%dma_wait3A_79 : memref<10000x64xf32, #tpu.memory_space<hbm>>) dst(%arg9 : memref<125x64xf32, #tpu.memory_space<vmem>>)
        %dma_start3A_80 = arith.constant 0 : i32
        %dma_start3A_81 = tpu.memref_slice %arg8[%add3A_73, %dma_start3A_80] : memref<160x125xi32, #tpu.memory_space<vmem>> -> memref<1x125xi32, #tpu.memory_space<vmem>>
        %dma_start3A_82 = tpu.memref_squeeze %dma_start3A_81 : memref<1x125xi32, #tpu.memory_space<vmem>> -> memref<125xi32, #tpu.memory_space<vmem>>
        %dma_start3A_83 = arith.constant 0 : i32
        %dma_start3A_84 = arith.constant 0 : i32
        %dma_start3A_85 = tpu.memref_slice %arg14[%dma_start3A_83, %dma_start3A_84] : memref<10000x64xf32, #tpu.memory_space<vmem_shared>> -> memref<10000x64xf32, #tpu.memory_space<vmem_shared>>
        tpu.enqueue_indirect_dma source(%arg9 : memref<125x64xf32, #tpu.memory_space<vmem>>) target(%dma_start3A_85 : memref<10000x64xf32, #tpu.memory_space<vmem_shared>>) offsets(%dma_start3A_82 : memref<125xi32, #tpu.memory_space<vmem>>) semaphore(%arg20 : memref<!tpu.dma_semaphore, #tpu.memory_space<semaphore_mem>>) {add = true}
        %ge3A = arith.constant 1 : i32
        %ge3A_86 = arith.cmpi sge, %add3A_73, %ge3A : i32
        %convert_element_type3A_87 = arith.extui %ge3A_86 : i1 to i32
        %cond3A_88 = arith.constant 0 : i32
        %cond3A_89 = arith.cmpi ne, %convert_element_type3A_87, %cond3A_88 : i32
        scf.if %cond3A_89 {
          %sub3A_218 = arith.constant 1 : i32
          %sub3A_219 = arith.subi %add3A_73, %sub3A_218 : i32
          %dma_wait3A_220 = arith.constant 0 : i32
          %dma_wait3A_221 = tpu.memref_slice %arg8[%sub3A_219, %dma_wait3A_220] : memref<160x125xi32, #tpu.memory_space<vmem>> -> memref<1x125xi32, #tpu.memory_space<vmem>>
          %dma_wait3A_222 = tpu.memref_squeeze %dma_wait3A_221 : memref<1x125xi32, #tpu.memory_space<vmem>> -> memref<125xi32, #tpu.memory_space<vmem>>
          %dma_wait3A_223 = arith.constant 0 : i32
          %dma_wait3A_224 = arith.constant 0 : i32
          %dma_wait3A_225 = tpu.memref_slice %arg14[%dma_wait3A_223, %dma_wait3A_224] : memref<10000x64xf32, #tpu.memory_space<vmem_shared>> -> memref<10000x64xf32, #tpu.memory_space<vmem_shared>>
          tpu.wait_indirect_dma semaphore(%arg24 : memref<!tpu.dma_semaphore, #tpu.memory_space<semaphore_mem>>) src(%arg13 : memref<125x64xf32, #tpu.memory_space<vmem>>) dst(%dma_wait3A_225 : memref<10000x64xf32, #tpu.memory_space<vmem_shared>>)
        } else {
        }
        %add3A_90 = arith.constant 5 : i32
        %add3A_91 = arith.addi %add3A_73, %add3A_90 : i32
        %sub3A = arith.constant 1 : i32
        %sub3A_92 = arith.subi %add3A_91, %sub3A : i32
        %lt3A_93 = arith.constant 80 : i32
        %lt3A_94 = arith.cmpi slt, %sub3A_92, %lt3A_93 : i32
        %convert_element_type3A_95 = arith.extui %lt3A_94 : i1 to i32
        %cond3A_96 = arith.constant 0 : i32
        %cond3A_97 = arith.cmpi ne, %convert_element_type3A_95, %cond3A_96 : i32
        scf.if %cond3A_97 {
          %add3A_218 = arith.constant 5 : i32
          %add3A_219 = arith.addi %add3A_73, %add3A_218 : i32
          %sub3A_220 = arith.constant 1 : i32
          %sub3A_221 = arith.subi %add3A_219, %sub3A_220 : i32
          %dma_start3A_222 = arith.constant 0 : i32
          %dma_start3A_223 = tpu.memref_slice %arg7[%sub3A_221, %dma_start3A_222] : memref<160x125xi32, #tpu.memory_space<vmem>> -> memref<1x125xi32, #tpu.memory_space<vmem>>
          %dma_start3A_224 = tpu.memref_squeeze %dma_start3A_223 : memref<1x125xi32, #tpu.memory_space<vmem>> -> memref<125xi32, #tpu.memory_space<vmem>>
          %dma_start3A_225 = arith.constant 0 : i32
          %dma_start3A_226 = arith.constant 0 : i32
          %dma_start3A_227 = tpu.memref_slice %arg2[%dma_start3A_225, %dma_start3A_226] : memref<10000x64xf32, #tpu.memory_space<hbm>> -> memref<10000x64xf32, #tpu.memory_space<hbm>>
          tpu.enqueue_indirect_dma source(%dma_start3A_227 : memref<10000x64xf32, #tpu.memory_space<hbm>>) target(%arg13 : memref<125x64xf32, #tpu.memory_space<vmem>>) offsets(%dma_start3A_224 : memref<125xi32, #tpu.memory_space<vmem>>) semaphore(%arg19 : memref<!tpu.dma_semaphore, #tpu.memory_space<semaphore_mem>>)
        } else {
        }
        %mul3A_98 = arith.constant 5 : i32
        %mul3A_99 = arith.muli %mul3A_98, %scan3A_69 : i32
        %add3A_100 = arith.constant 1 : i32
        %add3A_101 = arith.addi %mul3A_99, %add3A_100 : i32
        %dma_wait3A_102 = arith.constant 0 : i32
        %dma_wait3A_103 = tpu.memref_slice %arg7[%add3A_101, %dma_wait3A_102] : memref<160x125xi32, #tpu.memory_space<vmem>> -> memref<1x125xi32, #tpu.memory_space<vmem>>
        %dma_wait3A_104 = tpu.memref_squeeze %dma_wait3A_103 : memref<1x125xi32, #tpu.memory_space<vmem>> -> memref<125xi32, #tpu.memory_space<vmem>>
        %dma_wait3A_105 = arith.constant 0 : i32
        %dma_wait3A_106 = arith.constant 0 : i32
        %dma_wait3A_107 = tpu.memref_slice %arg2[%dma_wait3A_105, %dma_wait3A_106] : memref<10000x64xf32, #tpu.memory_space<hbm>> -> memref<10000x64xf32, #tpu.memory_space<hbm>>
        tpu.wait_indirect_dma semaphore(%arg16 : memref<!tpu.dma_semaphore, #tpu.memory_space<semaphore_mem>>) src(%dma_wait3A_107 : memref<10000x64xf32, #tpu.memory_space<hbm>>) dst(%arg10 : memref<125x64xf32, #tpu.memory_space<vmem>>)
        %dma_start3A_108 = arith.constant 0 : i32
        %dma_start3A_109 = tpu.memref_slice %arg8[%add3A_101, %dma_start3A_108] : memref<160x125xi32, #tpu.memory_space<vmem>> -> memref<1x125xi32, #tpu.memory_space<vmem>>
        %dma_start3A_110 = tpu.memref_squeeze %dma_start3A_109 : memref<1x125xi32, #tpu.memory_space<vmem>> -> memref<125xi32, #tpu.memory_space<vmem>>
        %dma_start3A_111 = arith.constant 0 : i32
        %dma_start3A_112 = arith.constant 0 : i32
        %dma_start3A_113 = tpu.memref_slice %arg14[%dma_start3A_111, %dma_start3A_112] : memref<10000x64xf32, #tpu.memory_space<vmem_shared>> -> memref<10000x64xf32, #tpu.memory_space<vmem_shared>>
        tpu.enqueue_indirect_dma source(%arg10 : memref<125x64xf32, #tpu.memory_space<vmem>>) target(%dma_start3A_113 : memref<10000x64xf32, #tpu.memory_space<vmem_shared>>) offsets(%dma_start3A_110 : memref<125xi32, #tpu.memory_space<vmem>>) semaphore(%arg21 : memref<!tpu.dma_semaphore, #tpu.memory_space<semaphore_mem>>) {add = true}
        %ge3A_114 = arith.constant 1 : i32
        %ge3A_115 = arith.cmpi sge, %add3A_101, %ge3A_114 : i32
        %convert_element_type3A_116 = arith.extui %ge3A_115 : i1 to i32
        %cond3A_117 = arith.constant 0 : i32
        %cond3A_118 = arith.cmpi ne, %convert_element_type3A_116, %cond3A_117 : i32
        scf.if %cond3A_118 {
          %sub3A_218 = arith.constant 1 : i32
          %sub3A_219 = arith.subi %add3A_101, %sub3A_218 : i32
          %dma_wait3A_220 = arith.constant 0 : i32
          %dma_wait3A_221 = tpu.memref_slice %arg8[%sub3A_219, %dma_wait3A_220] : memref<160x125xi32, #tpu.memory_space<vmem>> -> memref<1x125xi32, #tpu.memory_space<vmem>>
          %dma_wait3A_222 = tpu.memref_squeeze %dma_wait3A_221 : memref<1x125xi32, #tpu.memory_space<vmem>> -> memref<125xi32, #tpu.memory_space<vmem>>
          %dma_wait3A_223 = arith.constant 0 : i32
          %dma_wait3A_224 = arith.constant 0 : i32
          %dma_wait3A_225 = tpu.memref_slice %arg14[%dma_wait3A_223, %dma_wait3A_224] : memref<10000x64xf32, #tpu.memory_space<vmem_shared>> -> memref<10000x64xf32, #tpu.memory_space<vmem_shared>>
          tpu.wait_indirect_dma semaphore(%arg20 : memref<!tpu.dma_semaphore, #tpu.memory_space<semaphore_mem>>) src(%arg9 : memref<125x64xf32, #tpu.memory_space<vmem>>) dst(%dma_wait3A_225 : memref<10000x64xf32, #tpu.memory_space<vmem_shared>>)
        } else {
        }
        %add3A_119 = arith.constant 5 : i32
        %add3A_120 = arith.addi %add3A_101, %add3A_119 : i32
        %sub3A_121 = arith.constant 1 : i32
        %sub3A_122 = arith.subi %add3A_120, %sub3A_121 : i32
        %lt3A_123 = arith.constant 80 : i32
        %lt3A_124 = arith.cmpi slt, %sub3A_122, %lt3A_123 : i32
        %convert_element_type3A_125 = arith.extui %lt3A_124 : i1 to i32
        %cond3A_126 = arith.constant 0 : i32
        %cond3A_127 = arith.cmpi ne, %convert_element_type3A_125, %cond3A_126 : i32
        scf.if %cond3A_127 {
          %add3A_218 = arith.constant 5 : i32
          %add3A_219 = arith.addi %add3A_101, %add3A_218 : i32
          %sub3A_220 = arith.constant 1 : i32
          %sub3A_221 = arith.subi %add3A_219, %sub3A_220 : i32
          %dma_start3A_222 = arith.constant 0 : i32
          %dma_start3A_223 = tpu.memref_slice %arg7[%sub3A_221, %dma_start3A_222] : memref<160x125xi32, #tpu.memory_space<vmem>> -> memref<1x125xi32, #tpu.memory_space<vmem>>
          %dma_start3A_224 = tpu.memref_squeeze %dma_start3A_223 : memref<1x125xi32, #tpu.memory_space<vmem>> -> memref<125xi32, #tpu.memory_space<vmem>>
          %dma_start3A_225 = arith.constant 0 : i32
          %dma_start3A_226 = arith.constant 0 : i32
          %dma_start3A_227 = tpu.memref_slice %arg2[%dma_start3A_225, %dma_start3A_226] : memref<10000x64xf32, #tpu.memory_space<hbm>> -> memref<10000x64xf32, #tpu.memory_space<hbm>>
          tpu.enqueue_indirect_dma source(%dma_start3A_227 : memref<10000x64xf32, #tpu.memory_space<hbm>>) target(%arg9 : memref<125x64xf32, #tpu.memory_space<vmem>>) offsets(%dma_start3A_224 : memref<125xi32, #tpu.memory_space<vmem>>) semaphore(%arg15 : memref<!tpu.dma_semaphore, #tpu.memory_space<semaphore_mem>>)
        } else {
        }
        %mul3A_128 = arith.constant 5 : i32
        %mul3A_129 = arith.muli %mul3A_128, %scan3A_69 : i32
        %add3A_130 = arith.constant 2 : i32
        %add3A_131 = arith.addi %mul3A_129, %add3A_130 : i32
        %dma_wait3A_132 = arith.constant 0 : i32
        %dma_wait3A_133 = tpu.memref_slice %arg7[%add3A_131, %dma_wait3A_132] : memref<160x125xi32, #tpu.memory_space<vmem>> -> memref<1x125xi32, #tpu.memory_space<vmem>>
        %dma_wait3A_134 = tpu.memref_squeeze %dma_wait3A_133 : memref<1x125xi32, #tpu.memory_space<vmem>> -> memref<125xi32, #tpu.memory_space<vmem>>
        %dma_wait3A_135 = arith.constant 0 : i32
        %dma_wait3A_136 = arith.constant 0 : i32
        %dma_wait3A_137 = tpu.memref_slice %arg2[%dma_wait3A_135, %dma_wait3A_136] : memref<10000x64xf32, #tpu.memory_space<hbm>> -> memref<10000x64xf32, #tpu.memory_space<hbm>>
        tpu.wait_indirect_dma semaphore(%arg17 : memref<!tpu.dma_semaphore, #tpu.memory_space<semaphore_mem>>) src(%dma_wait3A_137 : memref<10000x64xf32, #tpu.memory_space<hbm>>) dst(%arg11 : memref<125x64xf32, #tpu.memory_space<vmem>>)
        %dma_start3A_138 = arith.constant 0 : i32
        %dma_start3A_139 = tpu.memref_slice %arg8[%add3A_131, %dma_start3A_138] : memref<160x125xi32, #tpu.memory_space<vmem>> -> memref<1x125xi32, #tpu.memory_space<vmem>>
        %dma_start3A_140 = tpu.memref_squeeze %dma_start3A_139 : memref<1x125xi32, #tpu.memory_space<vmem>> -> memref<125xi32, #tpu.memory_space<vmem>>
        %dma_start3A_141 = arith.constant 0 : i32
        %dma_start3A_142 = arith.constant 0 : i32
        %dma_start3A_143 = tpu.memref_slice %arg14[%dma_start3A_141, %dma_start3A_142] : memref<10000x64xf32, #tpu.memory_space<vmem_shared>> -> memref<10000x64xf32, #tpu.memory_space<vmem_shared>>
        tpu.enqueue_indirect_dma source(%arg11 : memref<125x64xf32, #tpu.memory_space<vmem>>) target(%dma_start3A_143 : memref<10000x64xf32, #tpu.memory_space<vmem_shared>>) offsets(%dma_start3A_140 : memref<125xi32, #tpu.memory_space<vmem>>) semaphore(%arg22 : memref<!tpu.dma_semaphore, #tpu.memory_space<semaphore_mem>>) {add = true}
        %ge3A_144 = arith.constant 1 : i32
        %ge3A_145 = arith.cmpi sge, %add3A_131, %ge3A_144 : i32
        %convert_element_type3A_146 = arith.extui %ge3A_145 : i1 to i32
        %cond3A_147 = arith.constant 0 : i32
        %cond3A_148 = arith.cmpi ne, %convert_element_type3A_146, %cond3A_147 : i32
        scf.if %cond3A_148 {
          %sub3A_218 = arith.constant 1 : i32
          %sub3A_219 = arith.subi %add3A_131, %sub3A_218 : i32
          %dma_wait3A_220 = arith.constant 0 : i32
          %dma_wait3A_221 = tpu.memref_slice %arg8[%sub3A_219, %dma_wait3A_220] : memref<160x125xi32, #tpu.memory_space<vmem>> -> memref<1x125xi32, #tpu.memory_space<vmem>>
          %dma_wait3A_222 = tpu.memref_squeeze %dma_wait3A_221 : memref<1x125xi32, #tpu.memory_space<vmem>> -> memref<125xi32, #tpu.memory_space<vmem>>
          %dma_wait3A_223 = arith.constant 0 : i32
          %dma_wait3A_224 = arith.constant 0 : i32
          %dma_wait3A_225 = tpu.memref_slice %arg14[%dma_wait3A_223, %dma_wait3A_224] : memref<10000x64xf32, #tpu.memory_space<vmem_shared>> -> memref<10000x64xf32, #tpu.memory_space<vmem_shared>>
          tpu.wait_indirect_dma semaphore(%arg21 : memref<!tpu.dma_semaphore, #tpu.memory_space<semaphore_mem>>) src(%arg10 : memref<125x64xf32, #tpu.memory_space<vmem>>) dst(%dma_wait3A_225 : memref<10000x64xf32, #tpu.memory_space<vmem_shared>>)
        } else {
        }
        %add3A_149 = arith.constant 5 : i32
        %add3A_150 = arith.addi %add3A_131, %add3A_149 : i32
        %sub3A_151 = arith.constant 1 : i32
        %sub3A_152 = arith.subi %add3A_150, %sub3A_151 : i32
        %lt3A_153 = arith.constant 80 : i32
        %lt3A_154 = arith.cmpi slt, %sub3A_152, %lt3A_153 : i32
        %convert_element_type3A_155 = arith.extui %lt3A_154 : i1 to i32
        %cond3A_156 = arith.constant 0 : i32
        %cond3A_157 = arith.cmpi ne, %convert_element_type3A_155, %cond3A_156 : i32
        scf.if %cond3A_157 {
          %add3A_218 = arith.constant 5 : i32
          %add3A_219 = arith.addi %add3A_131, %add3A_218 : i32
          %sub3A_220 = arith.constant 1 : i32
          %sub3A_221 = arith.subi %add3A_219, %sub3A_220 : i32
          %dma_start3A_222 = arith.constant 0 : i32
          %dma_start3A_223 = tpu.memref_slice %arg7[%sub3A_221, %dma_start3A_222] : memref<160x125xi32, #tpu.memory_space<vmem>> -> memref<1x125xi32, #tpu.memory_space<vmem>>
          %dma_start3A_224 = tpu.memref_squeeze %dma_start3A_223 : memref<1x125xi32, #tpu.memory_space<vmem>> -> memref<125xi32, #tpu.memory_space<vmem>>
          %dma_start3A_225 = arith.constant 0 : i32
          %dma_start3A_226 = arith.constant 0 : i32
          %dma_start3A_227 = tpu.memref_slice %arg2[%dma_start3A_225, %dma_start3A_226] : memref<10000x64xf32, #tpu.memory_space<hbm>> -> memref<10000x64xf32, #tpu.memory_space<hbm>>
          tpu.enqueue_indirect_dma source(%dma_start3A_227 : memref<10000x64xf32, #tpu.memory_space<hbm>>) target(%arg10 : memref<125x64xf32, #tpu.memory_space<vmem>>) offsets(%dma_start3A_224 : memref<125xi32, #tpu.memory_space<vmem>>) semaphore(%arg16 : memref<!tpu.dma_semaphore, #tpu.memory_space<semaphore_mem>>)
        } else {
        }
        %mul3A_158 = arith.constant 5 : i32
        %mul3A_159 = arith.muli %mul3A_158, %scan3A_69 : i32
        %add3A_160 = arith.constant 3 : i32
        %add3A_161 = arith.addi %mul3A_159, %add3A_160 : i32
        %dma_wait3A_162 = arith.constant 0 : i32
        %dma_wait3A_163 = tpu.memref_slice %arg7[%add3A_161, %dma_wait3A_162] : memref<160x125xi32, #tpu.memory_space<vmem>> -> memref<1x125xi32, #tpu.memory_space<vmem>>
        %dma_wait3A_164 = tpu.memref_squeeze %dma_wait3A_163 : memref<1x125xi32, #tpu.memory_space<vmem>> -> memref<125xi32, #tpu.memory_space<vmem>>
        %dma_wait3A_165 = arith.constant 0 : i32
        %dma_wait3A_166 = arith.constant 0 : i32
        %dma_wait3A_167 = tpu.memref_slice %arg2[%dma_wait3A_165, %dma_wait3A_166] : memref<10000x64xf32, #tpu.memory_space<hbm>> -> memref<10000x64xf32, #tpu.memory_space<hbm>>
        tpu.wait_indirect_dma semaphore(%arg18 : memref<!tpu.dma_semaphore, #tpu.memory_space<semaphore_mem>>) src(%dma_wait3A_167 : memref<10000x64xf32, #tpu.memory_space<hbm>>) dst(%arg12 : memref<125x64xf32, #tpu.memory_space<vmem>>)
        %dma_start3A_168 = arith.constant 0 : i32
        %dma_start3A_169 = tpu.memref_slice %arg8[%add3A_161, %dma_start3A_168] : memref<160x125xi32, #tpu.memory_space<vmem>> -> memref<1x125xi32, #tpu.memory_space<vmem>>
        %dma_start3A_170 = tpu.memref_squeeze %dma_start3A_169 : memref<1x125xi32, #tpu.memory_space<vmem>> -> memref<125xi32, #tpu.memory_space<vmem>>
        %dma_start3A_171 = arith.constant 0 : i32
        %dma_start3A_172 = arith.constant 0 : i32
        %dma_start3A_173 = tpu.memref_slice %arg14[%dma_start3A_171, %dma_start3A_172] : memref<10000x64xf32, #tpu.memory_space<vmem_shared>> -> memref<10000x64xf32, #tpu.memory_space<vmem_shared>>
        tpu.enqueue_indirect_dma source(%arg12 : memref<125x64xf32, #tpu.memory_space<vmem>>) target(%dma_start3A_173 : memref<10000x64xf32, #tpu.memory_space<vmem_shared>>) offsets(%dma_start3A_170 : memref<125xi32, #tpu.memory_space<vmem>>) semaphore(%arg23 : memref<!tpu.dma_semaphore, #tpu.memory_space<semaphore_mem>>) {add = true}
        %ge3A_174 = arith.constant 1 : i32
        %ge3A_175 = arith.cmpi sge, %add3A_161, %ge3A_174 : i32
        %convert_element_type3A_176 = arith.extui %ge3A_175 : i1 to i32
        %cond3A_177 = arith.constant 0 : i32
        %cond3A_178 = arith.cmpi ne, %convert_element_type3A_176, %cond3A_177 : i32
        scf.if %cond3A_178 {
          %sub3A_218 = arith.constant 1 : i32
          %sub3A_219 = arith.subi %add3A_161, %sub3A_218 : i32
          %dma_wait3A_220 = arith.constant 0 : i32
          %dma_wait3A_221 = tpu.memref_slice %arg8[%sub3A_219, %dma_wait3A_220] : memref<160x125xi32, #tpu.memory_space<vmem>> -> memref<1x125xi32, #tpu.memory_space<vmem>>
          %dma_wait3A_222 = tpu.memref_squeeze %dma_wait3A_221 : memref<1x125xi32, #tpu.memory_space<vmem>> -> memref<125xi32, #tpu.memory_space<vmem>>
          %dma_wait3A_223 = arith.constant 0 : i32
          %dma_wait3A_224 = arith.constant 0 : i32
          %dma_wait3A_225 = tpu.memref_slice %arg14[%dma_wait3A_223, %dma_wait3A_224] : memref<10000x64xf32, #tpu.memory_space<vmem_shared>> -> memref<10000x64xf32, #tpu.memory_space<vmem_shared>>
          tpu.wait_indirect_dma semaphore(%arg22 : memref<!tpu.dma_semaphore, #tpu.memory_space<semaphore_mem>>) src(%arg11 : memref<125x64xf32, #tpu.memory_space<vmem>>) dst(%dma_wait3A_225 : memref<10000x64xf32, #tpu.memory_space<vmem_shared>>)
        } else {
        }
        %add3A_179 = arith.constant 5 : i32
        %add3A_180 = arith.addi %add3A_161, %add3A_179 : i32
        %sub3A_181 = arith.constant 1 : i32
        %sub3A_182 = arith.subi %add3A_180, %sub3A_181 : i32
        %lt3A_183 = arith.constant 80 : i32
        %lt3A_184 = arith.cmpi slt, %sub3A_182, %lt3A_183 : i32
        %convert_element_type3A_185 = arith.extui %lt3A_184 : i1 to i32
        %cond3A_186 = arith.constant 0 : i32
        %cond3A_187 = arith.cmpi ne, %convert_element_type3A_185, %cond3A_186 : i32
        scf.if %cond3A_187 {
          %add3A_218 = arith.constant 5 : i32
          %add3A_219 = arith.addi %add3A_161, %add3A_218 : i32
          %sub3A_220 = arith.constant 1 : i32
          %sub3A_221 = arith.subi %add3A_219, %sub3A_220 : i32
          %dma_start3A_222 = arith.constant 0 : i32
          %dma_start3A_223 = tpu.memref_slice %arg7[%sub3A_221, %dma_start3A_222] : memref<160x125xi32, #tpu.memory_space<vmem>> -> memref<1x125xi32, #tpu.memory_space<vmem>>
          %dma_start3A_224 = tpu.memref_squeeze %dma_start3A_223 : memref<1x125xi32, #tpu.memory_space<vmem>> -> memref<125xi32, #tpu.memory_space<vmem>>
          %dma_start3A_225 = arith.constant 0 : i32
          %dma_start3A_226 = arith.constant 0 : i32
          %dma_start3A_227 = tpu.memref_slice %arg2[%dma_start3A_225, %dma_start3A_226] : memref<10000x64xf32, #tpu.memory_space<hbm>> -> memref<10000x64xf32, #tpu.memory_space<hbm>>
          tpu.enqueue_indirect_dma source(%dma_start3A_227 : memref<10000x64xf32, #tpu.memory_space<hbm>>) target(%arg11 : memref<125x64xf32, #tpu.memory_space<vmem>>) offsets(%dma_start3A_224 : memref<125xi32, #tpu.memory_space<vmem>>) semaphore(%arg17 : memref<!tpu.dma_semaphore, #tpu.memory_space<semaphore_mem>>)
        } else {
        }
        %mul3A_188 = arith.constant 5 : i32
        %mul3A_189 = arith.muli %mul3A_188, %scan3A_69 : i32
        %add3A_190 = arith.constant 4 : i32
        %add3A_191 = arith.addi %mul3A_189, %add3A_190 : i32
        %dma_wait3A_192 = arith.constant 0 : i32
        %dma_wait3A_193 = tpu.memref_slice %arg7[%add3A_191, %dma_wait3A_192] : memref<160x125xi32, #tpu.memory_space<vmem>> -> memref<1x125xi32, #tpu.memory_space<vmem>>
        %dma_wait3A_194 = tpu.memref_squeeze %dma_wait3A_193 : memref<1x125xi32, #tpu.memory_space<vmem>> -> memref<125xi32, #tpu.memory_space<vmem>>
        %dma_wait3A_195 = arith.constant 0 : i32
        %dma_wait3A_196 = arith.constant 0 : i32
        %dma_wait3A_197 = tpu.memref_slice %arg2[%dma_wait3A_195, %dma_wait3A_196] : memref<10000x64xf32, #tpu.memory_space<hbm>> -> memref<10000x64xf32, #tpu.memory_space<hbm>>
        tpu.wait_indirect_dma semaphore(%arg19 : memref<!tpu.dma_semaphore, #tpu.memory_space<semaphore_mem>>) src(%dma_wait3A_197 : memref<10000x64xf32, #tpu.memory_space<hbm>>) dst(%arg13 : memref<125x64xf32, #tpu.memory_space<vmem>>)
        %dma_start3A_198 = arith.constant 0 : i32
        %dma_start3A_199 = tpu.memref_slice %arg8[%add3A_191, %dma_start3A_198] : memref<160x125xi32, #tpu.memory_space<vmem>> -> memref<1x125xi32, #tpu.memory_space<vmem>>
        %dma_start3A_200 = tpu.memref_squeeze %dma_start3A_199 : memref<1x125xi32, #tpu.memory_space<vmem>> -> memref<125xi32, #tpu.memory_space<vmem>>
        %dma_start3A_201 = arith.constant 0 : i32
        %dma_start3A_202 = arith.constant 0 : i32
        %dma_start3A_203 = tpu.memref_slice %arg14[%dma_start3A_201, %dma_start3A_202] : memref<10000x64xf32, #tpu.memory_space<vmem_shared>> -> memref<10000x64xf32, #tpu.memory_space<vmem_shared>>
        tpu.enqueue_indirect_dma source(%arg13 : memref<125x64xf32, #tpu.memory_space<vmem>>) target(%dma_start3A_203 : memref<10000x64xf32, #tpu.memory_space<vmem_shared>>) offsets(%dma_start3A_200 : memref<125xi32, #tpu.memory_space<vmem>>) semaphore(%arg24 : memref<!tpu.dma_semaphore, #tpu.memory_space<semaphore_mem>>) {add = true}
        %ge3A_204 = arith.constant 1 : i32
        %ge3A_205 = arith.cmpi sge, %add3A_191, %ge3A_204 : i32
        %convert_element_type3A_206 = arith.extui %ge3A_205 : i1 to i32
        %cond3A_207 = arith.constant 0 : i32
        %cond3A_208 = arith.cmpi ne, %convert_element_type3A_206, %cond3A_207 : i32
        scf.if %cond3A_208 {
          %sub3A_218 = arith.constant 1 : i32
          %sub3A_219 = arith.subi %add3A_191, %sub3A_218 : i32
          %dma_wait3A_220 = arith.constant 0 : i32
          %dma_wait3A_221 = tpu.memref_slice %arg8[%sub3A_219, %dma_wait3A_220] : memref<160x125xi32, #tpu.memory_space<vmem>> -> memref<1x125xi32, #tpu.memory_space<vmem>>
          %dma_wait3A_222 = tpu.memref_squeeze %dma_wait3A_221 : memref<1x125xi32, #tpu.memory_space<vmem>> -> memref<125xi32, #tpu.memory_space<vmem>>
          %dma_wait3A_223 = arith.constant 0 : i32
          %dma_wait3A_224 = arith.constant 0 : i32
          %dma_wait3A_225 = tpu.memref_slice %arg14[%dma_wait3A_223, %dma_wait3A_224] : memref<10000x64xf32, #tpu.memory_space<vmem_shared>> -> memref<10000x64xf32, #tpu.memory_space<vmem_shared>>
          tpu.wait_indirect_dma semaphore(%arg23 : memref<!tpu.dma_semaphore, #tpu.memory_space<semaphore_mem>>) src(%arg12 : memref<125x64xf32, #tpu.memory_space<vmem>>) dst(%dma_wait3A_225 : memref<10000x64xf32, #tpu.memory_space<vmem_shared>>)
        } else {
        }
        %add3A_209 = arith.constant 5 : i32
        %add3A_210 = arith.addi %add3A_191, %add3A_209 : i32
        %sub3A_211 = arith.constant 1 : i32
        %sub3A_212 = arith.subi %add3A_210, %sub3A_211 : i32
        %lt3A_213 = arith.constant 80 : i32
        %lt3A_214 = arith.cmpi slt, %sub3A_212, %lt3A_213 : i32
        %convert_element_type3A_215 = arith.extui %lt3A_214 : i1 to i32
        %cond3A_216 = arith.constant 0 : i32
        %cond3A_217 = arith.cmpi ne, %convert_element_type3A_215, %cond3A_216 : i32
        scf.if %cond3A_217 {
          %add3A_218 = arith.constant 5 : i32
          %add3A_219 = arith.addi %add3A_191, %add3A_218 : i32
          %sub3A_220 = arith.constant 1 : i32
          %sub3A_221 = arith.subi %add3A_219, %sub3A_220 : i32
          %dma_start3A_222 = arith.constant 0 : i32
          %dma_start3A_223 = tpu.memref_slice %arg7[%sub3A_221, %dma_start3A_222] : memref<160x125xi32, #tpu.memory_space<vmem>> -> memref<1x125xi32, #tpu.memory_space<vmem>>
          %dma_start3A_224 = tpu.memref_squeeze %dma_start3A_223 : memref<1x125xi32, #tpu.memory_space<vmem>> -> memref<125xi32, #tpu.memory_space<vmem>>
          %dma_start3A_225 = arith.constant 0 : i32
          %dma_start3A_226 = arith.constant 0 : i32
          %dma_start3A_227 = tpu.memref_slice %arg2[%dma_start3A_225, %dma_start3A_226] : memref<10000x64xf32, #tpu.memory_space<hbm>> -> memref<10000x64xf32, #tpu.memory_space<hbm>>
          tpu.enqueue_indirect_dma source(%dma_start3A_227 : memref<10000x64xf32, #tpu.memory_space<hbm>>) target(%arg12 : memref<125x64xf32, #tpu.memory_space<vmem>>) offsets(%dma_start3A_224 : memref<125xi32, #tpu.memory_space<vmem>>) semaphore(%arg18 : memref<!tpu.dma_semaphore, #tpu.memory_space<semaphore_mem>>)
        } else {
        }
      }
      %scan3A_51 = arith.constant 16 : i32
      %dma_wait3A = arith.constant 79 : i32
      %dma_wait3A_52 = arith.constant 0 : i32
      %dma_wait3A_53 = tpu.memref_slice %arg8[%dma_wait3A, %dma_wait3A_52] : memref<160x125xi32, #tpu.memory_space<vmem>> -> memref<1x125xi32, #tpu.memory_space<vmem>>
      %dma_wait3A_54 = tpu.memref_squeeze %dma_wait3A_53 : memref<1x125xi32, #tpu.memory_space<vmem>> -> memref<125xi32, #tpu.memory_space<vmem>>
      %dma_wait3A_55 = arith.constant 0 : i32
      %dma_wait3A_56 = arith.constant 0 : i32
      %dma_wait3A_57 = tpu.memref_slice %arg14[%dma_wait3A_55, %dma_wait3A_56] : memref<10000x64xf32, #tpu.memory_space<vmem_shared>> -> memref<10000x64xf32, #tpu.memory_space<vmem_shared>>
      tpu.wait_indirect_dma semaphore(%arg24 : memref<!tpu.dma_semaphore, #tpu.memory_space<semaphore_mem>>) src(%arg13 : memref<125x64xf32, #tpu.memory_space<vmem>>) dst(%dma_wait3A_57 : memref<10000x64xf32, #tpu.memory_space<vmem_shared>>)
      %barrier3A_58 = arith.constant 0 : index
      tpu.barrier barrier_id(%barrier3A_58)
      %lt3A_59 = arith.constant 15 : i32
      %lt3A_60 = arith.cmpi slt, %arg1, %lt3A_59 : i32
      %convert_element_type3A_61 = arith.extui %lt3A_60 : i1 to i32
      %cond3A_62 = arith.constant 0 : i32
      %cond3A_63 = arith.cmpi ne, %convert_element_type3A_61, %cond3A_62 : i32
      scf.if %cond3A_63 {
        %mul3A_69 = arith.constant 624 : i32
        %mul3A_70 = arith.muli %arg1, %mul3A_69 : i32
        %mul3A_71 = arith.constant 624 : i32
        %mul3A_72 = arith.muli %arg1, %mul3A_71 : i32
        "tpu.region"() ({
          %run_scoped3A_73 = tpu.sem_alloc : memref<!tpu.dma_semaphore, #tpu.memory_space<semaphore_mem>>
          %dma_start3A_74 = arith.constant 0 : i32
          %dma_start3A_75 = tpu.memref_slice %arg6[%mul3A_72, %dma_start3A_74] : memref<10000x64xf32, #tpu.memory_space<hbm>> -> memref<624x64xf32, #tpu.memory_space<hbm>>
          %dma_start3A_76 = arith.constant 0 : i32
          %dma_start3A_77 = tpu.memref_slice %arg14[%mul3A_70, %dma_start3A_76] : memref<10000x64xf32, #tpu.memory_space<vmem_shared>> -> memref<624x64xf32, #tpu.memory_space<vmem_shared>>
          tpu.enqueue_dma source(%dma_start3A_77 : memref<624x64xf32, #tpu.memory_space<vmem_shared>>) target(%dma_start3A_75 : memref<624x64xf32, #tpu.memory_space<hbm>>) target_semaphore(%run_scoped3A_73 : memref<!tpu.dma_semaphore, #tpu.memory_space<semaphore_mem>>)
          %dma_wait3A_78 = arith.constant 0 : i32
          %dma_wait3A_79 = tpu.memref_slice %arg6[%mul3A_72, %dma_wait3A_78] : memref<10000x64xf32, #tpu.memory_space<hbm>> -> memref<624x64xf32, #tpu.memory_space<hbm>>
          %dma_wait3A_80 = arith.constant 0 : i32
          %dma_wait3A_81 = tpu.memref_slice %arg14[%mul3A_70, %dma_wait3A_80] : memref<10000x64xf32, #tpu.memory_space<vmem_shared>> -> memref<624x64xf32, #tpu.memory_space<vmem_shared>>
          tpu.wait_dma2 semaphore(%run_scoped3A_73 : memref<!tpu.dma_semaphore, #tpu.memory_space<semaphore_mem>>) src(%dma_wait3A_81 : memref<624x64xf32, #tpu.memory_space<vmem_shared>>) dst(%dma_wait3A_79 : memref<624x64xf32, #tpu.memory_space<hbm>>)
          tpu.yield
        }) : () -> ()
      } else {
      }
      %eq3A_64 = arith.constant 15 : i32
      %eq3A_65 = arith.cmpi eq, %arg1, %eq3A_64 : i32
      %convert_element_type3A_66 = arith.extui %eq3A_65 : i1 to i32
      %cond3A_67 = arith.constant 0 : i32
      %cond3A_68 = arith.cmpi ne, %convert_element_type3A_66, %cond3A_67 : i32
      scf.if %cond3A_68 {
        "tpu.region"() ({
          %run_scoped3A_69 = tpu.sem_alloc : memref<!tpu.dma_semaphore, #tpu.memory_space<semaphore_mem>>
          %dma_start3A_70 = arith.constant 9360 : i32
          %dma_start3A_71 = arith.constant 0 : i32
          %dma_start3A_72 = tpu.memref_slice %arg6[%dma_start3A_70, %dma_start3A_71] : memref<10000x64xf32, #tpu.memory_space<hbm>> -> memref<640x64xf32, #tpu.memory_space<hbm>>
          %dma_start3A_73 = arith.constant 9360 : i32
          %dma_start3A_74 = arith.constant 0 : i32
          %dma_start3A_75 = tpu.memref_slice %arg14[%dma_start3A_73, %dma_start3A_74] : memref<10000x64xf32, #tpu.memory_space<vmem_shared>> -> memref<640x64xf32, #tpu.memory_space<vmem_shared>>
          tpu.enqueue_dma source(%dma_start3A_75 : memref<640x64xf32, #tpu.memory_space<vmem_shared>>) target(%dma_start3A_72 : memref<640x64xf32, #tpu.memory_space<hbm>>) target_semaphore(%run_scoped3A_69 : memref<!tpu.dma_semaphore, #tpu.memory_space<semaphore_mem>>)
          %dma_wait3A_76 = arith.constant 9360 : i32
          %dma_wait3A_77 = arith.constant 0 : i32
          %dma_wait3A_78 = tpu.memref_slice %arg6[%dma_wait3A_76, %dma_wait3A_77] : memref<10000x64xf32, #tpu.memory_space<hbm>> -> memref<640x64xf32, #tpu.memory_space<hbm>>
          %dma_wait3A_79 = arith.constant 9360 : i32
          %dma_wait3A_80 = arith.constant 0 : i32
          %dma_wait3A_81 = tpu.memref_slice %arg14[%dma_wait3A_79, %dma_wait3A_80] : memref<10000x64xf32, #tpu.memory_space<vmem_shared>> -> memref<640x64xf32, #tpu.memory_space<vmem_shared>>
          tpu.wait_dma2 semaphore(%run_scoped3A_69 : memref<!tpu.dma_semaphore, #tpu.memory_space<semaphore_mem>>) src(%dma_wait3A_81 : memref<640x64xf32, #tpu.memory_space<vmem_shared>>) dst(%dma_wait3A_78 : memref<640x64xf32, #tpu.memory_space<hbm>>)
          tpu.yield
        }) : () -> ()
      } else {
      }
    } else {
    }
    return
  }
}

module attributes {stable_mosaic.version = 14 : i64} {
  func.func @_tc_a_body(%arg0: i32, %arg1: memref<2000x128xf32, #tpu.memory_space<vmem>>, %arg2: memref<128x64xf32, #tpu.memory_space<vmem>>, %arg3: memref<64x64xf32, #tpu.memory_space<vmem>>, %arg4: memref<2000x128xf32, #tpu.memory_space<vmem>>, %arg5: memref<128x64xf32, #tpu.memory_space<vmem>>, %arg6: memref<64x64xf32, #tpu.memory_space<vmem>>, %arg7: memref<2000x64xf32, #tpu.memory_space<vmem>>, %arg8: memref<2000x64xf32, #tpu.memory_space<vmem>>, %arg9: memref<2000x64xf32, #tpu.memory_space<vmem>>) attributes {dimension_semantics = [#tpu.dimension_semantics<arbitrary>], iteration_bounds = array<i64: 5>, scalar_prefetch = 0 : i64, scratch_operands = 0 : i64, tpu.core_type = #tpu.core_type<tc>, window_params = [{transform_indices = @transform_0, window_bounds = array<i64: 2000, 128>}, {pipeline_mode = #tpu.pipeline_mode<synchronous>, transform_indices = @transform_1, window_bounds = array<i64: 128, 64>}, {pipeline_mode = #tpu.pipeline_mode<synchronous>, transform_indices = @transform_2, window_bounds = array<i64: 64, 64>}, {transform_indices = @transform_3, window_bounds = array<i64: 2000, 128>}, {pipeline_mode = #tpu.pipeline_mode<synchronous>, transform_indices = @transform_4, window_bounds = array<i64: 128, 64>}, {pipeline_mode = #tpu.pipeline_mode<synchronous>, transform_indices = @transform_5, window_bounds = array<i64: 64, 64>}, {transform_indices = @transform_6, window_bounds = array<i64: 2000, 64>}, {transform_indices = @transform_7, window_bounds = array<i64: 2000, 64>}, {transform_indices = @transform_8, window_bounds = array<i64: 2000, 64>}]} {
    %get3A = arith.constant 0 : index
    %get3A_0 = arith.constant 0 : index
    %get3A_1 = vector.load %arg1[%get3A, %get3A_0] : memref<2000x128xf32, #tpu.memory_space<vmem>>, vector<2000x128xf32>
    %get3A_2 = arith.constant 0 : index
    %get3A_3 = arith.constant 0 : index
    %get3A_4 = vector.load %arg2[%get3A_2, %get3A_3] : memref<128x64xf32, #tpu.memory_space<vmem>>, vector<128x64xf32>
    %convert_element_type3A = arith.truncf %get3A_1 : vector<2000x128xf32> to vector<2000x128xbf16>
    %convert_element_type3A_5 = arith.truncf %get3A_4 : vector<128x64xf32> to vector<128x64xbf16>
    %dot_general3A = arith.constant dense<0.000000e+00> : vector<2000x64xf32>
    %dot_general3A_6 = tpu.matmul %convert_element_type3A, %convert_element_type3A_5, %dot_general3A {dimension_numbers = #tpu.dot_dimension_numbers<[1], [0], [0], [1], [0, 0, 1, 1], [], []>, transpose_lhs_hint = false} : vector<2000x128xbf16>, vector<128x64xbf16>, vector<2000x64xf32> -> vector<2000x64xf32>
    %gt3A = arith.constant 0.000000e+00 : f32
    %gt3A_7 = vector.broadcast %gt3A : f32 to vector<2000x64xf32>
    %gt3A_8 = arith.cmpf ogt, %dot_general3A_6, %gt3A_7 : vector<2000x64xf32>
    %exp3A = math.exp %dot_general3A_6 : vector<2000x64xf32>
    %sub3A = arith.constant 1.000000e+00 : f32
    %sub3A_9 = vector.broadcast %sub3A : f32 to vector<2000x64xf32>
    %sub3A_10 = arith.subf %exp3A, %sub3A_9 : vector<2000x64xf32>
    %select_n3A = arith.select %gt3A_8, %dot_general3A_6, %sub3A_10 : vector<2000x64xi1>, vector<2000x64xf32>
    %swap3A = arith.constant 0 : index
    %swap3A_11 = arith.constant 0 : index
    %swap3A_12 = vector.load %arg7[%swap3A, %swap3A_11] : memref<2000x64xf32, #tpu.memory_space<vmem>>, vector<2000x64xf32>
    tpu.vector_store %arg7[%swap3A, %swap3A_11], %select_n3A {strides = array<i32>} : memref<2000x64xf32, #tpu.memory_space<vmem>>, vector<2000x64xf32>,
    %get3A_13 = arith.constant 0 : index
    %get3A_14 = arith.constant 0 : index
    %get3A_15 = vector.load %arg3[%get3A_13, %get3A_14] : memref<64x64xf32, #tpu.memory_space<vmem>>, vector<64x64xf32>
    %convert_element_type3A_16 = arith.truncf %select_n3A : vector<2000x64xf32> to vector<2000x64xbf16>
    %convert_element_type3A_17 = arith.truncf %get3A_15 : vector<64x64xf32> to vector<64x64xbf16>
    %dot_general3A_18 = arith.constant dense<0.000000e+00> : vector<2000x64xf32>
    %dot_general3A_19 = tpu.matmul %convert_element_type3A_16, %convert_element_type3A_17, %dot_general3A_18 {dimension_numbers = #tpu.dot_dimension_numbers<[1], [0], [0], [1], [0, 0, 1, 1], [], []>, transpose_lhs_hint = false} : vector<2000x64xbf16>, vector<64x64xbf16>, vector<2000x64xf32> -> vector<2000x64xf32>
    %swap3A_20 = arith.constant 0 : index
    %swap3A_21 = arith.constant 0 : index
    %swap3A_22 = vector.load %arg8[%swap3A_20, %swap3A_21] : memref<2000x64xf32, #tpu.memory_space<vmem>>, vector<2000x64xf32>
    tpu.vector_store %arg8[%swap3A_20, %swap3A_21], %dot_general3A_19 {strides = array<i32>} : memref<2000x64xf32, #tpu.memory_space<vmem>>, vector<2000x64xf32>,
    %get3A_23 = arith.constant 0 : index
    %get3A_24 = arith.constant 0 : index
    %get3A_25 = vector.load %arg4[%get3A_23, %get3A_24] : memref<2000x128xf32, #tpu.memory_space<vmem>>, vector<2000x128xf32>
    %get3A_26 = arith.constant 0 : index
    %get3A_27 = arith.constant 0 : index
    %get3A_28 = vector.load %arg5[%get3A_26, %get3A_27] : memref<128x64xf32, #tpu.memory_space<vmem>>, vector<128x64xf32>
    %convert_element_type3A_29 = arith.truncf %get3A_25 : vector<2000x128xf32> to vector<2000x128xbf16>
    %convert_element_type3A_30 = arith.truncf %get3A_28 : vector<128x64xf32> to vector<128x64xbf16>
    %dot_general3A_31 = arith.constant dense<0.000000e+00> : vector<2000x64xf32>
    %dot_general3A_32 = tpu.matmul %convert_element_type3A_29, %convert_element_type3A_30, %dot_general3A_31 {dimension_numbers = #tpu.dot_dimension_numbers<[1], [0], [0], [1], [0, 0, 1, 1], [], []>, transpose_lhs_hint = false} : vector<2000x128xbf16>, vector<128x64xbf16>, vector<2000x64xf32> -> vector<2000x64xf32>
    %max3A = arith.constant 0.000000e+00 : f32
    %max3A_33 = vector.broadcast %max3A : f32 to vector<2000x64xf32>
    %max3A_34 = arith.maximumf %dot_general3A_32, %max3A_33 : vector<2000x64xf32>
    %get3A_35 = arith.constant 0 : index
    %get3A_36 = arith.constant 0 : index
    %get3A_37 = vector.load %arg6[%get3A_35, %get3A_36] : memref<64x64xf32, #tpu.memory_space<vmem>>, vector<64x64xf32>
    %convert_element_type3A_38 = arith.truncf %max3A_34 : vector<2000x64xf32> to vector<2000x64xbf16>
    %convert_element_type3A_39 = arith.truncf %get3A_37 : vector<64x64xf32> to vector<64x64xbf16>
    %dot_general3A_40 = arith.constant dense<0.000000e+00> : vector<2000x64xf32>
    %dot_general3A_41 = tpu.matmul %convert_element_type3A_38, %convert_element_type3A_39, %dot_general3A_40 {dimension_numbers = #tpu.dot_dimension_numbers<[1], [0], [0], [1], [0, 0, 1, 1], [], []>, transpose_lhs_hint = false} : vector<2000x64xbf16>, vector<64x64xbf16>, vector<2000x64xf32> -> vector<2000x64xf32>
    %swap3A_42 = arith.constant 0 : index
    %swap3A_43 = arith.constant 0 : index
    %swap3A_44 = vector.load %arg9[%swap3A_42, %swap3A_43] : memref<2000x64xf32, #tpu.memory_space<vmem>>, vector<2000x64xf32>
    tpu.vector_store %arg9[%swap3A_42, %swap3A_43], %dot_general3A_41 {strides = array<i32>} : memref<2000x64xf32, #tpu.memory_space<vmem>>, vector<2000x64xf32>,
    return
  }
  func.func @transform_0(%arg0: i32) -> (i32, i32) {
    %c0_i32 = arith.constant 0 : i32
    %c0_i32_0 = arith.constant 0 : i32
    return %arg0, %c0_i32 : i32, i32
  }
  func.func @transform_1(%arg0: i32) -> (i32, i32) {
    %c0_i32 = arith.constant 0 : i32
    %c0_i32_0 = arith.constant 0 : i32
    %c0_i32_1 = arith.constant 0 : i32
    return %c0_i32, %c0_i32_0 : i32, i32
  }
  func.func @transform_2(%arg0: i32) -> (i32, i32) {
    %c0_i32 = arith.constant 0 : i32
    %c0_i32_0 = arith.constant 0 : i32
    %c0_i32_1 = arith.constant 0 : i32
    return %c0_i32, %c0_i32_0 : i32, i32
  }
  func.func @transform_3(%arg0: i32) -> (i32, i32) {
    %c0_i32 = arith.constant 0 : i32
    %c0_i32_0 = arith.constant 0 : i32
    return %arg0, %c0_i32 : i32, i32
  }
  func.func @transform_4(%arg0: i32) -> (i32, i32) {
    %c0_i32 = arith.constant 0 : i32
    %c0_i32_0 = arith.constant 0 : i32
    %c0_i32_1 = arith.constant 0 : i32
    return %c0_i32, %c0_i32_0 : i32, i32
  }
  func.func @transform_5(%arg0: i32) -> (i32, i32) {
    %c0_i32 = arith.constant 0 : i32
    %c0_i32_0 = arith.constant 0 : i32
    %c0_i32_1 = arith.constant 0 : i32
    return %c0_i32, %c0_i32_0 : i32, i32
  }
  func.func @transform_6(%arg0: i32) -> (i32, i32) {
    %c0_i32 = arith.constant 0 : i32
    %c0_i32_0 = arith.constant 0 : i32
    return %arg0, %c0_i32 : i32, i32
  }
  func.func @transform_7(%arg0: i32) -> (i32, i32) {
    %c0_i32 = arith.constant 0 : i32
    %c0_i32_0 = arith.constant 0 : i32
    return %arg0, %c0_i32 : i32, i32
  }
  func.func @transform_8(%arg0: i32) -> (i32, i32) {
    %c0_i32 = arith.constant 0 : i32
    %c0_i32_0 = arith.constant 0 : i32
    return %arg0, %c0_i32 : i32, i32
  }
}

module attributes {stable_mosaic.version = 14 : i64} {
  func.func @_tc_b_body(%arg0: i32, %arg1: memref<2000x64xf32, #tpu.memory_space<vmem>>, %arg2: memref<64x64xf32, #tpu.memory_space<vmem>>, %arg3: memref<2000x64xf32, #tpu.memory_space<vmem>>, %arg4: memref<2000x64xf32, #tpu.memory_space<vmem>>, %arg5: memref<2000x64xf32, #tpu.memory_space<vmem>>, %arg6: memref<2000x64xf32, #tpu.memory_space<vmem>>) attributes {dimension_semantics = [#tpu.dimension_semantics<arbitrary>], iteration_bounds = array<i64: 5>, scalar_prefetch = 0 : i64, scratch_operands = 0 : i64, tpu.core_type = #tpu.core_type<tc>, window_params = [{transform_indices = @transform_0, window_bounds = array<i64: 2000, 64>}, {pipeline_mode = #tpu.pipeline_mode<synchronous>, transform_indices = @transform_1, window_bounds = array<i64: 64, 64>}, {transform_indices = @transform_2, window_bounds = array<i64: 2000, 64>}, {transform_indices = @transform_3, window_bounds = array<i64: 2000, 64>}, {transform_indices = @transform_4, window_bounds = array<i64: 2000, 64>}, {transform_indices = @transform_5, window_bounds = array<i64: 2000, 64>}]} {
    %get3A = arith.constant 0 : index
    %get3A_0 = arith.constant 0 : index
    %get3A_1 = vector.load %arg1[%get3A, %get3A_0] : memref<2000x64xf32, #tpu.memory_space<vmem>>, vector<2000x64xf32>
    %gt3A = arith.constant 0.000000e+00 : f32
    %gt3A_2 = vector.broadcast %gt3A : f32 to vector<2000x64xf32>
    %gt3A_3 = arith.cmpf ogt, %get3A_1, %gt3A_2 : vector<2000x64xf32>
    %exp3A = math.exp %get3A_1 : vector<2000x64xf32>
    %sub3A = arith.constant 1.000000e+00 : f32
    %sub3A_4 = vector.broadcast %sub3A : f32 to vector<2000x64xf32>
    %sub3A_5 = arith.subf %exp3A, %sub3A_4 : vector<2000x64xf32>
    %select_n3A = arith.select %gt3A_3, %get3A_1, %sub3A_5 : vector<2000x64xi1>, vector<2000x64xf32>
    %swap3A = arith.constant 0 : index
    %swap3A_6 = arith.constant 0 : index
    %swap3A_7 = vector.load %arg4[%swap3A, %swap3A_6] : memref<2000x64xf32, #tpu.memory_space<vmem>>, vector<2000x64xf32>
    tpu.vector_store %arg4[%swap3A, %swap3A_6], %select_n3A {strides = array<i32>} : memref<2000x64xf32, #tpu.memory_space<vmem>>, vector<2000x64xf32>,
    %get3A_8 = arith.constant 0 : index
    %get3A_9 = arith.constant 0 : index
    %get3A_10 = vector.load %arg2[%get3A_8, %get3A_9] : memref<64x64xf32, #tpu.memory_space<vmem>>, vector<64x64xf32>
    %convert_element_type3A = arith.truncf %select_n3A : vector<2000x64xf32> to vector<2000x64xbf16>
    %convert_element_type3A_11 = arith.truncf %get3A_10 : vector<64x64xf32> to vector<64x64xbf16>
    %dot_general3A = arith.constant dense<0.000000e+00> : vector<2000x64xf32>
    %dot_general3A_12 = tpu.matmul %convert_element_type3A, %convert_element_type3A_11, %dot_general3A {dimension_numbers = #tpu.dot_dimension_numbers<[1], [0], [0], [1], [0, 0, 1, 1], [], []>, transpose_lhs_hint = false} : vector<2000x64xbf16>, vector<64x64xbf16>, vector<2000x64xf32> -> vector<2000x64xf32>
    %swap3A_13 = arith.constant 0 : index
    %swap3A_14 = arith.constant 0 : index
    %swap3A_15 = vector.load %arg6[%swap3A_13, %swap3A_14] : memref<2000x64xf32, #tpu.memory_space<vmem>>, vector<2000x64xf32>
    tpu.vector_store %arg6[%swap3A_13, %swap3A_14], %dot_general3A_12 {strides = array<i32>} : memref<2000x64xf32, #tpu.memory_space<vmem>>, vector<2000x64xf32>,
    %get3A_16 = arith.constant 0 : index
    %get3A_17 = arith.constant 0 : index
    %get3A_18 = vector.load %arg3[%get3A_16, %get3A_17] : memref<2000x64xf32, #tpu.memory_space<vmem>>, vector<2000x64xf32>
    %max3A = arith.constant 0.000000e+00 : f32
    %max3A_19 = vector.broadcast %max3A : f32 to vector<2000x64xf32>
    %max3A_20 = arith.maximumf %get3A_18, %max3A_19 : vector<2000x64xf32>
    %swap3A_21 = arith.constant 0 : index
    %swap3A_22 = arith.constant 0 : index
    %swap3A_23 = vector.load %arg5[%swap3A_21, %swap3A_22] : memref<2000x64xf32, #tpu.memory_space<vmem>>, vector<2000x64xf32>
    tpu.vector_store %arg5[%swap3A_21, %swap3A_22], %max3A_20 {strides = array<i32>} : memref<2000x64xf32, #tpu.memory_space<vmem>>, vector<2000x64xf32>,
    return
  }
  func.func @transform_0(%arg0: i32) -> (i32, i32) {
    %c0_i32 = arith.constant 0 : i32
    %c0_i32_0 = arith.constant 0 : i32
    return %arg0, %c0_i32 : i32, i32
  }
  func.func @transform_1(%arg0: i32) -> (i32, i32) {
    %c0_i32 = arith.constant 0 : i32
    %c0_i32_0 = arith.constant 0 : i32
    %c0_i32_1 = arith.constant 0 : i32
    return %c0_i32, %c0_i32_0 : i32, i32
  }
  func.func @transform_2(%arg0: i32) -> (i32, i32) {
    %c0_i32 = arith.constant 0 : i32
    %c0_i32_0 = arith.constant 0 : i32
    return %arg0, %c0_i32 : i32, i32
  }
  func.func @transform_3(%arg0: i32) -> (i32, i32) {
    %c0_i32 = arith.constant 0 : i32
    %c0_i32_0 = arith.constant 0 : i32
    return %arg0, %c0_i32 : i32, i32
  }
  func.func @transform_4(%arg0: i32) -> (i32, i32) {
    %c0_i32 = arith.constant 0 : i32
    %c0_i32_0 = arith.constant 0 : i32
    return %arg0, %c0_i32 : i32, i32
  }
  func.func @transform_5(%arg0: i32) -> (i32, i32) {
    %c0_i32 = arith.constant 0 : i32
    %c0_i32_0 = arith.constant 0 : i32
    return %arg0, %c0_i32 : i32, i32
  }
}

module attributes {stable_mosaic.version = 14 : i64} {
  func.func @_tc_cd_body(%arg0: i32, %arg1: memref<10000x64xf32, #tpu.memory_space<vmem>>, %arg2: memref<10000x64xf32, #tpu.memory_space<vmem>>, %arg3: memref<10000x64xf32, #tpu.memory_space<vmem>>, %arg4: memref<10000x64xf32, #tpu.memory_space<vmem>>, %arg5: memref<10000x64xf32, #tpu.memory_space<vmem>>, %arg6: memref<3xf32, #tpu.memory_space<smem>>, %arg7: memref<2xf32, #tpu.memory_space<smem>>, %arg8: memref<64x64xf32, #tpu.memory_space<vmem>>, %arg9: memref<200x5000xf32, #tpu.memory_space<vmem>>, %arg10: memref<5000x64xf32, #tpu.memory_space<vmem>>, %arg11: memref<5000x64xf32, #tpu.memory_space<vmem>>) attributes {dimension_semantics = [#tpu.dimension_semantics<arbitrary>], iteration_bounds = array<i64: 25>, scalar_prefetch = 0 : i64, scratch_operands = 2 : i64, tpu.core_type = #tpu.core_type<tc>, window_params = [{pipeline_mode = #tpu.pipeline_mode<synchronous>, transform_indices = @transform_0, window_bounds = array<i64: 10000, 64>}, {pipeline_mode = #tpu.pipeline_mode<synchronous>, transform_indices = @transform_1, window_bounds = array<i64: 10000, 64>}, {pipeline_mode = #tpu.pipeline_mode<synchronous>, transform_indices = @transform_2, window_bounds = array<i64: 10000, 64>}, {pipeline_mode = #tpu.pipeline_mode<synchronous>, transform_indices = @transform_3, window_bounds = array<i64: 10000, 64>}, {pipeline_mode = #tpu.pipeline_mode<synchronous>, transform_indices = @transform_4, window_bounds = array<i64: 10000, 64>}, {transform_indices = @transform_5, window_bounds = array<i64: 3>}, {transform_indices = @transform_6, window_bounds = array<i64: 2>}, {pipeline_mode = #tpu.pipeline_mode<synchronous>, transform_indices = @transform_7, window_bounds = array<i64: 64, 64>}, {transform_indices = @transform_8, window_bounds = array<i64: 200, 5000>}]} {
    %eq3A = arith.constant 0 : i32
    %eq3A_0 = arith.cmpi eq, %arg0, %eq3A : i32
    %convert_element_type3A = arith.extui %eq3A_0 : i1 to i32
    %cond3A = arith.constant 0 : i32
    %cond3A_1 = arith.cmpi ne, %convert_element_type3A, %cond3A : i32
    scf.if %cond3A_1 {
      %get3A_19 = arith.constant 0 : index
      %get3A_20 = arith.constant 0 : index
      %get3A_21 = vector.load %arg1[%get3A_19, %get3A_20] : memref<10000x64xf32, #tpu.memory_space<vmem>>, vector<10000x64xf32>
      %get3A_22 = arith.constant 0 : index
      %get3A_23 = arith.constant 0 : index
      %get3A_24 = vector.load %arg2[%get3A_22, %get3A_23] : memref<10000x64xf32, #tpu.memory_space<vmem>>, vector<10000x64xf32>
      %add3A_25 = arith.addf %get3A_21, %get3A_24 : vector<10000x64xf32>
      %gt3A = arith.constant 0.000000e+00 : f32
      %gt3A_26 = vector.broadcast %gt3A : f32 to vector<10000x64xf32>
      %gt3A_27 = arith.cmpf ogt, %add3A_25, %gt3A_26 : vector<10000x64xf32>
      %exp3A_28 = math.exp %add3A_25 : vector<10000x64xf32>
      %sub3A = arith.constant 1.000000e+00 : f32
      %sub3A_29 = vector.broadcast %sub3A : f32 to vector<10000x64xf32>
      %sub3A_30 = arith.subf %exp3A_28, %sub3A_29 : vector<10000x64xf32>
      %select_n3A = arith.select %gt3A_27, %add3A_25, %sub3A_30 : vector<10000x64xi1>, vector<10000x64xf32>
      %get3A_31 = arith.constant 0 : index
      %get3A_32 = memref.load %arg7[%get3A_31] : memref<2xf32, #tpu.memory_space<smem>>
      %exp3A_33 = math.exp %get3A_32 : f32
      %get3A_34 = arith.constant 1 : index
      %get3A_35 = memref.load %arg7[%get3A_34] : memref<2xf32, #tpu.memory_space<smem>>
      %exp3A_36 = math.exp %get3A_35 : f32
      %add3A_37 = arith.addf %exp3A_33, %exp3A_36 : f32
      %div3A_38 = arith.divf %exp3A_33, %add3A_37 : f32
      %add3A_39 = arith.addf %exp3A_33, %exp3A_36 : f32
      %div3A_40 = arith.divf %exp3A_36, %add3A_39 : f32
      %get3A_41 = arith.constant 0 : index
      %get3A_42 = memref.load %arg6[%get3A_41] : memref<3xf32, #tpu.memory_space<smem>>
      %get3A_43 = arith.constant 0 : index
      %get3A_44 = arith.constant 0 : index
      %get3A_45 = vector.load %arg3[%get3A_43, %get3A_44] : memref<10000x64xf32, #tpu.memory_space<vmem>>, vector<10000x64xf32>
      %mul3A_46 = vector.broadcast %get3A_42 : f32 to vector<10000x64xf32>
      %mul3A_47 = arith.mulf %mul3A_46, %get3A_45 : vector<10000x64xf32>
      %get3A_48 = arith.constant 1 : index
      %get3A_49 = memref.load %arg6[%get3A_48] : memref<3xf32, #tpu.memory_space<smem>>
      %get3A_50 = arith.constant 0 : index
      %get3A_51 = arith.constant 0 : index
      %get3A_52 = vector.load %arg4[%get3A_50, %get3A_51] : memref<10000x64xf32, #tpu.memory_space<vmem>>, vector<10000x64xf32>
      %mul3A_53 = vector.broadcast %get3A_49 : f32 to vector<10000x64xf32>
      %mul3A_54 = arith.mulf %mul3A_53, %get3A_52 : vector<10000x64xf32>
      %add3A_55 = arith.addf %mul3A_47, %mul3A_54 : vector<10000x64xf32>
      %get3A_56 = arith.constant 2 : index
      %get3A_57 = memref.load %arg6[%get3A_56] : memref<3xf32, #tpu.memory_space<smem>>
      %mul3A_58 = vector.broadcast %get3A_57 : f32 to vector<10000x64xf32>
      %mul3A_59 = arith.mulf %mul3A_58, %select_n3A : vector<10000x64xf32>
      %add3A_60 = arith.addf %add3A_55, %mul3A_59 : vector<10000x64xf32>
      %mul3A_61 = vector.broadcast %div3A_38 : f32 to vector<10000x64xf32>
      %mul3A_62 = arith.mulf %mul3A_61, %add3A_60 : vector<10000x64xf32>
      %get3A_63 = arith.constant 0 : index
      %get3A_64 = arith.constant 0 : index
      %get3A_65 = vector.load %arg5[%get3A_63, %get3A_64] : memref<10000x64xf32, #tpu.memory_space<vmem>>, vector<10000x64xf32>
      %mul3A_66 = vector.broadcast %div3A_40 : f32 to vector<10000x64xf32>
      %mul3A_67 = arith.mulf %mul3A_66, %get3A_65 : vector<10000x64xf32>
      %add3A_68 = arith.addf %mul3A_62, %mul3A_67 : vector<10000x64xf32>
      %slice3A = vector.extract_strided_slice %add3A_68 {offsets = [0, 0], sizes = [5000, 64], strides = [1, 1]} : vector<10000x64xf32> to vector<5000x64xf32>
      %get3A_69 = arith.constant 0 : index
      %get3A_70 = arith.constant 0 : index
      %get3A_71 = vector.load %arg8[%get3A_69, %get3A_70] : memref<64x64xf32, #tpu.memory_space<vmem>>, vector<64x64xf32>
      %convert_element_type3A_72 = arith.truncf %slice3A : vector<5000x64xf32> to vector<5000x64xbf16>
      %convert_element_type3A_73 = arith.truncf %get3A_71 : vector<64x64xf32> to vector<64x64xbf16>
      %dot_general3A_74 = arith.constant dense<0.000000e+00> : vector<5000x64xf32>
      %dot_general3A_75 = tpu.matmul %convert_element_type3A_72, %convert_element_type3A_73, %dot_general3A_74 {dimension_numbers = #tpu.dot_dimension_numbers<[1], [0], [0], [1], [0, 0, 1, 1], [], []>, transpose_lhs_hint = false} : vector<5000x64xbf16>, vector<64x64xbf16>, vector<5000x64xf32> -> vector<5000x64xf32>
      %swap3A_76 = arith.constant 0 : index
      %swap3A_77 = arith.constant 0 : index
      %swap3A_78 = vector.load %arg10[%swap3A_76, %swap3A_77] : memref<5000x64xf32, #tpu.memory_space<vmem>>, vector<5000x64xf32>
      tpu.vector_store %arg10[%swap3A_76, %swap3A_77], %dot_general3A_75 {strides = array<i32>} : memref<5000x64xf32, #tpu.memory_space<vmem>>, vector<5000x64xf32>,
      %slice3A_79 = vector.extract_strided_slice %add3A_68 {offsets = [5000, 0], sizes = [5000, 64], strides = [1, 1]} : vector<10000x64xf32> to vector<5000x64xf32>
      %swap3A_80 = arith.constant 0 : index
      %swap3A_81 = arith.constant 0 : index
      %swap3A_82 = vector.load %arg11[%swap3A_80, %swap3A_81] : memref<5000x64xf32, #tpu.memory_space<vmem>>, vector<5000x64xf32>
      tpu.vector_store %arg11[%swap3A_80, %swap3A_81], %slice3A_79 {strides = array<i32>} : memref<5000x64xf32, #tpu.memory_space<vmem>>, vector<5000x64xf32>,
    } else {
    }
    %mul3A = arith.constant 200 : i32
    %mul3A_2 = arith.muli %arg0, %mul3A : i32
    %get3A = arith.index_cast %mul3A_2 : i32 to index
    %get3A_3 = arith.constant 0 : index
    %get3A_4 = vector.load %arg10[%get3A, %get3A_3] : memref<5000x64xf32, #tpu.memory_space<vmem>>, vector<200x64xf32>
    %convert_element_type3A_5 = arith.truncf %get3A_4 : vector<200x64xf32> to vector<200x64xbf16>
    %get3A_6 = arith.constant 0 : index
    %get3A_7 = arith.constant 0 : index
    %get3A_8 = vector.load %arg11[%get3A_6, %get3A_7] : memref<5000x64xf32, #tpu.memory_space<vmem>>, vector<5000x64xf32>
    %convert_element_type3A_9 = arith.truncf %get3A_8 : vector<5000x64xf32> to vector<5000x64xbf16>
    %dot_general3A = arith.constant dense<0.000000e+00> : vector<200x5000xf32>
    %dot_general3A_10 = tpu.matmul %convert_element_type3A_5, %convert_element_type3A_9, %dot_general3A {dimension_numbers = #tpu.dot_dimension_numbers<[1], [1], [0], [0], [0, 0, 1, 0], [], []>, transpose_lhs_hint = false} : vector<200x64xbf16>, vector<5000x64xbf16>, vector<200x5000xf32> -> vector<200x5000xf32>
    %neg3A = arith.constant 0.000000e+00 : f32
    %neg3A_11 = vector.broadcast %neg3A : f32 to vector<200x5000xf32>
    %neg3A_12 = arith.subf %neg3A_11, %dot_general3A_10 : vector<200x5000xf32>
    %exp3A = math.exp %neg3A_12 : vector<200x5000xf32>
    %add3A = arith.constant 1.000000e+00 : f32
    %add3A_13 = vector.broadcast %add3A : f32 to vector<200x5000xf32>
    %add3A_14 = arith.addf %add3A_13, %exp3A : vector<200x5000xf32>
    %div3A = arith.constant 1.000000e+00 : f32
    %div3A_15 = vector.broadcast %div3A : f32 to vector<200x5000xf32>
    %div3A_16 = arith.divf %div3A_15, %add3A_14 : vector<200x5000xf32>
    %swap3A = arith.constant 0 : index
    %swap3A_17 = arith.constant 0 : index
    %swap3A_18 = vector.load %arg9[%swap3A, %swap3A_17] : memref<200x5000xf32, #tpu.memory_space<vmem>>, vector<200x5000xf32>
    tpu.vector_store %arg9[%swap3A, %swap3A_17], %div3A_16 {strides = array<i32>} : memref<200x5000xf32, #tpu.memory_space<vmem>>, vector<200x5000xf32>,
    return
  }
  func.func @transform_0(%arg0: i32) -> (i32, i32) {
    %c0_i32 = arith.constant 0 : i32
    %c0_i32_0 = arith.constant 0 : i32
    %c0_i32_1 = arith.constant 0 : i32
    return %c0_i32, %c0_i32_0 : i32, i32
  }
  func.func @transform_1(%arg0: i32) -> (i32, i32) {
    %c0_i32 = arith.constant 0 : i32
    %c0_i32_0 = arith.constant 0 : i32
    %c0_i32_1 = arith.constant 0 : i32
    return %c0_i32, %c0_i32_0 : i32, i32
  }
  func.func @transform_2(%arg0: i32) -> (i32, i32) {
    %c0_i32 = arith.constant 0 : i32
    %c0_i32_0 = arith.constant 0 : i32
    %c0_i32_1 = arith.constant 0 : i32
    return %c0_i32, %c0_i32_0 : i32, i32
  }
  func.func @transform_3(%arg0: i32) -> (i32, i32) {
    %c0_i32 = arith.constant 0 : i32
    %c0_i32_0 = arith.constant 0 : i32
    %c0_i32_1 = arith.constant 0 : i32
    return %c0_i32, %c0_i32_0 : i32, i32
  }
  func.func @transform_4(%arg0: i32) -> (i32, i32) {
    %c0_i32 = arith.constant 0 : i32
    %c0_i32_0 = arith.constant 0 : i32
    %c0_i32_1 = arith.constant 0 : i32
    return %c0_i32, %c0_i32_0 : i32, i32
  }
  func.func @transform_5(%arg0: i32) -> i32 {
    %c0_i32 = arith.constant 0 : i32
    %c0_i32_0 = arith.constant 0 : i32
    return %c0_i32 : i32
  }
  func.func @transform_6(%arg0: i32) -> i32 {
    %c0_i32 = arith.constant 0 : i32
    %c0_i32_0 = arith.constant 0 : i32
    return %c0_i32 : i32
  }
  func.func @transform_7(%arg0: i32) -> (i32, i32) {
    %c0_i32 = arith.constant 0 : i32
    %c0_i32_0 = arith.constant 0 : i32
    %c0_i32_1 = arith.constant 0 : i32
    return %c0_i32, %c0_i32_0 : i32, i32
  }
  func.func @transform_8(%arg0: i32) -> (i32, i32) {
    %c0_i32 = arith.constant 0 : i32
    %c0_i32_0 = arith.constant 0 : i32
    return %arg0, %c0_i32 : i32, i32
  }
}

</mosaic_0001>

<sc_bundles>
// kernel: kernel.10.cloned.1.call-start
scs
__scs_entry_jumppad:
0x0: {  	(pc) =	sbr.rel $0x88, $3  }
0x1: {  	(tag) =	ssettag $0x0;
	lr =	simm.s32 $0x1  }
0x2: {  	[smem:$0x3F95] =	sst lr;
	_ =	strace $0xD0000000  }
0x3: {  	_ = 	snop  }
0x4: {  	_ = 	snop  }
0x5: {  	_ = 	snop  }
0x6: {  	_ = 	snop  }
0x7: {  	_ = 	snop  }
__scs_overlays_trampoline_lowered:
0x8: {  	[smem:$0x3FA4] =	sst s0  }
0x9: {  	[smem:$0x3FA5] =	sst s1  }
0xa: {  	[smem:$0x3FA6] =	sst s2  }
0xb: {  	[smem:$0x3FA7] =	sst s3  }
0xc: {  	[smem:$0x3FA8] =	sst s4  }
0xd: {  	[smem:$0x3FA9] =	sst s5  }
0xe: {  	[smem:$0x3FAA] =	sst s6  }
0xf: {  	[smem:$0x3FAB] =	sst s7  }
0x10: {  	[smem:$0x3FAC] =	sst s8  }
0x11: {  	[smem:$0x3FAD] =	sst s9;
	s0 =	simm.s32 @!p0 $0x0  }
0x12: {  	s1 =	sld [smem:$0x3F93];
	s0 =	simm.s32 @p0 $0x1  }
0x13: {  	[smem:$0x3FAE] =	sst s0;
	s0 =	simm.s32 @!p1 $0x0  }
0x14: {  	s2 =	sld [smem:$0x3F92];
	s0 =	simm.s32 @p1 $0x1  }
0x15: {  	[smem:$0x3FAF] =	sst s0;
	s0 =	simm.s32 @!p2 $0x0  }
0x16: {  	s3 =	sld [smem:$0x3FDB];
	s0 =	simm.s32 @p2 $0x1  }
0x17: {  	s4 =	simm.s32 $0x1BF5;
	[smem:$0x3FB1] =	sst s0  }
0x18: {  	s0 =	sld [smem:$0x3F94];
	_ =	swait.ge [sflag:s4], $0x0  }
0x19: {  	s7 =	sld [smem:$0x3F95]  }
0x1a: {  	s8 =	sadd.s32 $0xFFFFE003, lr  }
0x1b: {  	s9 =	sadd.s32 $0xFFFFFEF7, lr;
	s5 =	simm.s32 $0xFFFFFFFF;
	p2 =	slt.u32 s8, $0xFFFFF086  }
0x1c: {  	p1 =	slt.u32 s9, $0xF7A;
	s5 =	simm.s32 @!p2 $0x0  }
0x1d: {  	s5 =	simm.s32 @p1 $0x1;
	p0 =	seq.s32 s7, s2  }
0x1e: {  	s7 =	smul.u32 @!p0 $0xF7A, s2;
	p2 =	seq.s32 @!p0 s5, $0x0  }
0x1f: {  	s9 =	smul.u32 $0xF7A, s1;
	s8 =	simm.s32 @!p0 $0x1BF5;
	p2 =	por !p2, p0  }
0x20: {  	[sflag:s8] =	ssyncset.s32 @!p0 $0xFFFFF086;
	s6 =	sadd.s32 @!p0 s3, s7;
	s7 =	simm.s32 @!p0 $0x108  }
0x21: {  	s3 =	sadd.s32 s3, s9;
	s6 =	sadd.s32 @!p0 $0x88, s6;
	s7 =	simm.s32 @p2 $0x1082  }
0x22: {  	[simem:s7], [sflag:s8] =	dma.local @!p0 [hbm:s6], $0xF7A  }
0x23: {  	s9 =	sor.u32 $0xD0000000, s2;
	s6 =	simm.s32 $0x108;
	_ =	swait.ge @!p0 [sflag:s8], $0x0  }
0x24: {  	s3 =	sadd.s32 $0x88, s3;
	s6 =	simm.s32 @!p1 $0x1082;
	[sflag:s4] =	ssyncset.s32 $0xFFFFF086  }
0x25: {  	[simem:s6], [sflag:s4] =	dma.local [hbm:s3], $0xF7A  }
0x26: {  	[smem:$0x3F95] =	sst s1;
	(tag) =	ssettag s2;
	_ =	strace s9  }
0x27: {  	s1 =	sld [smem:$0x3FA5]  }
0x28: {  	s2 =	sld [smem:$0x3FA6]  }
0x29: {  	s4 =	sld [smem:$0x3FA8]  }
0x2a: {  	p0 =	seq.s32 s5, $0x0;
	s5 =	sld [smem:$0x3FA9]  }
0x2b: {  	s6 =	sld [smem:$0x3FAA]  }
0x2c: {  	s7 =	sld [smem:$0x3FAB]  }
0x2d: {  	s3 =	simm.s32 $0x108;
	s8 =	sld [smem:$0x3FAC]  }
0x2e: {  	s3 =	simm.s32 @!p0 $0x1082;
	s9 =	sld [smem:$0x3FAD]  }
0x2f: {  	lr =	sadd.s32 s0, s3;
	s0 =	sld [smem:$0x3FA4]  }
0x30: {  	s3 =	sld [smem:$0x3FA7]  }
0x31: {  	[smem:$0x3FB0] =	sst s10  }
0x32: {  	s10 =	sld [smem:$0x3FAE];
	_ =	sdelay $0x3  }
0x33: {  	p0 =	seq.s32 s10, $0x1;
	s10 =	sld [smem:$0x3FB0];
	_ =	sdelay $0x3  }
0x34: {  	[smem:$0x3FB0] =	sst s10  }
0x35: {  	s10 =	sld [smem:$0x3FAF];
	_ =	sdelay $0x3  }
0x36: {  	p1 =	seq.s32 s10, $0x1;
	s10 =	sld [smem:$0x3FB0];
	_ =	sdelay $0x3  }
0x37: {  	[smem:$0x3FB0] =	sst s10  }
0x38: {  	s10 =	sld [smem:$0x3FB1]  }
0x39: {  	_ = 	snop;
	(pc) =	sbr.ind lr, $3  }
0x3a: {  	_ = 	snop  }
0x3b: {  	_ = 	snop  }
0x3c: {  	p2 =	seq.s32 s10, $0x1;
	s10 =	sld [smem:$0x3FB0]  }
0x3d: {  	_ =	shalt  }
0x3e: {  	_ =	shalt  }
0x3f: {  	_ =	shalt  }
0x40: {  	_ =	shalt  }
0x41: {  	_ =	shalt  }
0x42: {  	_ =	shalt  }
0x43: {  	_ =	shalt  }
0x44: {  	_ =	shalt  }
0x45: {  	_ =	shalt  }
0x46: {  	_ =	shalt  }
0x47: {  	_ =	shalt  }
0x48: {  	_ =	shalt  }
0x49: {  	_ =	shalt  }
0x4a: {  	_ =	shalt  }
0x4b: {  	_ =	shalt  }
0x4c: {  	_ =	shalt  }
0x4d: {  	_ =	shalt  }
0x4e: {  	_ =	shalt  }
0x4f: {  	_ =	shalt  }
0x50: {  	_ =	shalt  }
0x51: {  	_ =	shalt  }
0x52: {  	_ =	shalt  }
0x53: {  	_ =	shalt  }
0x54: {  	_ =	shalt  }
0x55: {  	_ =	shalt  }
0x56: {  	_ =	shalt  }
0x57: {  	_ =	shalt  }
0x58: {  	_ =	shalt  }
0x59: {  	_ =	shalt  }
0x5a: {  	_ =	shalt  }
0x5b: {  	_ =	shalt  }
0x5c: {  	_ =	shalt  }
0x5d: {  	_ =	shalt  }
0x5e: {  	_ =	shalt  }
0x5f: {  	_ =	shalt  }
0x60: {  	_ =	shalt  }
0x61: {  	_ =	shalt  }
0x62: {  	_ =	shalt  }
0x63: {  	_ =	shalt  }
0x64: {  	_ =	shalt  }
0x65: {  	_ =	shalt  }
0x66: {  	_ =	shalt  }
0x67: {  	_ =	shalt  }
0x68: {  	_ =	shalt  }
0x69: {  	_ =	shalt  }
0x6a: {  	_ =	shalt  }
0x6b: {  	_ =	shalt  }
0x6c: {  	_ =	shalt  }
0x6d: {  	_ =	shalt  }
0x6e: {  	_ =	shalt  }
0x6f: {  	_ =	shalt  }
0x70: {  	_ =	shalt  }
0x71: {  	_ =	shalt  }
0x72: {  	_ =	shalt  }
0x73: {  	_ =	shalt  }
0x74: {  	_ =	shalt  }
0x75: {  	_ =	shalt  }
0x76: {  	_ =	shalt  }
0x77: {  	_ =	shalt  }
0x78: {  	_ =	shalt  }
0x79: {  	_ =	shalt  }
0x7a: {  	_ =	shalt  }
0x7b: {  	_ =	shalt  }
0x7c: {  	_ =	shalt  }
0x7d: {  	_ =	shalt  }
0x7e: {  	_ =	shalt  }
0x7f: {  	_ =	shalt  }
0x80: {  	_ =	shalt  }
0x81: {  	_ =	shalt  }
0x82: {  	_ =	shalt  }
0x83: {  	_ =	shalt  }
0x84: {  	_ =	shalt  }
0x85: {  	_ =	shalt  }
0x86: {  	_ =	shalt  }
0x87: {  	_ =	shalt  }
.Lfunc_end0:
.L_simem_size_0:
called_computation.1_lowered:
.L_overlay_start_0:
0x88: {  	s2 =	sld [smem:$0x3FD9]  }
0x89: {  	s3 =	sld [smem:$0x3FFE];
	_ =	sdelay $0x1  }
0x8a: {  	s1 =	srdreg.scid  }
0x8b: {  	s0 =	sand.u32 $0x1, s1  }
0x8c: {  	s17 =	sshll.u32 s0, $0xA;
	s2 =	sadd.s32 s3, s2  }
0x8d: {  	s2 =	sadd.s32 s2, s17  }
0x8e: {  	[smem:$0x3FBC] =	sst s2  }
0x8f: {  	_ = 	snop  }
0x90: {  	s2 =	sld [smem:$0x3FD0];
	(tm) =	ssettm $0x1  }
0x91: {  	s18 =	sld [smem:$0x3FFB];
	_ =	sdelay $0x3  }
0x92: {  	_ =	strace s18  }
0x93: {  	s3 =	sld [smem:$0x3FFC];
	_ =	sdelay $0x3  }
0x94: {  	_ =	strace s3  }
0x95: {  	s3 =	sld [smem:$0x3FFD];
	_ =	sdelay $0x3  }
0x96: {  	_ =	strace s3  }
0x97: {  	_ =	strace $0x8FFFFFFF  }
0x98: {  	s19 =	sld [smem:$0x3FDB];
	_ =	sdelay $0x1  }
0x99: {  	s4 =	simm.s32 $_scs_section_size  }
0x9a: {  	s5 =	simm.s32 $_size__tile_overlayer_lowered;
	s6 =	simm.s32 $_tile_overlayer_lowered  }
0x9b: {  	s22 =	simm.s32 $0x1BFF;
	s21 =	sshll.u32 s6, $0x1;
	s3 =	sadd.s32 s4, s19  }
0x9c: {  	s7 =	simm.s32 $0x0;
	s20 =	sshll.u32 s5, $0x1;
	s5 =	sadd.s32 s21, s3  }
0x9d: {  	[timem:s7], [sflag:s22] =	dma.local [hbm:s5], s20  }
0x9e: {  	_ =	swait.ge [sflag:s22], s20  }
0x9f: {  	s4 =	ssub.s32 $0x0, s20;
	[sflag:s22] =	ssyncset.done $0x0  }
0xa0: {  	[sflag:s22] =	ssyncadd.s32 s4;
	_ =	sdelay $0x1  }
0xa1: {  	s23 =	simm.s32 $0x1B8B  }
0xa2: {  	_ =	swait.ge [sflag:s23], $0x1  }
0xa3: {  	[sflag:s23] =	ssyncset.done $0x0  }
0xa4: {  	s25 =	simm.s32 $0x1B8E;
	s24 =	sld [smem:$0x3FFE];
	[sflag:s23] =	ssyncadd.s32 $0xFFFFFFFF  }
0xa5: {  	s26 =	simm.s32 $execute0_lowered;
	[smem:$0x3FD2] =	sst s25  }
0xa6: {  	s5 =	sshll.u32 s26, $0x1;
	_ =	strace $0x80000049;
	[dreg:$0x1] =	wrdreg $0xFFFFFFFF  }
0xa7: {  	s28 =	simm.s32 $_size_execute0_lowered;
	s3 =	sadd.s32 s3, s5;
	[dreg:$0x0] =	wrdreg $0x0  }
0xa8: {  	s5 =	sshll.u32 s28, $0x1;
	[dreg:$0x2] =	wrdreg s3  }
0xa9: {  	[dreg:$0x3] =	wrdreg s5  }
0xaa: {  	[dreg:$0x4] =	wrdreg $0xC0  }
0xab: {  	_ =	task [dreg:s7], $0x5FFFF  }
0xac: {  	[dreg:$0x1] =	wrdreg $0xFFFFFFFF  }
0xad: {  	[dreg:$0x0] =	wrdreg $0x60  }
0xae: {  	[dreg:$0x2] =	wrdreg s2  }
0xaf: {  	[dreg:$0x3] =	wrdreg s24  }
0xb0: {  	[dreg:$0x4] =	wrdreg $0x13C400  }
0xb1: {  	[dreg:$0x5] =	wrdreg $0x9  }
0xb2: {  	_ =	task.clear_ibuf [dreg:s7], $0x6FFFF;
	_ =	strace $0x90000049  }
0xb3: {  	s29 =	simm.s32 $0x9;
	_ =	strace $0x8000004B  }
0xb4: {  	_ =	swait.ge [sflag:s29], $0x1  }
0xb5: {  	[sflag:s29] =	ssyncadd.s32 $0xFFFFFFFF  }
0xb6: {  	_ =	strace $0x9000004B  }
0xb7: {  	_ =	sfence  }
0xb8: {  	s30 =	sld [smem:$0x0];
	_ =	sdelay $0x2  }
0xb9: {  	s31 =	sshll.u32 s1, $0xD;
	s1 =	sshrl.u32 s1, $0x2  }
0xba: {  	s3 =	sand.u32 $0x4000, s31;
	s1 =	sadd.s32 s1, s30  }
0xbb: {  	s0 =	sor.u32 s3, s0;
	s1 =	sshll.u32 s1, $0x11  }
0xbc: {  	s0 =	sor.u32 s1, s0  }
0xbd: {  	s0 =	sadd.s32 $0x8F2B, s0  }
0xbe: {  	[sflag:s0] =	ssyncadd.remote.s32 $0x1  }
0xbf: {  	_ =	sfence.sel $0xFFFF  }
0xc0: {  	[dreg:$0x0] =	wrdreg $0xFFFFFFFF;
	(pc) =	sbr.abs _section_cstart, $3  }
0xc1: {  	[dreg:$0x1] =	wrdreg $0xFFFFFFFF  }
0xc2: {  	_ =	task.clear_ibuf [dreg:s7], $0x2FFFF;
	_ =	strace $0x9FFFFFFF  }
0xc3: {  	(tm) =	ssettm $0x7FFFFFFF  }
tec
execute0_lowered:
.L_overlay_start_1:
0x0: {  	(tag) =	ssettag $0x1  }
0x1: {  	s1 =	rddreg [dreg:$0x0];
	s0 =	srdreg.scid  }
0x2: {  	s12 =	stileid.u32;
	s2 =	rddreg [dreg:$0x1]  }
0x3: {  	s3 =	rddreg [dreg:$0x2];
	s17 =	simm.s32 $0xB;
	s18 =	simm.s32 $0x5000  }
0x4: {  	s19 =	simm.s32 $0x7D;
	s28 =	simm.s32 $0x1;
	s30 =	simm.s32 $0x11D00  }
0x5: {  	s31 =	simm.s32 $0x2;
	s29 =	simm.s32 $0x8;
	s0 =	sand.u32 $0x1, s0  }
0x6: {  	s4 =	sshll.u32 s12, $0x1;
	s6 =	smul.u32 $0x9C00, s12;
	s11 =	sadd.s32 $0x92400, s3  }
0x7: {  	s22 =	sadd.s32 $0x50880, s2;
	s25 =	sadd.s32 $0x77C80, s2;
	p1 =	seq.s32 s12, $0xF  }
0x8: {  	s5 =	sor.u32 s0, s4;
	s4 =	simm.s32 $0x0;
	s8 =	ssub.s32 $0x2, s0  }
0x9: {  	p0 =	seq.s32 s0, $0x1;
	s14 =	sshrl.u32 @p1 s11, $0x3;
	s5 =	smul.u32 $0x2800, s5  }
0xa: {  	[smem:$0x7FF] =	sst s4;
	s7 =	sshrl.u32 s6, $0x3;
	s20 =	sshrl.u32 s8, $0x1  }
0xb: {  	s0 =	sadd.s32 s6, s3;
	_ =	strace $0x8000004A;
	[dreg:$0x5] =	wrdreg s22  }
0xc: {  	s9 =	sadd.s32 s7, s2;
	s10 =	ssub.s32 s8, s20;
	[dreg:$0x9] =	wrdreg s25  }
0xd: {  	s16 =	sshrl.u32 @!p1 s0, $0x3;
	s20 =	simm.s32 $0xA000;
	s22 =	simm.s32 $0xBF40  }
0xe: {  	s0 =	simm.s32 $0x6;
	s5 =	sshrl.u32 s5, $0x3;
	s21 =	sadd.s32 $0x3E400, s9  }
0xf: {  	s24 =	sadd.s32 $0x65800, s9;
	s26 =	sadd.s32 $0x51E00, s9;
	[dreg:$0x4] =	wrdreg s21  }
0x10: {  	s13 =	smax.u32 s10, $0x1;
	s10 =	simm.s32 $0x3;
	[dreg:$0x8] =	wrdreg s24  }
0x11: {  	s9 =	simm.s32 $0x5;
	s5 =	sadd.s32 s5, s2;
	[dreg:$0xa] =	wrdreg s26  }
.Ltmp0:
0x12: {  	s2 =	sadd.s32 $0x64280, s2;
	s24 =	simm.s32 $0xDE80;
	(pc) =	sbr.rel .LBB2_1-.Ltmp0, $4  }
0x13: {  	s26 =	simm.s32 $0xFDC0;
	s23 =	sadd.s32 $0x3000, s5;
	[dreg:$0xb] =	wrdreg s2  }
0x14: {  	s21 =	simm.s32 $0x7;
	s5 =	sadd.s32 $0xD000, s5;
	[dreg:$0x6] =	wrdreg s23  }
0x15: {  	s2 =	sshll.u32 @!p1 s12, $0x6;
	s12 =	simm.s32 $0x9;
	[dreg:$0x7] =	wrdreg s5  }
0x16: {  	s15 =	sor.u32 @!p1 $0x1C0B, s2;
	s23 =	simm.s32 $0x4;
	s2 =	simm.s32 $0xA  }
.LBB2_9:
0x17: {  	_ =	swait.ge [sflag:s9], $0x1F40  }
0x18: {  	[sflag:s9] =	ssyncset.done $0x0  }
0x19: {  	[sflag:s9] =	ssyncadd.s32 $0xFFFFE0C0  }
0x1a: {  	[spmem:s3] =	stream.indirect.scatter.add.f32 [tilespmem:s30], [sflag:$0xA], $0x40, s5, s19, $0xb8;
	[tilespmem:$0x1D880] =	vst v63  }
0x1b: {  	_ =	swait.ge [sflag:s12], $0x1F40  }
0x1c: {  	[sflag:s12] =	ssyncset.done $0x0  }
0x1d: {  	[sflag:s12] =	ssyncadd.s32 $0xFFFFE0C0  }
0x1e: {  	_ =	swait.ge [sflag:s2], $0x1F40  }
0x1f: {  	[sflag:s2] =	ssyncset.done $0x0  }
0x20: {  	[sflag:s2] =	ssyncadd.s32 $0xFFFFE0C0  }
0x21: {  	[bflag:$0x0] =	sbarrier.arrive $0xFFFF  }
0x22: {  	s5 =	simm.s32 @p1 $0x1FCB;
	s6 =	rddreg [dreg:$0xb]  }
0x23: {  	[hbm:s6], [sflag:s5] =	dma.local @p1 [spmem:s14], $0x1400  }
0x24: {  	s5 =	simm.s32 @p1 $0xB  }
0x25: {  	_ =	swait.ge @p1 [sflag:s5], $0x1400  }
0x26: {  	[sflag:s5] =	ssyncset.done @p1 $0x0  }
0x27: {  	[sflag:s5] =	ssyncadd.s32 @p1 $0xFFFFEC00;
	s5 =	rddreg [dreg:$0xa]  }
0x28: {  	[hbm:s5], [sflag:s15] =	dma.local @!p1 [spmem:s16], $0x1380  }
0x29: {  	s5 =	simm.s32 @!p1 $0xB  }
0x2a: {  	_ =	swait.ge @!p1 [sflag:s5], $0x1380  }
0x2b: {  	[sflag:s5] =	ssyncset.done @!p1 $0x0  }
0x2c: {  	[sflag:s5] =	ssyncadd.s32 @!p1 $0xFFFFEC80  }
.LBB2_10:
0x2d: {  	s4 =	sadd.s32 $0x1, s4  }
0x2e: {  	p2 =	sne.s32 s4, s13  }
.Ltmp1:
0x2f: {  	_ = 	snop;
	(pc) =	sbr.rel @!p2 .LBB2_11-.Ltmp1, $1  }
0x30: {  	_ =	sdelay $0x3  }
.LBB2_1:
.Ltmp2:
0x31: {  	(pc) =	sbr.rel @!p0 .LBB2_2-.Ltmp2, $1  }
0x32: {  	_ =	sdelay $0x3  }
0x33: {  	s5 =	simm.s32 @p1 $0x1FCB;
	s6 =	rddreg [dreg:$0x5]  }
0x34: {  	[spmem:s14], [sflag:s5] =	dma.local @p1 [hbm:s6], $0x1400  }
0x35: {  	s5 =	simm.s32 @p1 $0xB  }
0x36: {  	_ =	swait.ge @p1 [sflag:s5], $0x1400  }
0x37: {  	[sflag:s5] =	ssyncset.done @p1 $0x0  }
0x38: {  	[sflag:s5] =	ssyncadd.s32 @p1 $0xFFFFEC00;
	s5 =	rddreg [dreg:$0x4]  }
0x39: {  	[spmem:s16], [sflag:s15] =	dma.local @!p1 [hbm:s5], $0x1380  }
0x3a: {  	s5 =	simm.s32 @!p1 $0xB  }
0x3b: {  	_ =	swait.ge @!p1 [sflag:s5], $0x1380  }
0x3c: {  	[sflag:s5] =	ssyncset.done @!p1 $0x0  }
0x3d: {  	s11 =	simm.s32 $0x0;
	s8 =	rddreg [dreg:$0x6];
	[sflag:s5] =	ssyncadd.s32 @!p1 $0xFFFFEC80  }
0x3e: {  	[tilespmem:s11], [sflag:$0xB] =	stream.linear.gather [hbm4b:s8+s11], $0x2800, $0x38;
	[tilespmem:$0x1D880] =	vst v63  }
0x3f: {  	_ =	swait.ge [sflag:s17], $0x2800  }
0x40: {  	[sflag:s17] =	ssyncset.done $0x0  }
0x41: {  	s25 =	rddreg [dreg:$0x7];
	[sflag:s17] =	ssyncadd.s32 $0xFFFFD800  }
0x42: {  	[tilespmem:s18], [sflag:$0xB] =	stream.linear.gather [hbm4b:s25+s11], $0x2800, $0x38;
	[tilespmem:$0x1D880] =	vst v63  }
0x43: {  	_ =	swait.ge [sflag:s17], $0x2800  }
0x44: {  	[sflag:s17] =	ssyncset.done $0x0  }
0x45: {  	[sflag:s17] =	ssyncadd.s32 $0xFFFFD800  }
0x46: {  	[bflag:$0x0] =	sbarrier.arrive $0xFFFF  }
0x47: {  	[tilespmem:s20], [sflag:$0x1] =	stream.indirect.gather [hbm4b:s1+s19], $0x40, s11, s19, $0xb8;
	[tilespmem:$0x1D880] =	vst v63  }
0x48: {  	s6 =	simm.s32 $0x80  }
0x49: {  	[tilespmem:s22], [sflag:$0x2] =	stream.indirect.gather [hbm4b:s1+s19], $0x40, s6, s19, $0xb8;
	[tilespmem:$0x1D880] =	vst v63  }
0x4a: {  	s7 =	simm.s32 $0x100  }
0x4b: {  	[tilespmem:s24], [sflag:$0x3] =	stream.indirect.gather [hbm4b:s1+s19], $0x40, s7, s19, $0xb8;
	[tilespmem:$0x1D880] =	vst v63  }
0x4c: {  	s8 =	simm.s32 $0x180  }
0x4d: {  	[tilespmem:s26], [sflag:$0x4] =	stream.indirect.gather [hbm4b:s1+s19], $0x40, s8, s19, $0xb8;
	[tilespmem:$0x1D880] =	vst v63  }
0x4e: {  	_ =	swait.ge [sflag:s28], $0x1F40  }
0x4f: {  	[sflag:s28] =	ssyncset.done $0x0  }
0x50: {  	[sflag:s28] =	ssyncadd.s32 $0xFFFFE0C0  }
0x51: {  	[spmem:s3] =	stream.indirect.scatter.add.f32 [tilespmem:s20], [sflag:$0x6], $0x40, s18, s19, $0xb8;
	[tilespmem:$0x1D880] =	vst v63  }
0x52: {  	s25 =	simm.s32 $0x200  }
0x53: {  	[tilespmem:s30], [sflag:$0x5] =	stream.indirect.gather [hbm4b:s1+s19], $0x40, s25, s19, $0xb8;
	[tilespmem:$0x1D880] =	vst v63  }
0x54: {  	_ =	swait.ge [sflag:s31], $0x1F40  }
0x55: {  	[sflag:s31] =	ssyncset.done $0x0  }
0x56: {  	s6 =	simm.s32 $0x5080;
	[sflag:s31] =	ssyncadd.s32 $0xFFFFE0C0  }
0x57: {  	[spmem:s3] =	stream.indirect.scatter.add.f32 [tilespmem:s22], [sflag:$0x7], $0x40, s6, s19, $0xb8;
	[tilespmem:$0x1D880] =	vst v63  }
0x58: {  	_ =	swait.ge [sflag:s0], $0x1F40  }
0x59: {  	[sflag:s0] =	ssyncset.done $0x0  }
0x5a: {  	s7 =	simm.s32 $0x280;
	[sflag:s0] =	ssyncadd.s32 $0xFFFFE0C0  }
0x5b: {  	[tilespmem:s20], [sflag:$0x1] =	stream.indirect.gather [hbm4b:s1+s19], $0x40, s7, s19, $0xb8;
	[tilespmem:$0x1D880] =	vst v63  }
0x5c: {  	_ =	swait.ge [sflag:s10], $0x1F40  }
0x5d: {  	[sflag:s10] =	ssyncset.done $0x0  }
0x5e: {  	s8 =	simm.s32 $0x5100;
	[sflag:s10] =	ssyncadd.s32 $0xFFFFE0C0  }
0x5f: {  	[spmem:s3] =	stream.indirect.scatter.add.f32 [tilespmem:s24], [sflag:$0x8], $0x40, s8, s19, $0xb8;
	[tilespmem:$0x1D880] =	vst v63  }
0x60: {  	_ =	swait.ge [sflag:s21], $0x1F40  }
0x61: {  	[sflag:s21] =	ssyncset.done $0x0  }
0x62: {  	s25 =	simm.s32 $0x300;
	[sflag:s21] =	ssyncadd.s32 $0xFFFFE0C0  }
0x63: {  	[tilespmem:s22], [sflag:$0x2] =	stream.indirect.gather [hbm4b:s1+s19], $0x40, s25, s19, $0xb8;
	[tilespmem:$0x1D880] =	vst v63  }
0x64: {  	_ =	swait.ge [sflag:s23], $0x1F40  }
0x65: {  	[sflag:s23] =	ssyncset.done $0x0  }
0x66: {  	s6 =	simm.s32 $0x5180;
	[sflag:s23] =	ssyncadd.s32 $0xFFFFE0C0  }
0x67: {  	[spmem:s3] =	stream.indirect.scatter.add.f32 [tilespmem:s26], [sflag:$0x9], $0x40, s6, s19, $0xb8;
	[tilespmem:$0x1D880] =	vst v63  }
0x68: {  	_ =	swait.ge [sflag:s29], $0x1F40  }
0x69: {  	[sflag:s29] =	ssyncset.done $0x0  }
0x6a: {  	s7 =	simm.s32 $0x380;
	[sflag:s29] =	ssyncadd.s32 $0xFFFFE0C0  }
0x6b: {  	[tilespmem:s24], [sflag:$0x3] =	stream.indirect.gather [hbm4b:s1+s19], $0x40, s7, s19, $0xb8;
	[tilespmem:$0x1D880] =	vst v63  }
0x6c: {  	_ =	swait.ge [sflag:s9], $0x1F40  }
0x6d: {  	[sflag:s9] =	ssyncset.done $0x0  }
0x6e: {  	s8 =	simm.s32 $0x5200;
	[sflag:s9] =	ssyncadd.s32 $0xFFFFE0C0  }
0x6f: {  	[spmem:s3] =	stream.indirect.scatter.add.f32 [tilespmem:s30], [sflag:$0xA], $0x40, s8, s19, $0xb8;
	[tilespmem:$0x1D880] =	vst v63  }
0x70: {  	_ =	swait.ge [sflag:s12], $0x1F40  }
0x71: {  	[sflag:s12] =	ssyncset.done $0x0  }
0x72: {  	s25 =	simm.s32 $0x400;
	[sflag:s12] =	ssyncadd.s32 $0xFFFFE0C0  }
0x73: {  	[tilespmem:s26], [sflag:$0x4] =	stream.indirect.gather [hbm4b:s1+s19], $0x40, s25, s19, $0xb8;
	[tilespmem:$0x1D880] =	vst v63  }
.LBB2_7:
0x74: {  	_ =	swait.ge [sflag:s28], $0x1F40  }
0x75: {  	s25 =	sshra.s32 s11, $0x2;
	[sflag:s28] =	ssyncset.done $0x0  }
0x76: {  	s5 =	sadd.s32 $0x5280, s25;
	[sflag:s28] =	ssyncadd.s32 $0xFFFFE0C0  }
0x77: {  	[spmem:s3] =	stream.indirect.scatter.add.f32 [tilespmem:s20], [sflag:$0x6], $0x40, s5, s19, $0xb8;
	[tilespmem:$0x1D880] =	vst v63  }
0x78: {  	_ =	swait.ge [sflag:s2], $0x1F40  }
0x79: {  	[sflag:s2] =	ssyncset.done $0x0  }
0x7a: {  	s6 =	sadd.s32 $0x480, s25;
	[sflag:s2] =	ssyncadd.s32 $0xFFFFE0C0  }
0x7b: {  	[tilespmem:s30], [sflag:$0x5] =	stream.indirect.gather [hbm4b:s1+s19], $0x40, s6, s19, $0xb8;
	[tilespmem:$0x1D880] =	vst v63  }
0x7c: {  	_ =	swait.ge [sflag:s31], $0x1F40  }
0x7d: {  	[sflag:s31] =	ssyncset.done $0x0  }
0x7e: {  	s7 =	sadd.s32 $0x5300, s25;
	[sflag:s31] =	ssyncadd.s32 $0xFFFFE0C0  }
0x7f: {  	[spmem:s3] =	stream.indirect.scatter.add.f32 [tilespmem:s22], [sflag:$0x7], $0x40, s7, s19, $0xb8;
	[tilespmem:$0x1D880] =	vst v63  }
0x80: {  	_ =	swait.ge [sflag:s0], $0x1F40  }
0x81: {  	p2 =	seq.s32 s11, $0x8C00;
	[sflag:s0] =	ssyncset.done $0x0  }
0x82: {  	s5 =	simm.s32 @p2 $0x3;
	[sflag:s0] =	ssyncadd.s32 $0xFFFFE0C0  }
0x83: {  	_ =	swait.ge @p2 [sflag:s5], $0x1F40  }
0x84: {  	[sflag:s5] =	ssyncset.done @p2 $0x0  }
0x85: {  	[sflag:s5] =	ssyncadd.s32 @p2 $0xFFFFE0C0;
	s5 =	sshra.s32 @p2 s11, $0x2  }
0x86: {  	s6 =	simm.s32 @p2 $0x7D;
	s7 =	simm.s32 @p2 $0xDE80;
	s5 =	sadd.s32 @p2 $0x5380, s5  }
0x87: {  	[spmem:s3] =	stream.indirect.scatter.add.f32 @p2 [tilespmem:s7], [sflag:$0x8], $0x40, s5, s6, $0xb8;
	[tilespmem:$0x1D880] =	vst v63  }
0x88: {  	s5 =	simm.s32 @p2 $0x7  }
0x89: {  	_ =	swait.ge @p2 [sflag:s5], $0x1F40  }
0x8a: {  	[sflag:s5] =	ssyncset.done @p2 $0x0  }
0x8b: {  	[sflag:s5] =	ssyncadd.s32 @p2 $0xFFFFE0C0;
	s5 =	sshra.s32 @!p2 s11, $0x2  }
0x8c: {  	s8 =	simm.s32 @!p2 $0xA000;
	s7 =	simm.s32 @!p2 $0x7D;
	s6 =	sadd.s32 @!p2 $0x500, s5  }
0x8d: {  	[tilespmem:s8], [sflag:$0x1] =	stream.indirect.gather @!p2 [hbm4b:s1+s7], $0x40, s6, s7, $0xb8;
	[tilespmem:$0x1D880] =	vst v63  }
0x8e: {  	s6 =	simm.s32 @!p2 $0x3  }
0x8f: {  	_ =	swait.ge @!p2 [sflag:s6], $0x1F40  }
0x90: {  	[sflag:s6] =	ssyncset.done @!p2 $0x0  }
0x91: {  	s8 =	simm.s32 @!p2 $0xDE80;
	[sflag:s6] =	ssyncadd.s32 @!p2 $0xFFFFE0C0;
	s6 =	sadd.s32 @!p2 $0x5380, s5  }
0x92: {  	[spmem:s3] =	stream.indirect.scatter.add.f32 @!p2 [tilespmem:s8], [sflag:$0x8], $0x40, s6, s7, $0xb8;
	[tilespmem:$0x1D880] =	vst v63  }
0x93: {  	s6 =	simm.s32 @!p2 $0x7  }
0x94: {  	_ =	swait.ge @!p2 [sflag:s6], $0x1F40  }
0x95: {  	[sflag:s6] =	ssyncset.done @!p2 $0x0  }
0x96: {  	s5 =	sadd.s32 @!p2 $0x580, s5;
	[sflag:s6] =	ssyncadd.s32 @!p2 $0xFFFFE0C0;
	s6 =	simm.s32 @!p2 $0xBF40  }
0x97: {  	[tilespmem:s6], [sflag:$0x2] =	stream.indirect.gather @!p2 [hbm4b:s1+s7], $0x40, s5, s7, $0xb8;
	[tilespmem:$0x1D880] =	vst v63  }
0x98: {  	_ =	swait.ge [sflag:s23], $0x1F40  }
0x99: {  	[sflag:s23] =	ssyncset.done $0x0  }
.Ltmp3:
0x9a: {  	s8 =	sadd.s32 $0x5400, s25;
	[sflag:s23] =	ssyncadd.s32 $0xFFFFE0C0;
	(pc) =	sbr.rel @p2 .LBB2_9-.Ltmp3, $4  }
0x9b: {  	[spmem:s3] =	stream.indirect.scatter.add.f32 [tilespmem:s26], [sflag:$0x9], $0x40, s8, s19, $0xb8;
	[tilespmem:$0x1D880] =	vst v63  }
0x9c: {  	_ =	swait.ge [sflag:s29], $0x1F40  }
0x9d: {  	[sflag:s29] =	ssyncset.done $0x0  }
0x9e: {  	s5 =	sadd.s32 $0x5480, s25;
	[sflag:s29] =	ssyncadd.s32 $0xFFFFE0C0  }
0x9f: {  	s6 =	sadd.s32 $0x600, s25  }
0xa0: {  	[tilespmem:s24], [sflag:$0x3] =	stream.indirect.gather [hbm4b:s1+s19], $0x40, s6, s19, $0xb8;
	[tilespmem:$0x1D880] =	vst v63  }
0xa1: {  	_ =	swait.ge [sflag:s9], $0x1F40  }
0xa2: {  	[sflag:s9] =	ssyncset.done $0x0  }
0xa3: {  	[sflag:s9] =	ssyncadd.s32 $0xFFFFE0C0  }
0xa4: {  	[spmem:s3] =	stream.indirect.scatter.add.f32 [tilespmem:s30], [sflag:$0xA], $0x40, s5, s19, $0xb8;
	[tilespmem:$0x1D880] =	vst v63  }
.Ltmp4:
0xa5: {  	_ = 	snop;
	(pc) =	sbr.rel .LBB2_7-.Ltmp4, $4  }
0xa6: {  	_ =	swait.ge [sflag:s12], $0x1F40  }
0xa7: {  	[sflag:s12] =	ssyncset.done $0x0  }
0xa8: {  	s25 =	sadd.s32 $0x680, s25;
	s11 =	sadd.s32 $0xA00, s11;
	[sflag:s12] =	ssyncadd.s32 $0xFFFFE0C0  }
0xa9: {  	[tilespmem:s26], [sflag:$0x4] =	stream.indirect.gather [hbm4b:s1+s19], $0x40, s25, s19, $0xb8;
	[tilespmem:$0x1D880] =	vst v63  }
.LBB2_2:
0xaa: {  	s5 =	simm.s32 @p1 $0x1FCB;
	s6 =	rddreg [dreg:$0x5]  }
0xab: {  	[spmem:s14], [sflag:s5] =	dma.local @p1 [hbm:s6], $0x1400  }
0xac: {  	s5 =	simm.s32 @p1 $0xB  }
0xad: {  	_ =	swait.ge @p1 [sflag:s5], $0x1400  }
0xae: {  	[sflag:s5] =	ssyncset.done @p1 $0x0  }
0xaf: {  	[sflag:s5] =	ssyncadd.s32 @p1 $0xFFFFEC00;
	s5 =	rddreg [dreg:$0x4]  }
0xb0: {  	[spmem:s16], [sflag:s15] =	dma.local @!p1 [hbm:s5], $0x1380  }
0xb1: {  	s5 =	simm.s32 @!p1 $0xB  }
0xb2: {  	_ =	swait.ge @!p1 [sflag:s5], $0x1380  }
0xb3: {  	[sflag:s5] =	ssyncset.done @!p1 $0x0  }
0xb4: {  	s11 =	simm.s32 $0x0;
	s8 =	rddreg [dreg:$0x6];
	[sflag:s5] =	ssyncadd.s32 @!p1 $0xFFFFEC80  }
0xb5: {  	[tilespmem:s11], [sflag:$0xB] =	stream.linear.gather [hbm4b:s8+s11], $0x2800, $0x38;
	[tilespmem:$0x1D880] =	vst v63  }
0xb6: {  	_ =	swait.ge [sflag:s17], $0x2800  }
0xb7: {  	[sflag:s17] =	ssyncset.done $0x0  }
0xb8: {  	s25 =	rddreg [dreg:$0x7];
	[sflag:s17] =	ssyncadd.s32 $0xFFFFD800  }
0xb9: {  	[tilespmem:s18], [sflag:$0xB] =	stream.linear.gather [hbm4b:s25+s11], $0x2800, $0x38;
	[tilespmem:$0x1D880] =	vst v63  }
0xba: {  	_ =	swait.ge [sflag:s17], $0x2800  }
0xbb: {  	[sflag:s17] =	ssyncset.done $0x0  }
0xbc: {  	[sflag:s17] =	ssyncadd.s32 $0xFFFFD800  }
0xbd: {  	[bflag:$0x0] =	sbarrier.arrive $0xFFFF  }
0xbe: {  	[tilespmem:s20], [sflag:$0x1] =	stream.indirect.gather [hbm4b:s1+s19], $0x40, s11, s19, $0xb8;
	[tilespmem:$0x1D880] =	vst v63  }
0xbf: {  	s6 =	simm.s32 $0x80  }
0xc0: {  	[tilespmem:s22], [sflag:$0x2] =	stream.indirect.gather [hbm4b:s1+s19], $0x40, s6, s19, $0xb8;
	[tilespmem:$0x1D880] =	vst v63  }
0xc1: {  	s7 =	simm.s32 $0x100  }
0xc2: {  	[tilespmem:s24], [sflag:$0x3] =	stream.indirect.gather [hbm4b:s1+s19], $0x40, s7, s19, $0xb8;
	[tilespmem:$0x1D880] =	vst v63  }
0xc3: {  	s8 =	simm.s32 $0x180  }
0xc4: {  	[tilespmem:s26], [sflag:$0x4] =	stream.indirect.gather [hbm4b:s1+s19], $0x40, s8, s19, $0xb8;
	[tilespmem:$0x1D880] =	vst v63  }
0xc5: {  	_ =	swait.ge [sflag:s28], $0x1F40  }
0xc6: {  	[sflag:s28] =	ssyncset.done $0x0  }
0xc7: {  	[sflag:s28] =	ssyncadd.s32 $0xFFFFE0C0  }
0xc8: {  	[spmem:s3] =	stream.indirect.scatter.add.f32 [tilespmem:s20], [sflag:$0x6], $0x40, s18, s19, $0xb8;
	[tilespmem:$0x1D880] =	vst v63  }
0xc9: {  	s25 =	simm.s32 $0x200  }
0xca: {  	[tilespmem:s30], [sflag:$0x5] =	stream.indirect.gather [hbm4b:s1+s19], $0x40, s25, s19, $0xb8;
	[tilespmem:$0x1D880] =	vst v63  }
0xcb: {  	_ =	swait.ge [sflag:s31], $0x1F40  }
0xcc: {  	[sflag:s31] =	ssyncset.done $0x0  }
0xcd: {  	s6 =	simm.s32 $0x5080;
	[sflag:s31] =	ssyncadd.s32 $0xFFFFE0C0  }
0xce: {  	[spmem:s3] =	stream.indirect.scatter.add.f32 [tilespmem:s22], [sflag:$0x7], $0x40, s6, s19, $0xb8;
	[tilespmem:$0x1D880] =	vst v63  }
0xcf: {  	_ =	swait.ge [sflag:s0], $0x1F40  }
0xd0: {  	[sflag:s0] =	ssyncset.done $0x0  }
0xd1: {  	s7 =	simm.s32 $0x280;
	[sflag:s0] =	ssyncadd.s32 $0xFFFFE0C0  }
0xd2: {  	[tilespmem:s20], [sflag:$0x1] =	stream.indirect.gather [hbm4b:s1+s19], $0x40, s7, s19, $0xb8;
	[tilespmem:$0x1D880] =	vst v63  }
0xd3: {  	_ =	swait.ge [sflag:s10], $0x1F40  }
0xd4: {  	[sflag:s10] =	ssyncset.done $0x0  }
0xd5: {  	s8 =	simm.s32 $0x5100;
	[sflag:s10] =	ssyncadd.s32 $0xFFFFE0C0  }
0xd6: {  	[spmem:s3] =	stream.indirect.scatter.add.f32 [tilespmem:s24], [sflag:$0x8], $0x40, s8, s19, $0xb8;
	[tilespmem:$0x1D880] =	vst v63  }
0xd7: {  	_ =	swait.ge [sflag:s21], $0x1F40  }
0xd8: {  	[sflag:s21] =	ssyncset.done $0x0  }
0xd9: {  	s25 =	simm.s32 $0x300;
	[sflag:s21] =	ssyncadd.s32 $0xFFFFE0C0  }
0xda: {  	[tilespmem:s22], [sflag:$0x2] =	stream.indirect.gather [hbm4b:s1+s19], $0x40, s25, s19, $0xb8;
	[tilespmem:$0x1D880] =	vst v63  }
0xdb: {  	_ =	swait.ge [sflag:s23], $0x1F40  }
0xdc: {  	[sflag:s23] =	ssyncset.done $0x0  }
0xdd: {  	s6 =	simm.s32 $0x5180;
	[sflag:s23] =	ssyncadd.s32 $0xFFFFE0C0  }
0xde: {  	[spmem:s3] =	stream.indirect.scatter.add.f32 [tilespmem:s26], [sflag:$0x9], $0x40, s6, s19, $0xb8;
	[tilespmem:$0x1D880] =	vst v63  }
0xdf: {  	_ =	swait.ge [sflag:s29], $0x1F40  }
0xe0: {  	[sflag:s29] =	ssyncset.done $0x0  }
0xe1: {  	s7 =	simm.s32 $0x380;
	[sflag:s29] =	ssyncadd.s32 $0xFFFFE0C0  }
0xe2: {  	[tilespmem:s24], [sflag:$0x3] =	stream.indirect.gather [hbm4b:s1+s19], $0x40, s7, s19, $0xb8;
	[tilespmem:$0x1D880] =	vst v63  }
0xe3: {  	_ =	swait.ge [sflag:s9], $0x1F40  }
0xe4: {  	[sflag:s9] =	ssyncset.done $0x0  }
0xe5: {  	s8 =	simm.s32 $0x5200;
	[sflag:s9] =	ssyncadd.s32 $0xFFFFE0C0  }
0xe6: {  	[spmem:s3] =	stream.indirect.scatter.add.f32 [tilespmem:s30], [sflag:$0xA], $0x40, s8, s19, $0xb8;
	[tilespmem:$0x1D880] =	vst v63  }
0xe7: {  	_ =	swait.ge [sflag:s12], $0x1F40  }
0xe8: {  	[sflag:s12] =	ssyncset.done $0x0  }
0xe9: {  	s25 =	simm.s32 $0x400;
	[sflag:s12] =	ssyncadd.s32 $0xFFFFE0C0  }
0xea: {  	[tilespmem:s26], [sflag:$0x4] =	stream.indirect.gather [hbm4b:s1+s19], $0x40, s25, s19, $0xb8;
	[tilespmem:$0x1D880] =	vst v63  }
.LBB2_3:
0xeb: {  	_ =	swait.ge [sflag:s28], $0x1F40  }
0xec: {  	s25 =	sshra.s32 s11, $0x2;
	[sflag:s28] =	ssyncset.done $0x0  }
0xed: {  	s5 =	sadd.s32 $0x5280, s25;
	[sflag:s28] =	ssyncadd.s32 $0xFFFFE0C0  }
0xee: {  	[spmem:s3] =	stream.indirect.scatter.add.f32 [tilespmem:s20], [sflag:$0x6], $0x40, s5, s19, $0xb8;
	[tilespmem:$0x1D880] =	vst v63  }
0xef: {  	_ =	swait.ge [sflag:s2], $0x1F40  }
0xf0: {  	[sflag:s2] =	ssyncset.done $0x0  }
0xf1: {  	s6 =	sadd.s32 $0x480, s25;
	[sflag:s2] =	ssyncadd.s32 $0xFFFFE0C0  }
0xf2: {  	[tilespmem:s30], [sflag:$0x5] =	stream.indirect.gather [hbm4b:s1+s19], $0x40, s6, s19, $0xb8;
	[tilespmem:$0x1D880] =	vst v63  }
0xf3: {  	_ =	swait.ge [sflag:s31], $0x1F40  }
0xf4: {  	[sflag:s31] =	ssyncset.done $0x0  }
0xf5: {  	s7 =	sadd.s32 $0x5300, s25;
	[sflag:s31] =	ssyncadd.s32 $0xFFFFE0C0  }
0xf6: {  	[spmem:s3] =	stream.indirect.scatter.add.f32 [tilespmem:s22], [sflag:$0x7], $0x40, s7, s19, $0xb8;
	[tilespmem:$0x1D880] =	vst v63  }
0xf7: {  	_ =	swait.ge [sflag:s0], $0x1F40  }
0xf8: {  	p2 =	seq.s32 s11, $0x8C00;
	[sflag:s0] =	ssyncset.done $0x0  }
0xf9: {  	s5 =	simm.s32 @p2 $0x3;
	[sflag:s0] =	ssyncadd.s32 $0xFFFFE0C0  }
0xfa: {  	_ =	swait.ge @p2 [sflag:s5], $0x1F40  }
0xfb: {  	[sflag:s5] =	ssyncset.done @p2 $0x0  }
0xfc: {  	[sflag:s5] =	ssyncadd.s32 @p2 $0xFFFFE0C0;
	s5 =	sshra.s32 @p2 s11, $0x2  }
0xfd: {  	s6 =	simm.s32 @p2 $0x7D;
	s7 =	simm.s32 @p2 $0xDE80;
	s5 =	sadd.s32 @p2 $0x5380, s5  }
0xfe: {  	[spmem:s3] =	stream.indirect.scatter.add.f32 @p2 [tilespmem:s7], [sflag:$0x8], $0x40, s5, s6, $0xb8;
	[tilespmem:$0x1D880] =	vst v63  }
0xff: {  	s5 =	simm.s32 @p2 $0x7  }
0x100: {  	_ =	swait.ge @p2 [sflag:s5], $0x1F40  }
0x101: {  	[sflag:s5] =	ssyncset.done @p2 $0x0  }
0x102: {  	[sflag:s5] =	ssyncadd.s32 @p2 $0xFFFFE0C0;
	s5 =	sshra.s32 @!p2 s11, $0x2  }
0x103: {  	s8 =	simm.s32 @!p2 $0xA000;
	s7 =	simm.s32 @!p2 $0x7D;
	s6 =	sadd.s32 @!p2 $0x500, s5  }
0x104: {  	[tilespmem:s8], [sflag:$0x1] =	stream.indirect.gather @!p2 [hbm4b:s1+s7], $0x40, s6, s7, $0xb8;
	[tilespmem:$0x1D880] =	vst v63  }
0x105: {  	s6 =	simm.s32 @!p2 $0x3  }
0x106: {  	_ =	swait.ge @!p2 [sflag:s6], $0x1F40  }
0x107: {  	[sflag:s6] =	ssyncset.done @!p2 $0x0  }
0x108: {  	s8 =	simm.s32 @!p2 $0xDE80;
	[sflag:s6] =	ssyncadd.s32 @!p2 $0xFFFFE0C0;
	s6 =	sadd.s32 @!p2 $0x5380, s5  }
0x109: {  	[spmem:s3] =	stream.indirect.scatter.add.f32 @!p2 [tilespmem:s8], [sflag:$0x8], $0x40, s6, s7, $0xb8;
	[tilespmem:$0x1D880] =	vst v63  }
0x10a: {  	s6 =	simm.s32 @!p2 $0x7  }
0x10b: {  	_ =	swait.ge @!p2 [sflag:s6], $0x1F40  }
0x10c: {  	[sflag:s6] =	ssyncset.done @!p2 $0x0  }
0x10d: {  	s5 =	sadd.s32 @!p2 $0x580, s5;
	[sflag:s6] =	ssyncadd.s32 @!p2 $0xFFFFE0C0;
	s6 =	simm.s32 @!p2 $0xBF40  }
0x10e: {  	[tilespmem:s6], [sflag:$0x2] =	stream.indirect.gather @!p2 [hbm4b:s1+s7], $0x40, s5, s7, $0xb8;
	[tilespmem:$0x1D880] =	vst v63  }
0x10f: {  	_ =	swait.ge [sflag:s23], $0x1F40  }
0x110: {  	[sflag:s23] =	ssyncset.done $0x0  }
.Ltmp5:
0x111: {  	s8 =	sadd.s32 $0x5400, s25;
	[sflag:s23] =	ssyncadd.s32 $0xFFFFE0C0;
	(pc) =	sbr.rel @p2 .LBB2_5-.Ltmp5, $4  }
0x112: {  	[spmem:s3] =	stream.indirect.scatter.add.f32 [tilespmem:s26], [sflag:$0x9], $0x40, s8, s19, $0xb8;
	[tilespmem:$0x1D880] =	vst v63  }
0x113: {  	_ =	swait.ge [sflag:s29], $0x1F40  }
0x114: {  	[sflag:s29] =	ssyncset.done $0x0  }
0x115: {  	s5 =	sadd.s32 $0x5480, s25;
	[sflag:s29] =	ssyncadd.s32 $0xFFFFE0C0  }
0x116: {  	s6 =	sadd.s32 $0x600, s25  }
0x117: {  	[tilespmem:s24], [sflag:$0x3] =	stream.indirect.gather [hbm4b:s1+s19], $0x40, s6, s19, $0xb8;
	[tilespmem:$0x1D880] =	vst v63  }
0x118: {  	_ =	swait.ge [sflag:s9], $0x1F40  }
0x119: {  	[sflag:s9] =	ssyncset.done $0x0  }
0x11a: {  	[sflag:s9] =	ssyncadd.s32 $0xFFFFE0C0  }
0x11b: {  	[spmem:s3] =	stream.indirect.scatter.add.f32 [tilespmem:s30], [sflag:$0xA], $0x40, s5, s19, $0xb8;
	[tilespmem:$0x1D880] =	vst v63  }
.Ltmp6:
0x11c: {  	_ = 	snop;
	(pc) =	sbr.rel .LBB2_3-.Ltmp6, $4  }
0x11d: {  	_ =	swait.ge [sflag:s12], $0x1F40  }
0x11e: {  	[sflag:s12] =	ssyncset.done $0x0  }
0x11f: {  	s25 =	sadd.s32 $0x680, s25;
	s11 =	sadd.s32 $0xA00, s11;
	[sflag:s12] =	ssyncadd.s32 $0xFFFFE0C0  }
0x120: {  	[tilespmem:s26], [sflag:$0x4] =	stream.indirect.gather [hbm4b:s1+s19], $0x40, s25, s19, $0xb8;
	[tilespmem:$0x1D880] =	vst v63  }
.LBB2_5:
0x121: {  	_ =	swait.ge [sflag:s9], $0x1F40  }
0x122: {  	[sflag:s9] =	ssyncset.done $0x0  }
0x123: {  	[sflag:s9] =	ssyncadd.s32 $0xFFFFE0C0  }
0x124: {  	[spmem:s3] =	stream.indirect.scatter.add.f32 [tilespmem:s30], [sflag:$0xA], $0x40, s5, s19, $0xb8;
	[tilespmem:$0x1D880] =	vst v63  }
0x125: {  	_ =	swait.ge [sflag:s12], $0x1F40  }
0x126: {  	[sflag:s12] =	ssyncset.done $0x0  }
0x127: {  	[sflag:s12] =	ssyncadd.s32 $0xFFFFE0C0  }
0x128: {  	_ =	swait.ge [sflag:s2], $0x1F40  }
0x129: {  	[sflag:s2] =	ssyncset.done $0x0  }
0x12a: {  	[sflag:s2] =	ssyncadd.s32 $0xFFFFE0C0  }
0x12b: {  	[bflag:$0x0] =	sbarrier.arrive $0xFFFF  }
0x12c: {  	s5 =	simm.s32 @p1 $0x1FCB;
	s6 =	rddreg [dreg:$0x9]  }
0x12d: {  	[hbm:s6], [sflag:s5] =	dma.local @p1 [spmem:s14], $0x1400  }
0x12e: {  	s5 =	simm.s32 @p1 $0xB  }
0x12f: {  	_ =	swait.ge @p1 [sflag:s5], $0x1400  }
0x130: {  	[sflag:s5] =	ssyncset.done @p1 $0x0  }
0x131: {  	[sflag:s5] =	ssyncadd.s32 @p1 $0xFFFFEC00;
	s5 =	rddreg [dreg:$0x8]  }
0x132: {  	[hbm:s5], [sflag:s15] =	dma.local @!p1 [spmem:s16], $0x1380  }
.Ltmp7:
0x133: {  	_ = 	snop;
	(pc) =	sbr.rel .LBB2_10-.Ltmp7, $4  }
0x134: {  	s5 =	simm.s32 @!p1 $0xB  }
0x135: {  	_ =	swait.ge @!p1 [sflag:s5], $0x1380  }
0x136: {  	[sflag:s5] =	ssyncset.done @!p1 $0x0  }
0x137: {  	[sflag:s5] =	ssyncadd.s32 @!p1 $0xFFFFEC80  }
.LBB2_11:
0x138: {  	_ =	sfence.sel $0x180000  }
0x139: {  	[bflag:$0x0] =	sbarrier.arrive $0xFFFF  }
0x13a: {  	_ =	strace $0x9000004A  }
0x13b: {  	s0 =	stileid.u32;
	[bflag:$0x2] =	sbarrier.arrive $0xFFFF  }
0x13c: {  	p0 =	sne.s32 s0, $0x0;
	s0 =	rddreg [dreg:$0x3]  }
0x13d: {  	s0 =	sadd.s32 @!p0 $0x100000, s0  }
0x13e: {  	[sflag:s0] =	ssyncadd.tile.s32 @!p0 $0x1;
	_ =	shalt  }
.Lfunc_end2:
_tile_overlayer_lowered:
.L_overlay_start_2:
0x13f: {  	(tag) =	ssettag $0x2  }
0x140: {  	s0 =	rddreg [dreg:$0x0];
	s2 =	stileid.u32  }
0x141: {  	s1 =	rddreg [dreg:$0x1];
	p0 =	sne.s32 s2, $0x0  }
0x142: {  	s3 =	rddreg [dreg:$0x2];
	[bflag:$0x3] =	sbarrier.arrive $0xFFFF;
	s2 =	simm.s32 @!p0 $0x1C0B  }
0x143: {  	[timem:s3], [sflag:s2] =	dma.local @!p0 [hbm:s0], s1  }
0x144: {  	s0 =	simm.s32 @!p0 $0xB  }
0x145: {  	_ =	swait.ge @!p0 [sflag:s0], s1  }
0x146: {  	s1 =	ssub.s32 @!p0 $0x0, s1;
	[sflag:s0] =	ssyncset.done @!p0 $0x0  }
0x147: {  	[sflag:s0] =	ssyncadd.s32 @!p0 s1  }
0x148: {  	[bflag:$0x3] =	sbarrier.arrive $0xFFFF  }
0x149: {  	_ =	shalt  }

// kernel: kernel.7.cloned.1.call-start
scs
__scs_entry_jumppad:
0x0: {  	(pc) =	sbr.rel $0x88, $3  }
0x1: {  	(tag) =	ssettag $0x0;
	lr =	simm.s32 $0x1  }
0x2: {  	[smem:$0x3F95] =	sst lr;
	_ =	strace $0xD0000000  }
0x3: {  	_ = 	snop  }
0x4: {  	_ = 	snop  }
0x5: {  	_ = 	snop  }
0x6: {  	_ = 	snop  }
0x7: {  	_ = 	snop  }
__scs_overlays_trampoline_lowered:
0x8: {  	[smem:$0x3FA4] =	sst s0  }
0x9: {  	[smem:$0x3FA5] =	sst s1  }
0xa: {  	[smem:$0x3FA6] =	sst s2  }
0xb: {  	[smem:$0x3FA7] =	sst s3  }
0xc: {  	[smem:$0x3FA8] =	sst s4  }
0xd: {  	[smem:$0x3FA9] =	sst s5  }
0xe: {  	[smem:$0x3FAA] =	sst s6  }
0xf: {  	[smem:$0x3FAB] =	sst s7  }
0x10: {  	[smem:$0x3FAC] =	sst s8  }
0x11: {  	[smem:$0x3FAD] =	sst s9;
	s0 =	simm.s32 @!p0 $0x0  }
0x12: {  	s1 =	sld [smem:$0x3F93];
	s0 =	simm.s32 @p0 $0x1  }
0x13: {  	[smem:$0x3FAE] =	sst s0;
	s0 =	simm.s32 @!p1 $0x0  }
0x14: {  	s2 =	sld [smem:$0x3F92];
	s0 =	simm.s32 @p1 $0x1  }
0x15: {  	[smem:$0x3FAF] =	sst s0;
	s0 =	simm.s32 @!p2 $0x0  }
0x16: {  	s3 =	sld [smem:$0x3FDB];
	s0 =	simm.s32 @p2 $0x1  }
0x17: {  	s4 =	simm.s32 $0x1BF5;
	[smem:$0x3FB1] =	sst s0  }
0x18: {  	s0 =	sld [smem:$0x3F94];
	_ =	swait.ge [sflag:s4], $0x0  }
0x19: {  	s7 =	sld [smem:$0x3F95]  }
0x1a: {  	s8 =	sadd.s32 $0xFFFFE003, lr  }
0x1b: {  	s9 =	sadd.s32 $0xFFFFFEF7, lr;
	s5 =	simm.s32 $0xFFFFFFFF;
	p2 =	slt.u32 s8, $0xFFFFF086  }
0x1c: {  	p1 =	slt.u32 s9, $0xF7A;
	s5 =	simm.s32 @!p2 $0x0  }
0x1d: {  	s5 =	simm.s32 @p1 $0x1;
	p0 =	seq.s32 s7, s2  }
0x1e: {  	s7 =	smul.u32 @!p0 $0xF7A, s2;
	p2 =	seq.s32 @!p0 s5, $0x0  }
0x1f: {  	s9 =	smul.u32 $0xF7A, s1;
	s8 =	simm.s32 @!p0 $0x1BF5;
	p2 =	por !p2, p0  }
0x20: {  	[sflag:s8] =	ssyncset.s32 @!p0 $0xFFFFF086;
	s6 =	sadd.s32 @!p0 s3, s7;
	s7 =	simm.s32 @!p0 $0x108  }
0x21: {  	s3 =	sadd.s32 s3, s9;
	s6 =	sadd.s32 @!p0 $0x88, s6;
	s7 =	simm.s32 @p2 $0x1082  }
0x22: {  	[simem:s7], [sflag:s8] =	dma.local @!p0 [hbm:s6], $0xF7A  }
0x23: {  	s9 =	sor.u32 $0xD0000000, s2;
	s6 =	simm.s32 $0x108;
	_ =	swait.ge @!p0 [sflag:s8], $0x0  }
0x24: {  	s3 =	sadd.s32 $0x88, s3;
	s6 =	simm.s32 @!p1 $0x1082;
	[sflag:s4] =	ssyncset.s32 $0xFFFFF086  }
0x25: {  	[simem:s6], [sflag:s4] =	dma.local [hbm:s3], $0xF7A  }
0x26: {  	[smem:$0x3F95] =	sst s1;
	(tag) =	ssettag s2;
	_ =	strace s9  }
0x27: {  	s1 =	sld [smem:$0x3FA5]  }
0x28: {  	s2 =	sld [smem:$0x3FA6]  }
0x29: {  	s4 =	sld [smem:$0x3FA8]  }
0x2a: {  	p0 =	seq.s32 s5, $0x0;
	s5 =	sld [smem:$0x3FA9]  }
0x2b: {  	s6 =	sld [smem:$0x3FAA]  }
0x2c: {  	s7 =	sld [smem:$0x3FAB]  }
0x2d: {  	s3 =	simm.s32 $0x108;
	s8 =	sld [smem:$0x3FAC]  }
0x2e: {  	s3 =	simm.s32 @!p0 $0x1082;
	s9 =	sld [smem:$0x3FAD]  }
0x2f: {  	lr =	sadd.s32 s0, s3;
	s0 =	sld [smem:$0x3FA4]  }
0x30: {  	s3 =	sld [smem:$0x3FA7]  }
0x31: {  	[smem:$0x3FB0] =	sst s10  }
0x32: {  	s10 =	sld [smem:$0x3FAE];
	_ =	sdelay $0x3  }
0x33: {  	p0 =	seq.s32 s10, $0x1;
	s10 =	sld [smem:$0x3FB0];
	_ =	sdelay $0x3  }
0x34: {  	[smem:$0x3FB0] =	sst s10  }
0x35: {  	s10 =	sld [smem:$0x3FAF];
	_ =	sdelay $0x3  }
0x36: {  	p1 =	seq.s32 s10, $0x1;
	s10 =	sld [smem:$0x3FB0];
	_ =	sdelay $0x3  }
0x37: {  	[smem:$0x3FB0] =	sst s10  }
0x38: {  	s10 =	sld [smem:$0x3FB1]  }
0x39: {  	_ = 	snop;
	(pc) =	sbr.ind lr, $3  }
0x3a: {  	_ = 	snop  }
0x3b: {  	_ = 	snop  }
0x3c: {  	p2 =	seq.s32 s10, $0x1;
	s10 =	sld [smem:$0x3FB0]  }
0x3d: {  	_ =	shalt  }
0x3e: {  	_ =	shalt  }
0x3f: {  	_ =	shalt  }
0x40: {  	_ =	shalt  }
0x41: {  	_ =	shalt  }
0x42: {  	_ =	shalt  }
0x43: {  	_ =	shalt  }
0x44: {  	_ =	shalt  }
0x45: {  	_ =	shalt  }
0x46: {  	_ =	shalt  }
0x47: {  	_ =	shalt  }
0x48: {  	_ =	shalt  }
0x49: {  	_ =	shalt  }
0x4a: {  	_ =	shalt  }
0x4b: {  	_ =	shalt  }
0x4c: {  	_ =	shalt  }
0x4d: {  	_ =	shalt  }
0x4e: {  	_ =	shalt  }
0x4f: {  	_ =	shalt  }
0x50: {  	_ =	shalt  }
0x51: {  	_ =	shalt  }
0x52: {  	_ =	shalt  }
0x53: {  	_ =	shalt  }
0x54: {  	_ =	shalt  }
0x55: {  	_ =	shalt  }
0x56: {  	_ =	shalt  }
0x57: {  	_ =	shalt  }
0x58: {  	_ =	shalt  }
0x59: {  	_ =	shalt  }
0x5a: {  	_ =	shalt  }
0x5b: {  	_ =	shalt  }
0x5c: {  	_ =	shalt  }
0x5d: {  	_ =	shalt  }
0x5e: {  	_ =	shalt  }
0x5f: {  	_ =	shalt  }
0x60: {  	_ =	shalt  }
0x61: {  	_ =	shalt  }
0x62: {  	_ =	shalt  }
0x63: {  	_ =	shalt  }
0x64: {  	_ =	shalt  }
0x65: {  	_ =	shalt  }
0x66: {  	_ =	shalt  }
0x67: {  	_ =	shalt  }
0x68: {  	_ =	shalt  }
0x69: {  	_ =	shalt  }
0x6a: {  	_ =	shalt  }
0x6b: {  	_ =	shalt  }
0x6c: {  	_ =	shalt  }
0x6d: {  	_ =	shalt  }
0x6e: {  	_ =	shalt  }
0x6f: {  	_ =	shalt  }
0x70: {  	_ =	shalt  }
0x71: {  	_ =	shalt  }
0x72: {  	_ =	shalt  }
0x73: {  	_ =	shalt  }
0x74: {  	_ =	shalt  }
0x75: {  	_ =	shalt  }
0x76: {  	_ =	shalt  }
0x77: {  	_ =	shalt  }
0x78: {  	_ =	shalt  }
0x79: {  	_ =	shalt  }
0x7a: {  	_ =	shalt  }
0x7b: {  	_ =	shalt  }
0x7c: {  	_ =	shalt  }
0x7d: {  	_ =	shalt  }
0x7e: {  	_ =	shalt  }
0x7f: {  	_ =	shalt  }
0x80: {  	_ =	shalt  }
0x81: {  	_ =	shalt  }
0x82: {  	_ =	shalt  }
0x83: {  	_ =	shalt  }
0x84: {  	_ =	shalt  }
0x85: {  	_ =	shalt  }
0x86: {  	_ =	shalt  }
0x87: {  	_ =	shalt  }
.Lfunc_end0:
.L_simem_size_0:
called_computation_lowered:
.L_overlay_start_0:
0x88: {  	s2 =	sld [smem:$0x3FD9]  }
0x89: {  	s3 =	sld [smem:$0x3FFE];
	_ =	sdelay $0x1  }
0x8a: {  	s1 =	srdreg.scid  }
0x8b: {  	s0 =	sand.u32 $0x1, s1  }
0x8c: {  	s17 =	sshll.u32 s0, $0xA;
	s2 =	sadd.s32 s3, s2  }
0x8d: {  	s2 =	sadd.s32 s2, s17  }
0x8e: {  	[smem:$0x3FBC] =	sst s2  }
0x8f: {  	_ = 	snop  }
0x90: {  	s2 =	sld [smem:$0x3FD0];
	(tm) =	ssettm $0x1  }
0x91: {  	s18 =	sld [smem:$0x3FFB];
	_ =	sdelay $0x3  }
0x92: {  	_ =	strace s18  }
0x93: {  	s3 =	sld [smem:$0x3FFC];
	_ =	sdelay $0x3  }
0x94: {  	_ =	strace s3  }
0x95: {  	s3 =	sld [smem:$0x3FFD];
	_ =	sdelay $0x3  }
0x96: {  	_ =	strace s3  }
0x97: {  	_ =	strace $0x8FFFFFFF  }
0x98: {  	s19 =	sld [smem:$0x3FDB];
	_ =	sdelay $0x1  }
0x99: {  	s4 =	simm.s32 $_scs_section_size  }
0x9a: {  	s5 =	simm.s32 $_size__tile_overlayer_lowered;
	s6 =	simm.s32 $_tile_overlayer_lowered  }
0x9b: {  	s22 =	simm.s32 $0x1BFF;
	s21 =	sshll.u32 s6, $0x1;
	s3 =	sadd.s32 s4, s19  }
0x9c: {  	s7 =	simm.s32 $0x0;
	s20 =	sshll.u32 s5, $0x1;
	s5 =	sadd.s32 s21, s3  }
0x9d: {  	[timem:s7], [sflag:s22] =	dma.local [hbm:s5], s20  }
0x9e: {  	_ =	swait.ge [sflag:s22], s20  }
0x9f: {  	s4 =	ssub.s32 $0x0, s20;
	[sflag:s22] =	ssyncset.done $0x0  }
0xa0: {  	[sflag:s22] =	ssyncadd.s32 s4;
	_ =	sdelay $0x1  }
0xa1: {  	s23 =	simm.s32 $0x1B8B  }
0xa2: {  	_ =	swait.ge [sflag:s23], $0x1  }
0xa3: {  	[sflag:s23] =	ssyncset.done $0x0  }
0xa4: {  	s25 =	simm.s32 $0x1B8E;
	s24 =	sld [smem:$0x3FFE];
	[sflag:s23] =	ssyncadd.s32 $0xFFFFFFFF  }
0xa5: {  	s26 =	simm.s32 $execute0_lowered;
	[smem:$0x3FD2] =	sst s25  }
0xa6: {  	s5 =	sshll.u32 s26, $0x1;
	_ =	strace $0x80000046;
	[dreg:$0x1] =	wrdreg $0xFFFFFFFF  }
0xa7: {  	s28 =	simm.s32 $_size_execute0_lowered;
	s3 =	sadd.s32 s3, s5;
	[dreg:$0x0] =	wrdreg $0x0  }
0xa8: {  	s5 =	sshll.u32 s28, $0x1;
	[dreg:$0x2] =	wrdreg s3  }
0xa9: {  	[dreg:$0x3] =	wrdreg s5  }
0xaa: {  	[dreg:$0x4] =	wrdreg $0xC0  }
0xab: {  	_ =	task [dreg:s7], $0x5FFFF  }
0xac: {  	[dreg:$0x1] =	wrdreg $0xFFFFFFFF  }
0xad: {  	[dreg:$0x0] =	wrdreg $0x60  }
0xae: {  	[dreg:$0x2] =	wrdreg s24  }
0xaf: {  	[dreg:$0x3] =	wrdreg s2  }
0xb0: {  	[dreg:$0x4] =	wrdreg $0x13C400  }
0xb1: {  	[dreg:$0x5] =	wrdreg $0x9  }
0xb2: {  	_ =	task.clear_ibuf [dreg:s7], $0x6FFFF;
	_ =	strace $0x90000046  }
0xb3: {  	s29 =	simm.s32 $0x9;
	_ =	strace $0x80000048  }
0xb4: {  	_ =	swait.ge [sflag:s29], $0x1  }
0xb5: {  	[sflag:s29] =	ssyncadd.s32 $0xFFFFFFFF  }
0xb6: {  	_ =	strace $0x90000048  }
0xb7: {  	_ =	sfence  }
0xb8: {  	s30 =	sld [smem:$0x0];
	_ =	sdelay $0x2  }
0xb9: {  	s31 =	sshll.u32 s1, $0xD;
	s1 =	sshrl.u32 s1, $0x2  }
0xba: {  	s3 =	sand.u32 $0x4000, s31;
	s1 =	sadd.s32 s1, s30  }
0xbb: {  	s0 =	sor.u32 s3, s0;
	s1 =	sshll.u32 s1, $0x11  }
0xbc: {  	s0 =	sor.u32 s1, s0  }
0xbd: {  	s0 =	sadd.s32 $0x8F2B, s0  }
0xbe: {  	[sflag:s0] =	ssyncadd.remote.s32 $0x1  }
0xbf: {  	_ =	sfence.sel $0xFFFF  }
0xc0: {  	[dreg:$0x0] =	wrdreg $0xFFFFFFFF;
	(pc) =	sbr.abs _section_cstart, $3  }
0xc1: {  	[dreg:$0x1] =	wrdreg $0xFFFFFFFF  }
0xc2: {  	_ =	task.clear_ibuf [dreg:s7], $0x2FFFF;
	_ =	strace $0x9FFFFFFF  }
0xc3: {  	(tm) =	ssettm $0x7FFFFFFF  }
tec
execute0_lowered:
.L_overlay_start_1:
0x0: {  	(tag) =	ssettag $0x1  }
0x1: {  	s0 =	rddreg [dreg:$0x0]  }
0x2: {  	s1 =	rddreg [dreg:$0x1]  }
0x3: {  	s2 =	rddreg [dreg:$0x2];
	s3 =	simm.s32 $0x0;
	s14 =	stileid.u32  }
0x4: {  	s7 =	srdreg.scid;
	s28 =	simm.s32 $0xDE80;
	s30 =	simm.s32 $0xFDC0  }
0x5: {  	s31 =	simm.s32 $0x1;
	s29 =	simm.s32 $0x8;
	s16 =	simm.s32 $0xA  }
0x6: {  	[smem:$0x7FF] =	sst s3;
	s6 =	smul.u32 $0x9C00, s14;
	s4 =	sadd.s32 $0x17000, s0  }
0x7: {  	s5 =	sadd.s32 $0x2AA00, s0;
	s7 =	sand.u32 $0x1, s7;
	s9 =	sadd.s32 $0x3000, s0  }
0x8: {  	s12 =	smul.u32 $0x5000, s14;
	s20 =	sadd.s32 $0x50880, s0;
	s24 =	sadd.s32 $0x77C80, s0  }
0x9: {  	p1 =	seq.s32 s14, $0xF;
	_ =	strace $0x80000047;
	[dreg:$0x6] =	wrdreg s20  }
0xa: {  	s10 =	ssub.s32 $0x2, s7;
	p0 =	seq.s32 s7, $0x1;
	[dreg:$0xa] =	wrdreg s24  }
0xb: {  	s20 =	simm.s32 $0xB;
	s24 =	simm.s32 $0x7;
	s8 =	sshrl.u32 s6, $0x3  }
0xc: {  	s18 =	sshrl.u32 s10, $0x1;
	s6 =	sadd.s32 s6, s2;
	s12 =	sshrl.u32 s12, $0x3  }
0xd: {  	s11 =	sadd.s32 s8, s0;
	s10 =	ssub.s32 s10, s18;
	[dreg:$0x4] =	wrdreg s6  }
0xe: {  	s6 =	sadd.s32 $0x92400, s2;
	s21 =	sadd.s32 s9, s12;
	s13 =	sadd.s32 $0xA000, s12  }
0xf: {  	s25 =	sadd.s32 s1, s12;
	s0 =	sadd.s32 $0x64280, s0;
	s19 =	sadd.s32 $0x3E400, s11  }
0x10: {  	[dreg:$0x7] =	wrdreg s21;
	s22 =	sadd.s32 s9, s13;
	s23 =	sadd.s32 $0x65800, s11  }
0x11: {  	[dreg:$0xb] =	wrdreg s25;
	s1 =	sadd.s32 s1, s13;
	s26 =	sadd.s32 $0x51E00, s11  }
0x12: {  	[dreg:$0xe] =	wrdreg s0;
	s0 =	sshll.u32 @!p1 s14, $0x6;
	s17 =	smax.u32 s10, $0x1  }
0x13: {  	s18 =	sshrl.u32 @p1 s6, $0x3;
	s25 =	simm.s32 $0xBF40;
	[dreg:$0x5] =	wrdreg s19  }
.Ltmp0:
0x14: {  	s9 =	simm.s32 $0x2;
	[dreg:$0x8] =	wrdreg s22;
	(pc) =	sbr.rel .LBB2_1-.Ltmp0, $4  }
0x15: {  	s11 =	simm.s32 $0x6;
	s13 =	simm.s32 $0x3;
	[dreg:$0x9] =	wrdreg s23  }
0x16: {  	s10 =	simm.s32 $0x5;
	s14 =	simm.s32 $0x9;
	[dreg:$0xc] =	wrdreg s1  }
0x17: {  	[dreg:$0xd] =	wrdreg s26;
	s19 =	sor.u32 @!p1 $0x1C0B, s0;
	s22 =	simm.s32 $0x7D  }
0x18: {  	s23 =	simm.s32 $0xA000;
	s1 =	simm.s32 $0x11D00;
	s26 =	simm.s32 $0x4  }
.LBB2_9:
0x19: {  	_ =	swait.ge [sflag:s10], $0x1F40  }
0x1a: {  	[sflag:s10] =	ssyncset.done $0x0  }
0x1b: {  	[sflag:s10] =	ssyncadd.s32 $0xFFFFE0C0  }
0x1c: {  	[spmem:s2] =	stream.indirect.scatter.add.f32 [tilespmem:s1], [sflag:$0xA], $0x40, s6, s22, $0xb8;
	[tilespmem:$0x1D880] =	vst v63  }
0x1d: {  	_ =	swait.ge [sflag:s14], $0x1F40  }
0x1e: {  	[sflag:s14] =	ssyncset.done $0x0  }
0x1f: {  	[sflag:s14] =	ssyncadd.s32 $0xFFFFE0C0  }
0x20: {  	_ =	swait.ge [sflag:s16], $0x1F40  }
0x21: {  	[sflag:s16] =	ssyncset.done $0x0  }
0x22: {  	[sflag:s16] =	ssyncadd.s32 $0xFFFFE0C0  }
0x23: {  	[bflag:$0x0] =	sbarrier.arrive $0xFFFF  }
0x24: {  	s6 =	simm.s32 @p1 $0x1FCB;
	s7 =	rddreg [dreg:$0xe]  }
0x25: {  	[hbm:s7], [sflag:s6] =	dma.local @p1 [spmem:s18], $0x1400  }
0x26: {  	s6 =	simm.s32 @p1 $0xB  }
0x27: {  	_ =	swait.ge @p1 [sflag:s6], $0x1400  }
0x28: {  	[sflag:s6] =	ssyncset.done @p1 $0x0  }
0x29: {  	[sflag:s6] =	ssyncadd.s32 @p1 $0xFFFFEC00;
	s6 =	rddreg [dreg:$0xd]  }
0x2a: {  	[hbm:s6], [sflag:s19] =	dma.local @!p1 [spmem:s0], $0x1380  }
0x2b: {  	s0 =	simm.s32 @!p1 $0xB  }
0x2c: {  	_ =	swait.ge @!p1 [sflag:s0], $0x1380  }
0x2d: {  	[sflag:s0] =	ssyncset.done @!p1 $0x0  }
0x2e: {  	[sflag:s0] =	ssyncadd.s32 @!p1 $0xFFFFEC80  }
.LBB2_10:
0x2f: {  	s3 =	sadd.s32 $0x1, s3  }
0x30: {  	p2 =	sne.s32 s3, s17  }
.Ltmp1:
0x31: {  	_ = 	snop;
	(pc) =	sbr.rel @!p2 .LBB2_11-.Ltmp1, $1  }
0x32: {  	_ =	sdelay $0x3  }
.LBB2_1:
.Ltmp2:
0x33: {  	(pc) =	sbr.rel @!p0 .LBB2_2-.Ltmp2, $3  }
0x34: {  	_ =	sdelay $0x1  }
0x35: {  	s0 =	rddreg [dreg:$0x4]  }
0x36: {  	s0 =	sshrl.u32 @!p1 s0, $0x3  }
0x37: {  	s6 =	simm.s32 @p1 $0x1FCB;
	s7 =	rddreg [dreg:$0x6]  }
0x38: {  	[spmem:s18], [sflag:s6] =	dma.local @p1 [hbm:s7], $0x1400  }
0x39: {  	s6 =	simm.s32 @p1 $0xB  }
0x3a: {  	_ =	swait.ge @p1 [sflag:s6], $0x1400  }
0x3b: {  	[sflag:s6] =	ssyncset.done @p1 $0x0  }
0x3c: {  	[sflag:s6] =	ssyncadd.s32 @p1 $0xFFFFEC00;
	s6 =	rddreg [dreg:$0x5]  }
0x3d: {  	[spmem:s0], [sflag:s19] =	dma.local @!p1 [hbm:s6], $0x1380  }
0x3e: {  	s6 =	simm.s32 @!p1 $0xB  }
0x3f: {  	_ =	swait.ge @!p1 [sflag:s6], $0x1380  }
0x40: {  	[sflag:s6] =	ssyncset.done @!p1 $0x0  }
0x41: {  	s12 =	simm.s32 $0x0;
	s8 =	rddreg [dreg:$0xb];
	[sflag:s6] =	ssyncadd.s32 @!p1 $0xFFFFEC80  }
0x42: {  	[tilespmem:s12], [sflag:$0xB] =	stream.linear.gather [hbm4b:s8+s12], $0x5000, $0x38;
	[tilespmem:$0x1D880] =	vst v63  }
0x43: {  	_ =	swait.ge [sflag:s20], $0x5000  }
0x44: {  	[sflag:s20] =	ssyncset.done $0x0  }
0x45: {  	s7 =	simm.s32 $0x5000;
	s15 =	rddreg [dreg:$0xc];
	[sflag:s20] =	ssyncadd.s32 $0xFFFFB000  }
0x46: {  	[tilespmem:s7], [sflag:$0xB] =	stream.linear.gather [hbm4b:s15+s12], $0x5000, $0x38;
	[tilespmem:$0x1D880] =	vst v63  }
0x47: {  	_ =	swait.ge [sflag:s20], $0x5000  }
0x48: {  	[sflag:s20] =	ssyncset.done $0x0  }
0x49: {  	[sflag:s20] =	ssyncadd.s32 $0xFFFFB000  }
0x4a: {  	[bflag:$0x0] =	sbarrier.arrive $0xFFFF  }
0x4b: {  	[tilespmem:s23], [sflag:$0x1] =	stream.indirect.gather [hbm4b:s5+s22], $0x40, s12, s22, $0xb8;
	[tilespmem:$0x1D880] =	vst v63  }
0x4c: {  	s21 =	simm.s32 $0x80  }
0x4d: {  	[tilespmem:s25], [sflag:$0x2] =	stream.indirect.gather [hbm4b:s5+s22], $0x40, s21, s22, $0xb8;
	[tilespmem:$0x1D880] =	vst v63  }
0x4e: {  	s8 =	simm.s32 $0x100  }
0x4f: {  	[tilespmem:s28], [sflag:$0x3] =	stream.indirect.gather [hbm4b:s5+s22], $0x40, s8, s22, $0xb8;
	[tilespmem:$0x1D880] =	vst v63  }
0x50: {  	s15 =	simm.s32 $0x180  }
0x51: {  	[tilespmem:s30], [sflag:$0x4] =	stream.indirect.gather [hbm4b:s5+s22], $0x40, s15, s22, $0xb8;
	[tilespmem:$0x1D880] =	vst v63  }
0x52: {  	_ =	swait.ge [sflag:s31], $0x1F40  }
0x53: {  	[sflag:s31] =	ssyncset.done $0x0  }
0x54: {  	[sflag:s31] =	ssyncadd.s32 $0xFFFFE0C0  }
0x55: {  	[spmem:s2] =	stream.indirect.scatter.add.f32 [tilespmem:s23], [sflag:$0x6], $0x40, s7, s22, $0xb8;
	[tilespmem:$0x1D880] =	vst v63  }
0x56: {  	s21 =	simm.s32 $0x200  }
0x57: {  	[tilespmem:s1], [sflag:$0x5] =	stream.indirect.gather [hbm4b:s5+s22], $0x40, s21, s22, $0xb8;
	[tilespmem:$0x1D880] =	vst v63  }
0x58: {  	_ =	swait.ge [sflag:s9], $0x1F40  }
0x59: {  	[sflag:s9] =	ssyncset.done $0x0  }
0x5a: {  	s7 =	simm.s32 $0x5080;
	[sflag:s9] =	ssyncadd.s32 $0xFFFFE0C0  }
0x5b: {  	[spmem:s2] =	stream.indirect.scatter.add.f32 [tilespmem:s25], [sflag:$0x7], $0x40, s7, s22, $0xb8;
	[tilespmem:$0x1D880] =	vst v63  }
0x5c: {  	_ =	swait.ge [sflag:s11], $0x1F40  }
0x5d: {  	[sflag:s11] =	ssyncset.done $0x0  }
0x5e: {  	s8 =	simm.s32 $0x280;
	[sflag:s11] =	ssyncadd.s32 $0xFFFFE0C0  }
0x5f: {  	[tilespmem:s23], [sflag:$0x1] =	stream.indirect.gather [hbm4b:s5+s22], $0x40, s8, s22, $0xb8;
	[tilespmem:$0x1D880] =	vst v63  }
0x60: {  	_ =	swait.ge [sflag:s13], $0x1F40  }
0x61: {  	[sflag:s13] =	ssyncset.done $0x0  }
0x62: {  	s15 =	simm.s32 $0x5100;
	[sflag:s13] =	ssyncadd.s32 $0xFFFFE0C0  }
0x63: {  	[spmem:s2] =	stream.indirect.scatter.add.f32 [tilespmem:s28], [sflag:$0x8], $0x40, s15, s22, $0xb8;
	[tilespmem:$0x1D880] =	vst v63  }
0x64: {  	_ =	swait.ge [sflag:s24], $0x1F40  }
0x65: {  	[sflag:s24] =	ssyncset.done $0x0  }
0x66: {  	s21 =	simm.s32 $0x300;
	[sflag:s24] =	ssyncadd.s32 $0xFFFFE0C0  }
0x67: {  	[tilespmem:s25], [sflag:$0x2] =	stream.indirect.gather [hbm4b:s5+s22], $0x40, s21, s22, $0xb8;
	[tilespmem:$0x1D880] =	vst v63  }
0x68: {  	_ =	swait.ge [sflag:s26], $0x1F40  }
0x69: {  	[sflag:s26] =	ssyncset.done $0x0  }
0x6a: {  	s7 =	simm.s32 $0x5180;
	[sflag:s26] =	ssyncadd.s32 $0xFFFFE0C0  }
0x6b: {  	[spmem:s2] =	stream.indirect.scatter.add.f32 [tilespmem:s30], [sflag:$0x9], $0x40, s7, s22, $0xb8;
	[tilespmem:$0x1D880] =	vst v63  }
0x6c: {  	_ =	swait.ge [sflag:s29], $0x1F40  }
0x6d: {  	[sflag:s29] =	ssyncset.done $0x0  }
0x6e: {  	s8 =	simm.s32 $0x380;
	[sflag:s29] =	ssyncadd.s32 $0xFFFFE0C0  }
0x6f: {  	[tilespmem:s28], [sflag:$0x3] =	stream.indirect.gather [hbm4b:s5+s22], $0x40, s8, s22, $0xb8;
	[tilespmem:$0x1D880] =	vst v63  }
0x70: {  	_ =	swait.ge [sflag:s10], $0x1F40  }
0x71: {  	[sflag:s10] =	ssyncset.done $0x0  }
0x72: {  	s15 =	simm.s32 $0x5200;
	[sflag:s10] =	ssyncadd.s32 $0xFFFFE0C0  }
0x73: {  	[spmem:s2] =	stream.indirect.scatter.add.f32 [tilespmem:s1], [sflag:$0xA], $0x40, s15, s22, $0xb8;
	[tilespmem:$0x1D880] =	vst v63  }
0x74: {  	_ =	swait.ge [sflag:s14], $0x1F40  }
0x75: {  	[sflag:s14] =	ssyncset.done $0x0  }
0x76: {  	s21 =	simm.s32 $0x400;
	[sflag:s14] =	ssyncadd.s32 $0xFFFFE0C0  }
0x77: {  	[tilespmem:s30], [sflag:$0x4] =	stream.indirect.gather [hbm4b:s5+s22], $0x40, s21, s22, $0xb8;
	[tilespmem:$0x1D880] =	vst v63  }
.LBB2_7:
0x78: {  	_ =	swait.ge [sflag:s31], $0x1F40  }
0x79: {  	s15 =	sshra.s32 s12, $0x2;
	[sflag:s31] =	ssyncset.done $0x0  }
0x7a: {  	s6 =	sadd.s32 $0x5280, s15;
	[sflag:s31] =	ssyncadd.s32 $0xFFFFE0C0  }
0x7b: {  	[spmem:s2] =	stream.indirect.scatter.add.f32 [tilespmem:s23], [sflag:$0x6], $0x40, s6, s22, $0xb8;
	[tilespmem:$0x1D880] =	vst v63  }
0x7c: {  	_ =	swait.ge [sflag:s16], $0x1F40  }
0x7d: {  	[sflag:s16] =	ssyncset.done $0x0  }
0x7e: {  	s7 =	sadd.s32 $0x480, s15;
	[sflag:s16] =	ssyncadd.s32 $0xFFFFE0C0  }
0x7f: {  	[tilespmem:s1], [sflag:$0x5] =	stream.indirect.gather [hbm4b:s5+s22], $0x40, s7, s22, $0xb8;
	[tilespmem:$0x1D880] =	vst v63  }
0x80: {  	_ =	swait.ge [sflag:s9], $0x1F40  }
0x81: {  	[sflag:s9] =	ssyncset.done $0x0  }
0x82: {  	s8 =	sadd.s32 $0x5300, s15;
	[sflag:s9] =	ssyncadd.s32 $0xFFFFE0C0  }
0x83: {  	[spmem:s2] =	stream.indirect.scatter.add.f32 [tilespmem:s25], [sflag:$0x7], $0x40, s8, s22, $0xb8;
	[tilespmem:$0x1D880] =	vst v63  }
0x84: {  	_ =	swait.ge [sflag:s11], $0x1F40  }
0x85: {  	p2 =	seq.s32 s12, $0x12C00;
	[sflag:s11] =	ssyncset.done $0x0  }
0x86: {  	s6 =	simm.s32 @p2 $0x3;
	[sflag:s11] =	ssyncadd.s32 $0xFFFFE0C0  }
0x87: {  	_ =	swait.ge @p2 [sflag:s6], $0x1F40  }
0x88: {  	[sflag:s6] =	ssyncset.done @p2 $0x0  }
0x89: {  	[sflag:s6] =	ssyncadd.s32 @p2 $0xFFFFE0C0;
	s6 =	sshra.s32 @p2 s12, $0x2  }
0x8a: {  	s7 =	simm.s32 @p2 $0x7D;
	s8 =	simm.s32 @p2 $0xDE80;
	s6 =	sadd.s32 @p2 $0x5380, s6  }
0x8b: {  	[spmem:s2] =	stream.indirect.scatter.add.f32 @p2 [tilespmem:s8], [sflag:$0x8], $0x40, s6, s7, $0xb8;
	[tilespmem:$0x1D880] =	vst v63  }
0x8c: {  	s6 =	simm.s32 @p2 $0x7  }
0x8d: {  	_ =	swait.ge @p2 [sflag:s6], $0x1F40  }
0x8e: {  	[sflag:s6] =	ssyncset.done @p2 $0x0  }
0x8f: {  	[sflag:s6] =	ssyncadd.s32 @p2 $0xFFFFE0C0;
	s6 =	sshra.s32 @!p2 s12, $0x2  }
0x90: {  	s21 =	simm.s32 @!p2 $0xA000;
	s8 =	simm.s32 @!p2 $0x7D;
	s7 =	sadd.s32 @!p2 $0x500, s6  }
0x91: {  	[tilespmem:s21], [sflag:$0x1] =	stream.indirect.gather @!p2 [hbm4b:s5+s8], $0x40, s7, s8, $0xb8;
	[tilespmem:$0x1D880] =	vst v63  }
0x92: {  	s7 =	simm.s32 @!p2 $0x3  }
0x93: {  	_ =	swait.ge @!p2 [sflag:s7], $0x1F40  }
0x94: {  	[sflag:s7] =	ssyncset.done @!p2 $0x0  }
0x95: {  	s21 =	simm.s32 @!p2 $0xDE80;
	[sflag:s7] =	ssyncadd.s32 @!p2 $0xFFFFE0C0;
	s7 =	sadd.s32 @!p2 $0x5380, s6  }
0x96: {  	[spmem:s2] =	stream.indirect.scatter.add.f32 @!p2 [tilespmem:s21], [sflag:$0x8], $0x40, s7, s8, $0xb8;
	[tilespmem:$0x1D880] =	vst v63  }
0x97: {  	s7 =	simm.s32 @!p2 $0x7  }
0x98: {  	_ =	swait.ge @!p2 [sflag:s7], $0x1F40  }
0x99: {  	[sflag:s7] =	ssyncset.done @!p2 $0x0  }
0x9a: {  	s6 =	sadd.s32 @!p2 $0x580, s6;
	[sflag:s7] =	ssyncadd.s32 @!p2 $0xFFFFE0C0;
	s7 =	simm.s32 @!p2 $0xBF40  }
0x9b: {  	[tilespmem:s7], [sflag:$0x2] =	stream.indirect.gather @!p2 [hbm4b:s5+s8], $0x40, s6, s8, $0xb8;
	[tilespmem:$0x1D880] =	vst v63  }
0x9c: {  	_ =	swait.ge [sflag:s26], $0x1F40  }
0x9d: {  	[sflag:s26] =	ssyncset.done $0x0  }
.Ltmp3:
0x9e: {  	s21 =	sadd.s32 $0x5400, s15;
	[sflag:s26] =	ssyncadd.s32 $0xFFFFE0C0;
	(pc) =	sbr.rel @p2 .LBB2_9-.Ltmp3, $4  }
0x9f: {  	[spmem:s2] =	stream.indirect.scatter.add.f32 [tilespmem:s30], [sflag:$0x9], $0x40, s21, s22, $0xb8;
	[tilespmem:$0x1D880] =	vst v63  }
0xa0: {  	_ =	swait.ge [sflag:s29], $0x1F40  }
0xa1: {  	[sflag:s29] =	ssyncset.done $0x0  }
0xa2: {  	s6 =	sadd.s32 $0x5480, s15;
	[sflag:s29] =	ssyncadd.s32 $0xFFFFE0C0  }
0xa3: {  	s7 =	sadd.s32 $0x600, s15  }
0xa4: {  	[tilespmem:s28], [sflag:$0x3] =	stream.indirect.gather [hbm4b:s5+s22], $0x40, s7, s22, $0xb8;
	[tilespmem:$0x1D880] =	vst v63  }
0xa5: {  	_ =	swait.ge [sflag:s10], $0x1F40  }
0xa6: {  	[sflag:s10] =	ssyncset.done $0x0  }
0xa7: {  	[sflag:s10] =	ssyncadd.s32 $0xFFFFE0C0  }
0xa8: {  	[spmem:s2] =	stream.indirect.scatter.add.f32 [tilespmem:s1], [sflag:$0xA], $0x40, s6, s22, $0xb8;
	[tilespmem:$0x1D880] =	vst v63  }
.Ltmp4:
0xa9: {  	_ = 	snop;
	(pc) =	sbr.rel .LBB2_7-.Ltmp4, $4  }
0xaa: {  	_ =	swait.ge [sflag:s14], $0x1F40  }
0xab: {  	[sflag:s14] =	ssyncset.done $0x0  }
0xac: {  	s21 =	sadd.s32 $0x680, s15;
	s12 =	sadd.s32 $0xA00, s12;
	[sflag:s14] =	ssyncadd.s32 $0xFFFFE0C0  }
0xad: {  	[tilespmem:s30], [sflag:$0x4] =	stream.indirect.gather [hbm4b:s5+s22], $0x40, s21, s22, $0xb8;
	[tilespmem:$0x1D880] =	vst v63  }
.LBB2_2:
0xae: {  	s6 =	simm.s32 @p1 $0x1FCB;
	s7 =	rddreg [dreg:$0x6]  }
0xaf: {  	[spmem:s18], [sflag:s6] =	dma.local @p1 [hbm:s7], $0x1400  }
0xb0: {  	s6 =	simm.s32 @p1 $0xB  }
0xb1: {  	_ =	swait.ge @p1 [sflag:s6], $0x1400  }
0xb2: {  	[sflag:s6] =	ssyncset.done @p1 $0x0  }
0xb3: {  	[sflag:s6] =	ssyncadd.s32 @p1 $0xFFFFEC00;
	s6 =	rddreg [dreg:$0x5]  }
0xb4: {  	[spmem:s0], [sflag:s19] =	dma.local @!p1 [hbm:s6], $0x1380  }
0xb5: {  	s6 =	simm.s32 @!p1 $0xB  }
0xb6: {  	_ =	swait.ge @!p1 [sflag:s6], $0x1380  }
0xb7: {  	[sflag:s6] =	ssyncset.done @!p1 $0x0  }
0xb8: {  	s12 =	simm.s32 $0x0;
	s8 =	rddreg [dreg:$0x7];
	[sflag:s6] =	ssyncadd.s32 @!p1 $0xFFFFEC80  }
0xb9: {  	[tilespmem:s12], [sflag:$0xB] =	stream.linear.gather [hbm4b:s8+s12], $0x5000, $0x38;
	[tilespmem:$0x1D880] =	vst v63  }
0xba: {  	_ =	swait.ge [sflag:s20], $0x5000  }
0xbb: {  	[sflag:s20] =	ssyncset.done $0x0  }
0xbc: {  	s7 =	simm.s32 $0x5000;
	s15 =	rddreg [dreg:$0x8];
	[sflag:s20] =	ssyncadd.s32 $0xFFFFB000  }
0xbd: {  	[tilespmem:s7], [sflag:$0xB] =	stream.linear.gather [hbm4b:s15+s12], $0x5000, $0x38;
	[tilespmem:$0x1D880] =	vst v63  }
0xbe: {  	_ =	swait.ge [sflag:s20], $0x5000  }
0xbf: {  	[sflag:s20] =	ssyncset.done $0x0  }
0xc0: {  	[sflag:s20] =	ssyncadd.s32 $0xFFFFB000  }
0xc1: {  	[bflag:$0x0] =	sbarrier.arrive $0xFFFF  }
0xc2: {  	[tilespmem:s23], [sflag:$0x1] =	stream.indirect.gather [hbm4b:s4+s22], $0x40, s12, s22, $0xb8;
	[tilespmem:$0x1D880] =	vst v63  }
0xc3: {  	s21 =	simm.s32 $0x80  }
0xc4: {  	[tilespmem:s25], [sflag:$0x2] =	stream.indirect.gather [hbm4b:s4+s22], $0x40, s21, s22, $0xb8;
	[tilespmem:$0x1D880] =	vst v63  }
0xc5: {  	s8 =	simm.s32 $0x100  }
0xc6: {  	[tilespmem:s28], [sflag:$0x3] =	stream.indirect.gather [hbm4b:s4+s22], $0x40, s8, s22, $0xb8;
	[tilespmem:$0x1D880] =	vst v63  }
0xc7: {  	s15 =	simm.s32 $0x180  }
0xc8: {  	[tilespmem:s30], [sflag:$0x4] =	stream.indirect.gather [hbm4b:s4+s22], $0x40, s15, s22, $0xb8;
	[tilespmem:$0x1D880] =	vst v63  }
0xc9: {  	_ =	swait.ge [sflag:s31], $0x1F40  }
0xca: {  	[sflag:s31] =	ssyncset.done $0x0  }
0xcb: {  	[sflag:s31] =	ssyncadd.s32 $0xFFFFE0C0  }
0xcc: {  	[spmem:s2] =	stream.indirect.scatter.add.f32 [tilespmem:s23], [sflag:$0x6], $0x40, s7, s22, $0xb8;
	[tilespmem:$0x1D880] =	vst v63  }
0xcd: {  	s21 =	simm.s32 $0x200  }
0xce: {  	[tilespmem:s1], [sflag:$0x5] =	stream.indirect.gather [hbm4b:s4+s22], $0x40, s21, s22, $0xb8;
	[tilespmem:$0x1D880] =	vst v63  }
0xcf: {  	_ =	swait.ge [sflag:s9], $0x1F40  }
0xd0: {  	[sflag:s9] =	ssyncset.done $0x0  }
0xd1: {  	s7 =	simm.s32 $0x5080;
	[sflag:s9] =	ssyncadd.s32 $0xFFFFE0C0  }
0xd2: {  	[spmem:s2] =	stream.indirect.scatter.add.f32 [tilespmem:s25], [sflag:$0x7], $0x40, s7, s22, $0xb8;
	[tilespmem:$0x1D880] =	vst v63  }
0xd3: {  	_ =	swait.ge [sflag:s11], $0x1F40  }
0xd4: {  	[sflag:s11] =	ssyncset.done $0x0  }
0xd5: {  	s8 =	simm.s32 $0x280;
	[sflag:s11] =	ssyncadd.s32 $0xFFFFE0C0  }
0xd6: {  	[tilespmem:s23], [sflag:$0x1] =	stream.indirect.gather [hbm4b:s4+s22], $0x40, s8, s22, $0xb8;
	[tilespmem:$0x1D880] =	vst v63  }
0xd7: {  	_ =	swait.ge [sflag:s13], $0x1F40  }
0xd8: {  	[sflag:s13] =	ssyncset.done $0x0  }
0xd9: {  	s15 =	simm.s32 $0x5100;
	[sflag:s13] =	ssyncadd.s32 $0xFFFFE0C0  }
0xda: {  	[spmem:s2] =	stream.indirect.scatter.add.f32 [tilespmem:s28], [sflag:$0x8], $0x40, s15, s22, $0xb8;
	[tilespmem:$0x1D880] =	vst v63  }
0xdb: {  	_ =	swait.ge [sflag:s24], $0x1F40  }
0xdc: {  	[sflag:s24] =	ssyncset.done $0x0  }
0xdd: {  	s21 =	simm.s32 $0x300;
	[sflag:s24] =	ssyncadd.s32 $0xFFFFE0C0  }
0xde: {  	[tilespmem:s25], [sflag:$0x2] =	stream.indirect.gather [hbm4b:s4+s22], $0x40, s21, s22, $0xb8;
	[tilespmem:$0x1D880] =	vst v63  }
0xdf: {  	_ =	swait.ge [sflag:s26], $0x1F40  }
0xe0: {  	[sflag:s26] =	ssyncset.done $0x0  }
0xe1: {  	s7 =	simm.s32 $0x5180;
	[sflag:s26] =	ssyncadd.s32 $0xFFFFE0C0  }
0xe2: {  	[spmem:s2] =	stream.indirect.scatter.add.f32 [tilespmem:s30], [sflag:$0x9], $0x40, s7, s22, $0xb8;
	[tilespmem:$0x1D880] =	vst v63  }
0xe3: {  	_ =	swait.ge [sflag:s29], $0x1F40  }
0xe4: {  	[sflag:s29] =	ssyncset.done $0x0  }
0xe5: {  	s8 =	simm.s32 $0x380;
	[sflag:s29] =	ssyncadd.s32 $0xFFFFE0C0  }
0xe6: {  	[tilespmem:s28], [sflag:$0x3] =	stream.indirect.gather [hbm4b:s4+s22], $0x40, s8, s22, $0xb8;
	[tilespmem:$0x1D880] =	vst v63  }
0xe7: {  	_ =	swait.ge [sflag:s10], $0x1F40  }
0xe8: {  	[sflag:s10] =	ssyncset.done $0x0  }
0xe9: {  	s15 =	simm.s32 $0x5200;
	[sflag:s10] =	ssyncadd.s32 $0xFFFFE0C0  }
0xea: {  	[spmem:s2] =	stream.indirect.scatter.add.f32 [tilespmem:s1], [sflag:$0xA], $0x40, s15, s22, $0xb8;
	[tilespmem:$0x1D880] =	vst v63  }
0xeb: {  	_ =	swait.ge [sflag:s14], $0x1F40  }
0xec: {  	[sflag:s14] =	ssyncset.done $0x0  }
0xed: {  	s21 =	simm.s32 $0x400;
	[sflag:s14] =	ssyncadd.s32 $0xFFFFE0C0  }
0xee: {  	[tilespmem:s30], [sflag:$0x4] =	stream.indirect.gather [hbm4b:s4+s22], $0x40, s21, s22, $0xb8;
	[tilespmem:$0x1D880] =	vst v63  }
.LBB2_3:
0xef: {  	_ =	swait.ge [sflag:s31], $0x1F40  }
0xf0: {  	s15 =	sshra.s32 s12, $0x2;
	[sflag:s31] =	ssyncset.done $0x0  }
0xf1: {  	s6 =	sadd.s32 $0x5280, s15;
	[sflag:s31] =	ssyncadd.s32 $0xFFFFE0C0  }
0xf2: {  	[spmem:s2] =	stream.indirect.scatter.add.f32 [tilespmem:s23], [sflag:$0x6], $0x40, s6, s22, $0xb8;
	[tilespmem:$0x1D880] =	vst v63  }
0xf3: {  	_ =	swait.ge [sflag:s16], $0x1F40  }
0xf4: {  	[sflag:s16] =	ssyncset.done $0x0  }
0xf5: {  	s7 =	sadd.s32 $0x480, s15;
	[sflag:s16] =	ssyncadd.s32 $0xFFFFE0C0  }
0xf6: {  	[tilespmem:s1], [sflag:$0x5] =	stream.indirect.gather [hbm4b:s4+s22], $0x40, s7, s22, $0xb8;
	[tilespmem:$0x1D880] =	vst v63  }
0xf7: {  	_ =	swait.ge [sflag:s9], $0x1F40  }
0xf8: {  	[sflag:s9] =	ssyncset.done $0x0  }
0xf9: {  	s8 =	sadd.s32 $0x5300, s15;
	[sflag:s9] =	ssyncadd.s32 $0xFFFFE0C0  }
0xfa: {  	[spmem:s2] =	stream.indirect.scatter.add.f32 [tilespmem:s25], [sflag:$0x7], $0x40, s8, s22, $0xb8;
	[tilespmem:$0x1D880] =	vst v63  }
0xfb: {  	_ =	swait.ge [sflag:s11], $0x1F40  }
0xfc: {  	p2 =	seq.s32 s12, $0x12C00;
	[sflag:s11] =	ssyncset.done $0x0  }
0xfd: {  	s6 =	simm.s32 @p2 $0x3;
	[sflag:s11] =	ssyncadd.s32 $0xFFFFE0C0  }
0xfe: {  	_ =	swait.ge @p2 [sflag:s6], $0x1F40  }
0xff: {  	[sflag:s6] =	ssyncset.done @p2 $0x0  }
0x100: {  	[sflag:s6] =	ssyncadd.s32 @p2 $0xFFFFE0C0;
	s6 =	sshra.s32 @p2 s12, $0x2  }
0x101: {  	s7 =	simm.s32 @p2 $0x7D;
	s8 =	simm.s32 @p2 $0xDE80;
	s6 =	sadd.s32 @p2 $0x5380, s6  }
0x102: {  	[spmem:s2] =	stream.indirect.scatter.add.f32 @p2 [tilespmem:s8], [sflag:$0x8], $0x40, s6, s7, $0xb8;
	[tilespmem:$0x1D880] =	vst v63  }
0x103: {  	s6 =	simm.s32 @p2 $0x7  }
0x104: {  	_ =	swait.ge @p2 [sflag:s6], $0x1F40  }
0x105: {  	[sflag:s6] =	ssyncset.done @p2 $0x0  }
0x106: {  	[sflag:s6] =	ssyncadd.s32 @p2 $0xFFFFE0C0;
	s6 =	sshra.s32 @!p2 s12, $0x2  }
0x107: {  	s21 =	simm.s32 @!p2 $0xA000;
	s8 =	simm.s32 @!p2 $0x7D;
	s7 =	sadd.s32 @!p2 $0x500, s6  }
0x108: {  	[tilespmem:s21], [sflag:$0x1] =	stream.indirect.gather @!p2 [hbm4b:s4+s8], $0x40, s7, s8, $0xb8;
	[tilespmem:$0x1D880] =	vst v63  }
0x109: {  	s7 =	simm.s32 @!p2 $0x3  }
0x10a: {  	_ =	swait.ge @!p2 [sflag:s7], $0x1F40  }
0x10b: {  	[sflag:s7] =	ssyncset.done @!p2 $0x0  }
0x10c: {  	s21 =	simm.s32 @!p2 $0xDE80;
	[sflag:s7] =	ssyncadd.s32 @!p2 $0xFFFFE0C0;
	s7 =	sadd.s32 @!p2 $0x5380, s6  }
0x10d: {  	[spmem:s2] =	stream.indirect.scatter.add.f32 @!p2 [tilespmem:s21], [sflag:$0x8], $0x40, s7, s8, $0xb8;
	[tilespmem:$0x1D880] =	vst v63  }
0x10e: {  	s7 =	simm.s32 @!p2 $0x7  }
0x10f: {  	_ =	swait.ge @!p2 [sflag:s7], $0x1F40  }
0x110: {  	[sflag:s7] =	ssyncset.done @!p2 $0x0  }
0x111: {  	s6 =	sadd.s32 @!p2 $0x580, s6;
	[sflag:s7] =	ssyncadd.s32 @!p2 $0xFFFFE0C0;
	s7 =	simm.s32 @!p2 $0xBF40  }
0x112: {  	[tilespmem:s7], [sflag:$0x2] =	stream.indirect.gather @!p2 [hbm4b:s4+s8], $0x40, s6, s8, $0xb8;
	[tilespmem:$0x1D880] =	vst v63  }
0x113: {  	_ =	swait.ge [sflag:s26], $0x1F40  }
0x114: {  	[sflag:s26] =	ssyncset.done $0x0  }
.Ltmp5:
0x115: {  	s21 =	sadd.s32 $0x5400, s15;
	[sflag:s26] =	ssyncadd.s32 $0xFFFFE0C0;
	(pc) =	sbr.rel @p2 .LBB2_5-.Ltmp5, $4  }
0x116: {  	[spmem:s2] =	stream.indirect.scatter.add.f32 [tilespmem:s30], [sflag:$0x9], $0x40, s21, s22, $0xb8;
	[tilespmem:$0x1D880] =	vst v63  }
0x117: {  	_ =	swait.ge [sflag:s29], $0x1F40  }
0x118: {  	[sflag:s29] =	ssyncset.done $0x0  }
0x119: {  	s6 =	sadd.s32 $0x5480, s15;
	[sflag:s29] =	ssyncadd.s32 $0xFFFFE0C0  }
0x11a: {  	s7 =	sadd.s32 $0x600, s15  }
0x11b: {  	[tilespmem:s28], [sflag:$0x3] =	stream.indirect.gather [hbm4b:s4+s22], $0x40, s7, s22, $0xb8;
	[tilespmem:$0x1D880] =	vst v63  }
0x11c: {  	_ =	swait.ge [sflag:s10], $0x1F40  }
0x11d: {  	[sflag:s10] =	ssyncset.done $0x0  }
0x11e: {  	[sflag:s10] =	ssyncadd.s32 $0xFFFFE0C0  }
0x11f: {  	[spmem:s2] =	stream.indirect.scatter.add.f32 [tilespmem:s1], [sflag:$0xA], $0x40, s6, s22, $0xb8;
	[tilespmem:$0x1D880] =	vst v63  }
.Ltmp6:
0x120: {  	_ = 	snop;
	(pc) =	sbr.rel .LBB2_3-.Ltmp6, $4  }
0x121: {  	_ =	swait.ge [sflag:s14], $0x1F40  }
0x122: {  	[sflag:s14] =	ssyncset.done $0x0  }
0x123: {  	s21 =	sadd.s32 $0x680, s15;
	s12 =	sadd.s32 $0xA00, s12;
	[sflag:s14] =	ssyncadd.s32 $0xFFFFE0C0  }
0x124: {  	[tilespmem:s30], [sflag:$0x4] =	stream.indirect.gather [hbm4b:s4+s22], $0x40, s21, s22, $0xb8;
	[tilespmem:$0x1D880] =	vst v63  }
.LBB2_5:
0x125: {  	_ =	swait.ge [sflag:s10], $0x1F40  }
0x126: {  	[sflag:s10] =	ssyncset.done $0x0  }
0x127: {  	[sflag:s10] =	ssyncadd.s32 $0xFFFFE0C0  }
0x128: {  	[spmem:s2] =	stream.indirect.scatter.add.f32 [tilespmem:s1], [sflag:$0xA], $0x40, s6, s22, $0xb8;
	[tilespmem:$0x1D880] =	vst v63  }
0x129: {  	_ =	swait.ge [sflag:s14], $0x1F40  }
0x12a: {  	[sflag:s14] =	ssyncset.done $0x0  }
0x12b: {  	[sflag:s14] =	ssyncadd.s32 $0xFFFFE0C0  }
0x12c: {  	_ =	swait.ge [sflag:s16], $0x1F40  }
0x12d: {  	[sflag:s16] =	ssyncset.done $0x0  }
0x12e: {  	[sflag:s16] =	ssyncadd.s32 $0xFFFFE0C0  }
0x12f: {  	[bflag:$0x0] =	sbarrier.arrive $0xFFFF  }
0x130: {  	s6 =	simm.s32 @p1 $0x1FCB;
	s7 =	rddreg [dreg:$0xa]  }
0x131: {  	[hbm:s7], [sflag:s6] =	dma.local @p1 [spmem:s18], $0x1400  }
0x132: {  	s6 =	simm.s32 @p1 $0xB  }
0x133: {  	_ =	swait.ge @p1 [sflag:s6], $0x1400  }
0x134: {  	[sflag:s6] =	ssyncset.done @p1 $0x0  }
0x135: {  	[sflag:s6] =	ssyncadd.s32 @p1 $0xFFFFEC00;
	s6 =	rddreg [dreg:$0x9]  }
0x136: {  	[hbm:s6], [sflag:s19] =	dma.local @!p1 [spmem:s0], $0x1380  }
.Ltmp7:
0x137: {  	_ = 	snop;
	(pc) =	sbr.rel .LBB2_10-.Ltmp7, $4  }
0x138: {  	s0 =	simm.s32 @!p1 $0xB  }
0x139: {  	_ =	swait.ge @!p1 [sflag:s0], $0x1380  }
0x13a: {  	[sflag:s0] =	ssyncset.done @!p1 $0x0  }
0x13b: {  	[sflag:s0] =	ssyncadd.s32 @!p1 $0xFFFFEC80  }
.LBB2_11:
0x13c: {  	_ =	sfence.sel $0x180000  }
0x13d: {  	[bflag:$0x0] =	sbarrier.arrive $0xFFFF  }
0x13e: {  	_ =	strace $0x90000047  }
0x13f: {  	s0 =	stileid.u32;
	[bflag:$0x2] =	sbarrier.arrive $0xFFFF  }
0x140: {  	p0 =	sne.s32 s0, $0x0;
	s0 =	rddreg [dreg:$0x3]  }
0x141: {  	s0 =	sadd.s32 @!p0 $0x100000, s0  }
0x142: {  	[sflag:s0] =	ssyncadd.tile.s32 @!p0 $0x1;
	_ =	shalt  }
.Lfunc_end2:
_tile_overlayer_lowered:
.L_overlay_start_2:
0x143: {  	(tag) =	ssettag $0x2  }
0x144: {  	s0 =	rddreg [dreg:$0x0];
	s2 =	stileid.u32  }
0x145: {  	s1 =	rddreg [dreg:$0x1];
	p0 =	sne.s32 s2, $0x0  }
0x146: {  	s3 =	rddreg [dreg:$0x2];
	[bflag:$0x3] =	sbarrier.arrive $0xFFFF;
	s2 =	simm.s32 @!p0 $0x1C0B  }
0x147: {  	[timem:s3], [sflag:s2] =	dma.local @!p0 [hbm:s0], s1  }
0x148: {  	s0 =	simm.s32 @!p0 $0xB  }
0x149: {  	_ =	swait.ge @!p0 [sflag:s0], s1  }
0x14a: {  	s1 =	ssub.s32 @!p0 $0x0, s1;
	[sflag:s0] =	ssyncset.done @!p0 $0x0  }
0x14b: {  	[sflag:s0] =	ssyncadd.s32 @!p0 s1  }
0x14c: {  	[bflag:$0x3] =	sbarrier.arrive $0xFFFF  }
0x14d: {  	_ =	shalt  }

</sc_bundles>
